<compile_context>
chip_gen: v7x
topology: tpu7x:2x2x1
jax: 0.10.2.dev20260603
libtpu: 0.0.44.dev20260713+nightly
codegen_flags: <defaults>
</compile_context>

<pallas_src>
import functools

import jax
import jax.numpy as jnp
from jax import lax
from jax.experimental import pallas as pl
from jax.experimental.pallas import tpu as pltpu
from jax.experimental.pallas import tpu_sc as plsc

N_USERS = 100000
N_ITEMS = 100000
EMB = 64
HID = 128
P = 3
B = 4096

NC = 2
NS = 16
NW = NC * NS
BPW = B // NW

BB = 512
GRID = B // BB


def _sc_gather(user_table, item_table, u_idx, p_idx, n_idx):
    mesh = plsc.VectorSubcoreMesh(core_axis_name="c", subcore_axis_name="s")
    out = jax.ShapeDtypeStruct((B, P, HID), jnp.float32)

    @functools.partial(
        pl.kernel,
        mesh=mesh,
        out_type=(out, out, out),
        scratch_types=[
            pltpu.VMEM((BPW,), jnp.int32),
            pltpu.VMEM((BPW,), jnp.int32),
            pltpu.VMEM((BPW,), jnp.int32),
            pltpu.VMEM((BPW, P, HID), jnp.float32),
            pltpu.SemaphoreType.DMA,
        ],
    )
    def gather_kernel(ut_hbm, it_hbm, ui_hbm, pi_hbm, ni_hbm,
                      u_out, p_out, n_out,
                      uidx_v, pidx_v, nidx_v, buf, gsem):
        wid = lax.axis_index("s") * NC + lax.axis_index("c")
        sl = pl.ds(wid * BPW, BPW)
        pltpu.sync_copy(ui_hbm.at[sl], uidx_v)
        pltpu.sync_copy(pi_hbm.at[sl], pidx_v)
        pltpu.sync_copy(ni_hbm.at[sl], nidx_v)
        pltpu.async_copy(ut_hbm.at[uidx_v], buf, gsem).wait()
        pltpu.sync_copy(buf, u_out.at[sl])
        pltpu.async_copy(it_hbm.at[pidx_v], buf, gsem).wait()
        pltpu.sync_copy(buf, p_out.at[sl])
        pltpu.async_copy(it_hbm.at[nidx_v], buf, gsem).wait()
        pltpu.sync_copy(buf, n_out.at[sl])

    return gather_kernel(user_table, item_table, u_idx, p_idx, n_idx)


def _attn_math(PU, PPos, PNeg, a):
    dot = lambda x, y: jax.lax.dot(
        x, y, precision=jax.lax.Precision.HIGHEST,
        preferred_element_type=jnp.float32)
    MU = [dot(PU[k], a) for k in range(P)]

    def max3(v0, v1, v2):
        return jnp.maximum(jnp.maximum(v0, v1), v2)

    def soft3(v):
        m = max3(v[0], v[1], v[2])
        e = [jnp.exp(x - m) for x in v]
        r = 1.0 / (e[0] + e[1] + e[2])
        return [x * r for x in e]

    def pair(PI):
        M = [[jnp.sum(MU[p] * PI[q], axis=1, keepdims=True)
              for q in range(P)] for p in range(P)]
        u_att = soft3([max3(M[p][0], M[p][1], M[p][2]) for p in range(P)])
        i_att = soft3([max3(M[0][q], M[1][q], M[2][q]) for q in range(P)])
        att_u = u_att[0] * PU[0] + u_att[1] * PU[1] + u_att[2] * PU[2]
        att_i = i_att[0] * PI[0] + i_att[1] * PI[1] + i_att[2] * PI[2]
        return att_u, att_i

    pu_att, pi_att = pair(PPos)
    nu_att, ni_att = pair(PNeg)
    return pu_att, pi_att, nu_att, ni_att


def _attn_body(u_ref, p_ref, n_ref, wu_ref, wi_ref, a_ref,
               pu_ref, pi_ref, nu_ref, ni_ref):
    dot = lambda x, y: jax.lax.dot(
        x, y, precision=jax.lax.Precision.HIGHEST,
        preferred_element_type=jnp.float32)
    wu, wi = wu_ref[...], wi_ref[...]
    u, p, n = u_ref[...], p_ref[...], n_ref[...]
    PU = [dot(u[:, k, :], wu) for k in range(P)]
    PPos = [dot(p[:, k, :], wi) for k in range(P)]
    PNeg = [dot(n[:, k, :], wi) for k in range(P)]
    pu, pi, nu, ni = _attn_math(PU, PPos, PNeg, a_ref[...])
    pu_ref[...] = pu
    pi_ref[...] = pi
    nu_ref[...] = nu
    ni_ref[...] = ni


def _tc_attention(u_g, p_g, n_g, W_u, W_i, A):
    out = jax.ShapeDtypeStruct((B, EMB), jnp.float32)
    row_spec = pl.BlockSpec((BB, P, HID), lambda i: (i, 0, 0))
    full = lambda s: pl.BlockSpec(s, lambda i: (0, 0))
    return pl.pallas_call(
        _attn_body,
        grid=(GRID,),
        in_specs=[row_spec, row_spec, row_spec,
                  full((HID, EMB)), full((HID, EMB)), full((EMB, EMB))],
        out_specs=[pl.BlockSpec((BB, EMB), lambda i: (i, 0))] * 4,
        out_shape=(out, out, out, out),
    )(u_g, p_g, n_g, W_u, W_i, A)


def kernel(users, pos_items, neg_items, multi_user_embed, multi_item_embed,
           W_u, W_i, A):
    u_g, p_g, n_g = _sc_gather(multi_user_embed, multi_item_embed,
                               users.astype(jnp.int32),
                               pos_items.astype(jnp.int32),
                               neg_items.astype(jnp.int32))
    return _tc_attention(u_g, p_g, n_g, W_u, W_i, A)

# --- scband reference (transcript-rebuilt; emitter-appended) ---
"""Pipeline reference for scband-hgrec-18116172055022 (READ-ONLY COPY).

The authoritative reference and input builder live on the scoring server;
editing this copy changes nothing except your own understanding.
"""

import jax, jax.numpy as jnp
import numpy as np

N_USERS = 100000
N_ITEMS = 100000
EMB = 64
DEPTH = 1
HID = EMB * (DEPTH + 1)
P1 = 3  # number of user meta-paths
P2 = 3  # number of item meta-paths
B = 4096


def setup_inputs(seed: int = 0) -> dict:
    key = jax.random.key(seed)
    ks = jax.random.split(key, 8)
    return {
        "users": jax.random.randint(ks[0], (B,), 0, N_USERS),
        "pos_items": jax.random.randint(ks[1], (B,), 0, N_ITEMS),
        "neg_items": jax.random.randint(ks[2], (B,), 0, N_ITEMS),
        # precomputed multi-metapath GNN embeddings (output of dual_gnn_update_embed),
        # layer outputs concatenated across depth -> HID = emb_dim*(depth+1)
        "multi_user_embed": jax.random.normal(ks[3], (N_USERS, P1, HID), jnp.float32) * 0.1,
        "multi_item_embed": jax.random.normal(ks[4], (N_ITEMS, P2, HID), jnp.float32) * 0.1,
        # layer_trans_u / layer_trans_i (nn.Linear without bias, stored as [in, out])
        "W_u": jax.random.normal(ks[5], (HID, EMB), jnp.float32) * 0.05,
        "W_i": jax.random.normal(ks[6], (HID, EMB), jnp.float32) * 0.05,
        # bilinear co-attention matrix A
        "A": jax.random.normal(ks[7], (EMB, EMB), jnp.float32) * 0.1,
    }


def _co_attention_pair(u, i, W_u, W_i, A):
    # u: [B, P1, HID], i: [B, P2, HID]
    proj_u = u @ W_u  # [B, P1, EMB]
    proj_i = i @ W_i  # [B, P2, EMB]
    M_tmp = (proj_u.reshape(-1, EMB) @ A).reshape(-1, P1, EMB)
    # M_pos = bmm(M_tmp, proj_i^T) -> [B, P1, P2]
    M = jnp.einsum('bpd,bqd->bpq', M_tmp, proj_i)
    # co_attention_type == 'max'
    U_att = jax.nn.softmax(jnp.max(M, axis=2), axis=1)  # [B, P1]
    I_att = jax.nn.softmax(jnp.max(M, axis=1), axis=1)  # [B, P2]
    att_u = jnp.sum(U_att[:, :, None] * proj_u, axis=1)  # [B, EMB]
    att_i = jnp.sum(I_att[:, :, None] * proj_i, axis=1)  # [B, EMB]
    return att_u, att_i


def reference(users, pos_items, neg_items, multi_user_embed, multi_item_embed, W_u, W_i, A):
    # training-mode forward: gather per-metapath embeddings then co-attention interaction
    u_g = jnp.take(multi_user_embed, users, axis=0)       # [B, P1, HID]
    pos_i_g = jnp.take(multi_item_embed, pos_items, axis=0)  # [B, P2, HID]
    neg_i_g = jnp.take(multi_item_embed, neg_items, axis=0)  # [B, P2, HID]
    pos_u_att, pos_i_att = _co_attention_pair(u_g, pos_i_g, W_u, W_i, A)
    neg_u_att, neg_i_att = _co_attention_pair(u_g, neg_i_g, W_u, W_i, A)
    return (pos_u_att, pos_i_att, neg_u_att, neg_i_att)

if __name__ == "__main__":
    import jax
    _d = setup_inputs()
    print(jax.jit(kernel)(*tuple(_d.values())))

</pallas_src>

<mosaic_0001>
#map = affine_map<(d0, d1) -> (0, 0, 0)>
#map1 = affine_map<(d0, d1) -> (0)>
module attributes {stable_mosaic.version = 14 : i64} {
  func.func @gather_kernel(%arg0: i32, %arg1: i32, %arg2: memref<100000x3x128xf32, #tpu.memory_space<hbm>>, %arg3: memref<100000x3x128xf32, #tpu.memory_space<hbm>>, %arg4: memref<4096xi32, #tpu.memory_space<hbm>>, %arg5: memref<4096xi32, #tpu.memory_space<hbm>>, %arg6: memref<4096xi32, #tpu.memory_space<hbm>>, %arg7: memref<4096x3x128xf32, #tpu.memory_space<hbm>>, %arg8: memref<4096x3x128xf32, #tpu.memory_space<hbm>>, %arg9: memref<4096x3x128xf32, #tpu.memory_space<hbm>>, %arg10: memref<128xi32, #tpu.memory_space<vmem>>, %arg11: memref<128xi32, #tpu.memory_space<vmem>>, %arg12: memref<128xi32, #tpu.memory_space<vmem>>, %arg13: memref<128x3x128xf32, #tpu.memory_space<vmem>>, %arg14: memref<!tpu.dma_semaphore, #tpu.memory_space<semaphore_mem>>) attributes {dimension_semantics = [#tpu.dimension_semantics<core_parallel>, #tpu.dimension_semantics<subcore_parallel>], iteration_bounds = array<i64: 2, 16>, scalar_prefetch = 0 : i64, scratch_operands = 5 : i64, tpu.core_type = #tpu.core_type<sc_vector_subcore>, window_params = [{transform_indices = #map}, {transform_indices = #map}, {transform_indices = #map1}, {transform_indices = #map1}, {transform_indices = #map1}, {transform_indices = #map}, {transform_indices = #map}, {transform_indices = #map}]} {
    %mul3A = arith.constant 2 : i32
    %mul3A_0 = arith.muli %arg1, %mul3A : i32
    %add3A = arith.addi %mul3A_0, %arg0 : i32
    %mul3A_1 = arith.constant 128 : i32
    %mul3A_2 = arith.muli %add3A, %mul3A_1 : i32
    "tpu.region"() ({
      %run_scoped3A = tpu.sem_alloc : memref<!tpu.dma_semaphore, #tpu.memory_space<semaphore_mem>>
      %dma_start3A_25 = tpu.memref_slice %arg4[%mul3A_2] : memref<4096xi32, #tpu.memory_space<hbm>> -> memref<128xi32, #tpu.memory_space<hbm>>
      %dma_start3A_26 = tpu.memref_slice %arg4[%mul3A_2] : memref<4096xi32, #tpu.memory_space<hbm>> -> memref<128xi32, #tpu.memory_space<hbm>>
      tpu.enqueue_dma source(%dma_start3A_26 : memref<128xi32, #tpu.memory_space<hbm>>) target(%arg10 : memref<128xi32, #tpu.memory_space<vmem>>) target_semaphore(%run_scoped3A : memref<!tpu.dma_semaphore, #tpu.memory_space<semaphore_mem>>)
      %dma_wait3A_27 = tpu.memref_slice %arg4[%mul3A_2] : memref<4096xi32, #tpu.memory_space<hbm>> -> memref<128xi32, #tpu.memory_space<hbm>>
      %dma_wait3A_28 = tpu.memref_slice %arg4[%mul3A_2] : memref<4096xi32, #tpu.memory_space<hbm>> -> memref<128xi32, #tpu.memory_space<hbm>>
      tpu.wait_dma2 semaphore(%run_scoped3A : memref<!tpu.dma_semaphore, #tpu.memory_space<semaphore_mem>>) src(%dma_wait3A_28 : memref<128xi32, #tpu.memory_space<hbm>>) dst(%arg10 : memref<128xi32, #tpu.memory_space<vmem>>)
      tpu.yield
    }) : () -> ()
    "tpu.region"() ({
      %run_scoped3A = tpu.sem_alloc : memref<!tpu.dma_semaphore, #tpu.memory_space<semaphore_mem>>
      %dma_start3A_25 = tpu.memref_slice %arg5[%mul3A_2] : memref<4096xi32, #tpu.memory_space<hbm>> -> memref<128xi32, #tpu.memory_space<hbm>>
      %dma_start3A_26 = tpu.memref_slice %arg5[%mul3A_2] : memref<4096xi32, #tpu.memory_space<hbm>> -> memref<128xi32, #tpu.memory_space<hbm>>
      tpu.enqueue_dma source(%dma_start3A_26 : memref<128xi32, #tpu.memory_space<hbm>>) target(%arg11 : memref<128xi32, #tpu.memory_space<vmem>>) target_semaphore(%run_scoped3A : memref<!tpu.dma_semaphore, #tpu.memory_space<semaphore_mem>>)
      %dma_wait3A_27 = tpu.memref_slice %arg5[%mul3A_2] : memref<4096xi32, #tpu.memory_space<hbm>> -> memref<128xi32, #tpu.memory_space<hbm>>
      %dma_wait3A_28 = tpu.memref_slice %arg5[%mul3A_2] : memref<4096xi32, #tpu.memory_space<hbm>> -> memref<128xi32, #tpu.memory_space<hbm>>
      tpu.wait_dma2 semaphore(%run_scoped3A : memref<!tpu.dma_semaphore, #tpu.memory_space<semaphore_mem>>) src(%dma_wait3A_28 : memref<128xi32, #tpu.memory_space<hbm>>) dst(%arg11 : memref<128xi32, #tpu.memory_space<vmem>>)
      tpu.yield
    }) : () -> ()
    "tpu.region"() ({
      %run_scoped3A = tpu.sem_alloc : memref<!tpu.dma_semaphore, #tpu.memory_space<semaphore_mem>>
      %dma_start3A_25 = tpu.memref_slice %arg6[%mul3A_2] : memref<4096xi32, #tpu.memory_space<hbm>> -> memref<128xi32, #tpu.memory_space<hbm>>
      %dma_start3A_26 = tpu.memref_slice %arg6[%mul3A_2] : memref<4096xi32, #tpu.memory_space<hbm>> -> memref<128xi32, #tpu.memory_space<hbm>>
      tpu.enqueue_dma source(%dma_start3A_26 : memref<128xi32, #tpu.memory_space<hbm>>) target(%arg12 : memref<128xi32, #tpu.memory_space<vmem>>) target_semaphore(%run_scoped3A : memref<!tpu.dma_semaphore, #tpu.memory_space<semaphore_mem>>)
      %dma_wait3A_27 = tpu.memref_slice %arg6[%mul3A_2] : memref<4096xi32, #tpu.memory_space<hbm>> -> memref<128xi32, #tpu.memory_space<hbm>>
      %dma_wait3A_28 = tpu.memref_slice %arg6[%mul3A_2] : memref<4096xi32, #tpu.memory_space<hbm>> -> memref<128xi32, #tpu.memory_space<hbm>>
      tpu.wait_dma2 semaphore(%run_scoped3A : memref<!tpu.dma_semaphore, #tpu.memory_space<semaphore_mem>>) src(%dma_wait3A_28 : memref<128xi32, #tpu.memory_space<hbm>>) dst(%arg12 : memref<128xi32, #tpu.memory_space<vmem>>)
      tpu.yield
    }) : () -> ()
    %dma_start3A = arith.constant 0 : i32
    %dma_start3A_3 = arith.constant 0 : i32
    %dma_start3A_4 = arith.constant 0 : i32
    %dma_start3A_5 = tpu.memref_slice %arg2[%dma_start3A, %dma_start3A_3, %dma_start3A_4] : memref<100000x3x128xf32, #tpu.memory_space<hbm>> -> memref<100000x3x128xf32, #tpu.memory_space<hbm>>
    tpu.enqueue_indirect_dma source(%dma_start3A_5 : memref<100000x3x128xf32, #tpu.memory_space<hbm>>) target(%arg13 : memref<128x3x128xf32, #tpu.memory_space<vmem>>) offsets(%arg10 : memref<128xi32, #tpu.memory_space<vmem>>) semaphore(%arg14 : memref<!tpu.dma_semaphore, #tpu.memory_space<semaphore_mem>>)
    %dma_wait3A = arith.constant 0 : i32
    %dma_wait3A_6 = arith.constant 0 : i32
    %dma_wait3A_7 = arith.constant 0 : i32
    %dma_wait3A_8 = tpu.memref_slice %arg2[%dma_wait3A, %dma_wait3A_6, %dma_wait3A_7] : memref<100000x3x128xf32, #tpu.memory_space<hbm>> -> memref<100000x3x128xf32, #tpu.memory_space<hbm>>
    tpu.wait_indirect_dma semaphore(%arg14 : memref<!tpu.dma_semaphore, #tpu.memory_space<semaphore_mem>>) src(%dma_wait3A_8 : memref<100000x3x128xf32, #tpu.memory_space<hbm>>) dst(%arg13 : memref<128x3x128xf32, #tpu.memory_space<vmem>>)
    "tpu.region"() ({
      %run_scoped3A = tpu.sem_alloc : memref<!tpu.dma_semaphore, #tpu.memory_space<semaphore_mem>>
      %dma_start3A_25 = arith.constant 0 : i32
      %dma_start3A_26 = arith.constant 0 : i32
      %dma_start3A_27 = tpu.memref_slice %arg7[%mul3A_2, %dma_start3A_25, %dma_start3A_26] : memref<4096x3x128xf32, #tpu.memory_space<hbm>> -> memref<128x3x128xf32, #tpu.memory_space<hbm>>
      %dma_start3A_28 = arith.constant 0 : i32
      %dma_start3A_29 = arith.constant 0 : i32
      %dma_start3A_30 = tpu.memref_slice %arg7[%mul3A_2, %dma_start3A_28, %dma_start3A_29] : memref<4096x3x128xf32, #tpu.memory_space<hbm>> -> memref<128x3x128xf32, #tpu.memory_space<hbm>>
      tpu.enqueue_dma source(%arg13 : memref<128x3x128xf32, #tpu.memory_space<vmem>>) target(%dma_start3A_30 : memref<128x3x128xf32, #tpu.memory_space<hbm>>) target_semaphore(%run_scoped3A : memref<!tpu.dma_semaphore, #tpu.memory_space<semaphore_mem>>)
      %dma_wait3A_31 = arith.constant 0 : i32
      %dma_wait3A_32 = arith.constant 0 : i32
      %dma_wait3A_33 = tpu.memref_slice %arg7[%mul3A_2, %dma_wait3A_31, %dma_wait3A_32] : memref<4096x3x128xf32, #tpu.memory_space<hbm>> -> memref<128x3x128xf32, #tpu.memory_space<hbm>>
      %dma_wait3A_34 = arith.constant 0 : i32
      %dma_wait3A_35 = arith.constant 0 : i32
      %dma_wait3A_36 = tpu.memref_slice %arg7[%mul3A_2, %dma_wait3A_34, %dma_wait3A_35] : memref<4096x3x128xf32, #tpu.memory_space<hbm>> -> memref<128x3x128xf32, #tpu.memory_space<hbm>>
      tpu.wait_dma2 semaphore(%run_scoped3A : memref<!tpu.dma_semaphore, #tpu.memory_space<semaphore_mem>>) src(%arg13 : memref<128x3x128xf32, #tpu.memory_space<vmem>>) dst(%dma_wait3A_36 : memref<128x3x128xf32, #tpu.memory_space<hbm>>)
      tpu.yield
    }) : () -> ()
    %dma_start3A_9 = arith.constant 0 : i32
    %dma_start3A_10 = arith.constant 0 : i32
    %dma_start3A_11 = arith.constant 0 : i32
    %dma_start3A_12 = tpu.memref_slice %arg3[%dma_start3A_9, %dma_start3A_10, %dma_start3A_11] : memref<100000x3x128xf32, #tpu.memory_space<hbm>> -> memref<100000x3x128xf32, #tpu.memory_space<hbm>>
    tpu.enqueue_indirect_dma source(%dma_start3A_12 : memref<100000x3x128xf32, #tpu.memory_space<hbm>>) target(%arg13 : memref<128x3x128xf32, #tpu.memory_space<vmem>>) offsets(%arg11 : memref<128xi32, #tpu.memory_space<vmem>>) semaphore(%arg14 : memref<!tpu.dma_semaphore, #tpu.memory_space<semaphore_mem>>)
    %dma_wait3A_13 = arith.constant 0 : i32
    %dma_wait3A_14 = arith.constant 0 : i32
    %dma_wait3A_15 = arith.constant 0 : i32
    %dma_wait3A_16 = tpu.memref_slice %arg3[%dma_wait3A_13, %dma_wait3A_14, %dma_wait3A_15] : memref<100000x3x128xf32, #tpu.memory_space<hbm>> -> memref<100000x3x128xf32, #tpu.memory_space<hbm>>
    tpu.wait_indirect_dma semaphore(%arg14 : memref<!tpu.dma_semaphore, #tpu.memory_space<semaphore_mem>>) src(%dma_wait3A_16 : memref<100000x3x128xf32, #tpu.memory_space<hbm>>) dst(%arg13 : memref<128x3x128xf32, #tpu.memory_space<vmem>>)
    "tpu.region"() ({
      %run_scoped3A = tpu.sem_alloc : memref<!tpu.dma_semaphore, #tpu.memory_space<semaphore_mem>>
      %dma_start3A_25 = arith.constant 0 : i32
      %dma_start3A_26 = arith.constant 0 : i32
      %dma_start3A_27 = tpu.memref_slice %arg8[%mul3A_2, %dma_start3A_25, %dma_start3A_26] : memref<4096x3x128xf32, #tpu.memory_space<hbm>> -> memref<128x3x128xf32, #tpu.memory_space<hbm>>
      %dma_start3A_28 = arith.constant 0 : i32
      %dma_start3A_29 = arith.constant 0 : i32
      %dma_start3A_30 = tpu.memref_slice %arg8[%mul3A_2, %dma_start3A_28, %dma_start3A_29] : memref<4096x3x128xf32, #tpu.memory_space<hbm>> -> memref<128x3x128xf32, #tpu.memory_space<hbm>>
      tpu.enqueue_dma source(%arg13 : memref<128x3x128xf32, #tpu.memory_space<vmem>>) target(%dma_start3A_30 : memref<128x3x128xf32, #tpu.memory_space<hbm>>) target_semaphore(%run_scoped3A : memref<!tpu.dma_semaphore, #tpu.memory_space<semaphore_mem>>)
      %dma_wait3A_31 = arith.constant 0 : i32
      %dma_wait3A_32 = arith.constant 0 : i32
      %dma_wait3A_33 = tpu.memref_slice %arg8[%mul3A_2, %dma_wait3A_31, %dma_wait3A_32] : memref<4096x3x128xf32, #tpu.memory_space<hbm>> -> memref<128x3x128xf32, #tpu.memory_space<hbm>>
      %dma_wait3A_34 = arith.constant 0 : i32
      %dma_wait3A_35 = arith.constant 0 : i32
      %dma_wait3A_36 = tpu.memref_slice %arg8[%mul3A_2, %dma_wait3A_34, %dma_wait3A_35] : memref<4096x3x128xf32, #tpu.memory_space<hbm>> -> memref<128x3x128xf32, #tpu.memory_space<hbm>>
      tpu.wait_dma2 semaphore(%run_scoped3A : memref<!tpu.dma_semaphore, #tpu.memory_space<semaphore_mem>>) src(%arg13 : memref<128x3x128xf32, #tpu.memory_space<vmem>>) dst(%dma_wait3A_36 : memref<128x3x128xf32, #tpu.memory_space<hbm>>)
      tpu.yield
    }) : () -> ()
    %dma_start3A_17 = arith.constant 0 : i32
    %dma_start3A_18 = arith.constant 0 : i32
    %dma_start3A_19 = arith.constant 0 : i32
    %dma_start3A_20 = tpu.memref_slice %arg3[%dma_start3A_17, %dma_start3A_18, %dma_start3A_19] : memref<100000x3x128xf32, #tpu.memory_space<hbm>> -> memref<100000x3x128xf32, #tpu.memory_space<hbm>>
    tpu.enqueue_indirect_dma source(%dma_start3A_20 : memref<100000x3x128xf32, #tpu.memory_space<hbm>>) target(%arg13 : memref<128x3x128xf32, #tpu.memory_space<vmem>>) offsets(%arg12 : memref<128xi32, #tpu.memory_space<vmem>>) semaphore(%arg14 : memref<!tpu.dma_semaphore, #tpu.memory_space<semaphore_mem>>)
    %dma_wait3A_21 = arith.constant 0 : i32
    %dma_wait3A_22 = arith.constant 0 : i32
    %dma_wait3A_23 = arith.constant 0 : i32
    %dma_wait3A_24 = tpu.memref_slice %arg3[%dma_wait3A_21, %dma_wait3A_22, %dma_wait3A_23] : memref<100000x3x128xf32, #tpu.memory_space<hbm>> -> memref<100000x3x128xf32, #tpu.memory_space<hbm>>
    tpu.wait_indirect_dma semaphore(%arg14 : memref<!tpu.dma_semaphore, #tpu.memory_space<semaphore_mem>>) src(%dma_wait3A_24 : memref<100000x3x128xf32, #tpu.memory_space<hbm>>) dst(%arg13 : memref<128x3x128xf32, #tpu.memory_space<vmem>>)
    "tpu.region"() ({
      %run_scoped3A = tpu.sem_alloc : memref<!tpu.dma_semaphore, #tpu.memory_space<semaphore_mem>>
      %dma_start3A_25 = arith.constant 0 : i32
      %dma_start3A_26 = arith.constant 0 : i32
      %dma_start3A_27 = tpu.memref_slice %arg9[%mul3A_2, %dma_start3A_25, %dma_start3A_26] : memref<4096x3x128xf32, #tpu.memory_space<hbm>> -> memref<128x3x128xf32, #tpu.memory_space<hbm>>
      %dma_start3A_28 = arith.constant 0 : i32
      %dma_start3A_29 = arith.constant 0 : i32
      %dma_start3A_30 = tpu.memref_slice %arg9[%mul3A_2, %dma_start3A_28, %dma_start3A_29] : memref<4096x3x128xf32, #tpu.memory_space<hbm>> -> memref<128x3x128xf32, #tpu.memory_space<hbm>>
      tpu.enqueue_dma source(%arg13 : memref<128x3x128xf32, #tpu.memory_space<vmem>>) target(%dma_start3A_30 : memref<128x3x128xf32, #tpu.memory_space<hbm>>) target_semaphore(%run_scoped3A : memref<!tpu.dma_semaphore, #tpu.memory_space<semaphore_mem>>)
      %dma_wait3A_31 = arith.constant 0 : i32
      %dma_wait3A_32 = arith.constant 0 : i32
      %dma_wait3A_33 = tpu.memref_slice %arg9[%mul3A_2, %dma_wait3A_31, %dma_wait3A_32] : memref<4096x3x128xf32, #tpu.memory_space<hbm>> -> memref<128x3x128xf32, #tpu.memory_space<hbm>>
      %dma_wait3A_34 = arith.constant 0 : i32
      %dma_wait3A_35 = arith.constant 0 : i32
      %dma_wait3A_36 = tpu.memref_slice %arg9[%mul3A_2, %dma_wait3A_34, %dma_wait3A_35] : memref<4096x3x128xf32, #tpu.memory_space<hbm>> -> memref<128x3x128xf32, #tpu.memory_space<hbm>>
      tpu.wait_dma2 semaphore(%run_scoped3A : memref<!tpu.dma_semaphore, #tpu.memory_space<semaphore_mem>>) src(%arg13 : memref<128x3x128xf32, #tpu.memory_space<vmem>>) dst(%dma_wait3A_36 : memref<128x3x128xf32, #tpu.memory_space<hbm>>)
      tpu.yield
    }) : () -> ()
    return
  }
}

module attributes {stable_mosaic.version = 14 : i64} {
  func.func @_attn_body(%arg0: i32, %arg1: memref<512x3x128xf32, #tpu.memory_space<vmem>>, %arg2: memref<512x3x128xf32, #tpu.memory_space<vmem>>, %arg3: memref<512x3x128xf32, #tpu.memory_space<vmem>>, %arg4: memref<128x64xf32, #tpu.memory_space<vmem>>, %arg5: memref<128x64xf32, #tpu.memory_space<vmem>>, %arg6: memref<64x64xf32, #tpu.memory_space<vmem>>, %arg7: memref<512x64xf32, #tpu.memory_space<vmem>>, %arg8: memref<512x64xf32, #tpu.memory_space<vmem>>, %arg9: memref<512x64xf32, #tpu.memory_space<vmem>>, %arg10: memref<512x64xf32, #tpu.memory_space<vmem>>) attributes {dimension_semantics = [#tpu.dimension_semantics<arbitrary>], iteration_bounds = array<i64: 8>, scalar_prefetch = 0 : i64, scratch_operands = 0 : i64, tpu.core_type = #tpu.core_type<tc>, window_params = [{transform_indices = @transform_0, window_bounds = array<i64: 512, 3, 128>}, {transform_indices = @transform_1, window_bounds = array<i64: 512, 3, 128>}, {transform_indices = @transform_2, window_bounds = array<i64: 512, 3, 128>}, {pipeline_mode = #tpu.pipeline_mode<synchronous>, transform_indices = @transform_3, window_bounds = array<i64: 128, 64>}, {pipeline_mode = #tpu.pipeline_mode<synchronous>, transform_indices = @transform_4, window_bounds = array<i64: 128, 64>}, {pipeline_mode = #tpu.pipeline_mode<synchronous>, transform_indices = @transform_5, window_bounds = array<i64: 64, 64>}, {transform_indices = @transform_6, window_bounds = array<i64: 512, 64>}, {transform_indices = @transform_7, window_bounds = array<i64: 512, 64>}, {transform_indices = @transform_8, window_bounds = array<i64: 512, 64>}, {transform_indices = @transform_9, window_bounds = array<i64: 512, 64>}]} {
    %get3A = arith.constant 0 : index
    %get3A_0 = arith.constant 0 : index
    %get3A_1 = vector.load %arg4[%get3A, %get3A_0] : memref<128x64xf32, #tpu.memory_space<vmem>>, vector<128x64xf32>
    %get3A_2 = arith.constant 0 : index
    %get3A_3 = arith.constant 0 : index
    %get3A_4 = vector.load %arg5[%get3A_2, %get3A_3] : memref<128x64xf32, #tpu.memory_space<vmem>>, vector<128x64xf32>
    %get3A_5 = arith.constant 0 : index
    %get3A_6 = arith.constant 0 : index
    %get3A_7 = arith.constant 0 : index
    %get3A_8 = vector.load %arg1[%get3A_5, %get3A_6, %get3A_7] : memref<512x3x128xf32, #tpu.memory_space<vmem>>, vector<512x3x128xf32>
    %get3A_9 = arith.constant 0 : index
    %get3A_10 = arith.constant 0 : index
    %get3A_11 = arith.constant 0 : index
    %get3A_12 = vector.load %arg2[%get3A_9, %get3A_10, %get3A_11] : memref<512x3x128xf32, #tpu.memory_space<vmem>>, vector<512x3x128xf32>
    %get3A_13 = arith.constant 0 : index
    %get3A_14 = arith.constant 0 : index
    %get3A_15 = arith.constant 0 : index
    %get3A_16 = vector.load %arg3[%get3A_13, %get3A_14, %get3A_15] : memref<512x3x128xf32, #tpu.memory_space<vmem>>, vector<512x3x128xf32>
    %slice3A = vector.extract_strided_slice %get3A_8 {offsets = [0, 0, 0], sizes = [512, 1, 128], strides = [1, 1, 1]} : vector<512x3x128xf32> to vector<512x1x128xf32>
    %squeeze3A = vector.shape_cast %slice3A : vector<512x1x128xf32> to vector<512x128xf32>
    %dot_general3A = arith.constant dense<0.000000e+00> : vector<512x64xf32>
    %dot_general3A_17 = tpu.matmul %squeeze3A, %get3A_1, %dot_general3A {dimension_numbers = #tpu.dot_dimension_numbers<[1], [0], [0], [1], [0, 0, 1, 1], [], []>, precision = #tpu.contract_precision<fp32>, transpose_lhs_hint = false} : vector<512x128xf32>, vector<128x64xf32>, vector<512x64xf32> -> vector<512x64xf32>
    %slice3A_18 = vector.extract_strided_slice %get3A_8 {offsets = [0, 1, 0], sizes = [512, 1, 128], strides = [1, 1, 1]} : vector<512x3x128xf32> to vector<512x1x128xf32>
    %squeeze3A_19 = vector.shape_cast %slice3A_18 : vector<512x1x128xf32> to vector<512x128xf32>
    %dot_general3A_20 = arith.constant dense<0.000000e+00> : vector<512x64xf32>
    %dot_general3A_21 = tpu.matmul %squeeze3A_19, %get3A_1, %dot_general3A_20 {dimension_numbers = #tpu.dot_dimension_numbers<[1], [0], [0], [1], [0, 0, 1, 1], [], []>, precision = #tpu.contract_precision<fp32>, transpose_lhs_hint = false} : vector<512x128xf32>, vector<128x64xf32>, vector<512x64xf32> -> vector<512x64xf32>
    %slice3A_22 = vector.extract_strided_slice %get3A_8 {offsets = [0, 2, 0], sizes = [512, 1, 128], strides = [1, 1, 1]} : vector<512x3x128xf32> to vector<512x1x128xf32>
    %squeeze3A_23 = vector.shape_cast %slice3A_22 : vector<512x1x128xf32> to vector<512x128xf32>
    %dot_general3A_24 = arith.constant dense<0.000000e+00> : vector<512x64xf32>
    %dot_general3A_25 = tpu.matmul %squeeze3A_23, %get3A_1, %dot_general3A_24 {dimension_numbers = #tpu.dot_dimension_numbers<[1], [0], [0], [1], [0, 0, 1, 1], [], []>, precision = #tpu.contract_precision<fp32>, transpose_lhs_hint = false} : vector<512x128xf32>, vector<128x64xf32>, vector<512x64xf32> -> vector<512x64xf32>
    %slice3A_26 = vector.extract_strided_slice %get3A_12 {offsets = [0, 0, 0], sizes = [512, 1, 128], strides = [1, 1, 1]} : vector<512x3x128xf32> to vector<512x1x128xf32>
    %squeeze3A_27 = vector.shape_cast %slice3A_26 : vector<512x1x128xf32> to vector<512x128xf32>
    %dot_general3A_28 = arith.constant dense<0.000000e+00> : vector<512x64xf32>
    %dot_general3A_29 = tpu.matmul %squeeze3A_27, %get3A_4, %dot_general3A_28 {dimension_numbers = #tpu.dot_dimension_numbers<[1], [0], [0], [1], [0, 0, 1, 1], [], []>, precision = #tpu.contract_precision<fp32>, transpose_lhs_hint = false} : vector<512x128xf32>, vector<128x64xf32>, vector<512x64xf32> -> vector<512x64xf32>
    %slice3A_30 = vector.extract_strided_slice %get3A_12 {offsets = [0, 1, 0], sizes = [512, 1, 128], strides = [1, 1, 1]} : vector<512x3x128xf32> to vector<512x1x128xf32>
    %squeeze3A_31 = vector.shape_cast %slice3A_30 : vector<512x1x128xf32> to vector<512x128xf32>
    %dot_general3A_32 = arith.constant dense<0.000000e+00> : vector<512x64xf32>
    %dot_general3A_33 = tpu.matmul %squeeze3A_31, %get3A_4, %dot_general3A_32 {dimension_numbers = #tpu.dot_dimension_numbers<[1], [0], [0], [1], [0, 0, 1, 1], [], []>, precision = #tpu.contract_precision<fp32>, transpose_lhs_hint = false} : vector<512x128xf32>, vector<128x64xf32>, vector<512x64xf32> -> vector<512x64xf32>
    %slice3A_34 = vector.extract_strided_slice %get3A_12 {offsets = [0, 2, 0], sizes = [512, 1, 128], strides = [1, 1, 1]} : vector<512x3x128xf32> to vector<512x1x128xf32>
    %squeeze3A_35 = vector.shape_cast %slice3A_34 : vector<512x1x128xf32> to vector<512x128xf32>
    %dot_general3A_36 = arith.constant dense<0.000000e+00> : vector<512x64xf32>
    %dot_general3A_37 = tpu.matmul %squeeze3A_35, %get3A_4, %dot_general3A_36 {dimension_numbers = #tpu.dot_dimension_numbers<[1], [0], [0], [1], [0, 0, 1, 1], [], []>, precision = #tpu.contract_precision<fp32>, transpose_lhs_hint = false} : vector<512x128xf32>, vector<128x64xf32>, vector<512x64xf32> -> vector<512x64xf32>
    %slice3A_38 = vector.extract_strided_slice %get3A_16 {offsets = [0, 0, 0], sizes = [512, 1, 128], strides = [1, 1, 1]} : vector<512x3x128xf32> to vector<512x1x128xf32>
    %squeeze3A_39 = vector.shape_cast %slice3A_38 : vector<512x1x128xf32> to vector<512x128xf32>
    %dot_general3A_40 = arith.constant dense<0.000000e+00> : vector<512x64xf32>
    %dot_general3A_41 = tpu.matmul %squeeze3A_39, %get3A_4, %dot_general3A_40 {dimension_numbers = #tpu.dot_dimension_numbers<[1], [0], [0], [1], [0, 0, 1, 1], [], []>, precision = #tpu.contract_precision<fp32>, transpose_lhs_hint = false} : vector<512x128xf32>, vector<128x64xf32>, vector<512x64xf32> -> vector<512x64xf32>
    %slice3A_42 = vector.extract_strided_slice %get3A_16 {offsets = [0, 1, 0], sizes = [512, 1, 128], strides = [1, 1, 1]} : vector<512x3x128xf32> to vector<512x1x128xf32>
    %squeeze3A_43 = vector.shape_cast %slice3A_42 : vector<512x1x128xf32> to vector<512x128xf32>
    %dot_general3A_44 = arith.constant dense<0.000000e+00> : vector<512x64xf32>
    %dot_general3A_45 = tpu.matmul %squeeze3A_43, %get3A_4, %dot_general3A_44 {dimension_numbers = #tpu.dot_dimension_numbers<[1], [0], [0], [1], [0, 0, 1, 1], [], []>, precision = #tpu.contract_precision<fp32>, transpose_lhs_hint = false} : vector<512x128xf32>, vector<128x64xf32>, vector<512x64xf32> -> vector<512x64xf32>
    %slice3A_46 = vector.extract_strided_slice %get3A_16 {offsets = [0, 2, 0], sizes = [512, 1, 128], strides = [1, 1, 1]} : vector<512x3x128xf32> to vector<512x1x128xf32>
    %squeeze3A_47 = vector.shape_cast %slice3A_46 : vector<512x1x128xf32> to vector<512x128xf32>
    %dot_general3A_48 = arith.constant dense<0.000000e+00> : vector<512x64xf32>
    %dot_general3A_49 = tpu.matmul %squeeze3A_47, %get3A_4, %dot_general3A_48 {dimension_numbers = #tpu.dot_dimension_numbers<[1], [0], [0], [1], [0, 0, 1, 1], [], []>, precision = #tpu.contract_precision<fp32>, transpose_lhs_hint = false} : vector<512x128xf32>, vector<128x64xf32>, vector<512x64xf32> -> vector<512x64xf32>
    %get3A_50 = arith.constant 0 : index
    %get3A_51 = arith.constant 0 : index
    %get3A_52 = vector.load %arg6[%get3A_50, %get3A_51] : memref<64x64xf32, #tpu.memory_space<vmem>>, vector<64x64xf32>
    %dot_general3A_53 = arith.constant dense<0.000000e+00> : vector<512x64xf32>
    %dot_general3A_54 = tpu.matmul %dot_general3A_17, %get3A_52, %dot_general3A_53 {dimension_numbers = #tpu.dot_dimension_numbers<[1], [0], [0], [1], [0, 0, 1, 1], [], []>, precision = #tpu.contract_precision<fp32>, transpose_lhs_hint = false} : vector<512x64xf32>, vector<64x64xf32>, vector<512x64xf32> -> vector<512x64xf32>
    %dot_general3A_55 = arith.constant dense<0.000000e+00> : vector<512x64xf32>
    %dot_general3A_56 = tpu.matmul %dot_general3A_21, %get3A_52, %dot_general3A_55 {dimension_numbers = #tpu.dot_dimension_numbers<[1], [0], [0], [1], [0, 0, 1, 1], [], []>, precision = #tpu.contract_precision<fp32>, transpose_lhs_hint = false} : vector<512x64xf32>, vector<64x64xf32>, vector<512x64xf32> -> vector<512x64xf32>
    %dot_general3A_57 = arith.constant dense<0.000000e+00> : vector<512x64xf32>
    %dot_general3A_58 = tpu.matmul %dot_general3A_25, %get3A_52, %dot_general3A_57 {dimension_numbers = #tpu.dot_dimension_numbers<[1], [0], [0], [1], [0, 0, 1, 1], [], []>, precision = #tpu.contract_precision<fp32>, transpose_lhs_hint = false} : vector<512x64xf32>, vector<64x64xf32>, vector<512x64xf32> -> vector<512x64xf32>
    %mul3A = arith.mulf %dot_general3A_54, %dot_general3A_29 : vector<512x64xf32>
    %reduce_sum3A = arith.constant dense<0.000000e+00> : vector<512xf32>
    %reduce_sum3A_59 = vector.multi_reduction <add>, %mul3A, %reduce_sum3A [1] : vector<512x64xf32> to vector<512xf32>
    %broadcast_in_dim3A = vector.shape_cast %reduce_sum3A_59 : vector<512xf32> to vector<512x1xf32>
    %mul3A_60 = arith.mulf %dot_general3A_54, %dot_general3A_33 : vector<512x64xf32>
    %reduce_sum3A_61 = arith.constant dense<0.000000e+00> : vector<512xf32>
    %reduce_sum3A_62 = vector.multi_reduction <add>, %mul3A_60, %reduce_sum3A_61 [1] : vector<512x64xf32> to vector<512xf32>
    %broadcast_in_dim3A_63 = vector.shape_cast %reduce_sum3A_62 : vector<512xf32> to vector<512x1xf32>
    %mul3A_64 = arith.mulf %dot_general3A_54, %dot_general3A_37 : vector<512x64xf32>
    %reduce_sum3A_65 = arith.constant dense<0.000000e+00> : vector<512xf32>
    %reduce_sum3A_66 = vector.multi_reduction <add>, %mul3A_64, %reduce_sum3A_65 [1] : vector<512x64xf32> to vector<512xf32>
    %broadcast_in_dim3A_67 = vector.shape_cast %reduce_sum3A_66 : vector<512xf32> to vector<512x1xf32>
    %mul3A_68 = arith.mulf %dot_general3A_56, %dot_general3A_29 : vector<512x64xf32>
    %reduce_sum3A_69 = arith.constant dense<0.000000e+00> : vector<512xf32>
    %reduce_sum3A_70 = vector.multi_reduction <add>, %mul3A_68, %reduce_sum3A_69 [1] : vector<512x64xf32> to vector<512xf32>
    %broadcast_in_dim3A_71 = vector.shape_cast %reduce_sum3A_70 : vector<512xf32> to vector<512x1xf32>
    %mul3A_72 = arith.mulf %dot_general3A_56, %dot_general3A_33 : vector<512x64xf32>
    %reduce_sum3A_73 = arith.constant dense<0.000000e+00> : vector<512xf32>
    %reduce_sum3A_74 = vector.multi_reduction <add>, %mul3A_72, %reduce_sum3A_73 [1] : vector<512x64xf32> to vector<512xf32>
    %broadcast_in_dim3A_75 = vector.shape_cast %reduce_sum3A_74 : vector<512xf32> to vector<512x1xf32>
    %mul3A_76 = arith.mulf %dot_general3A_56, %dot_general3A_37 : vector<512x64xf32>
    %reduce_sum3A_77 = arith.constant dense<0.000000e+00> : vector<512xf32>
    %reduce_sum3A_78 = vector.multi_reduction <add>, %mul3A_76, %reduce_sum3A_77 [1] : vector<512x64xf32> to vector<512xf32>
    %broadcast_in_dim3A_79 = vector.shape_cast %reduce_sum3A_78 : vector<512xf32> to vector<512x1xf32>
    %mul3A_80 = arith.mulf %dot_general3A_58, %dot_general3A_29 : vector<512x64xf32>
    %reduce_sum3A_81 = arith.constant dense<0.000000e+00> : vector<512xf32>
    %reduce_sum3A_82 = vector.multi_reduction <add>, %mul3A_80, %reduce_sum3A_81 [1] : vector<512x64xf32> to vector<512xf32>
    %broadcast_in_dim3A_83 = vector.shape_cast %reduce_sum3A_82 : vector<512xf32> to vector<512x1xf32>
    %mul3A_84 = arith.mulf %dot_general3A_58, %dot_general3A_33 : vector<512x64xf32>
    %reduce_sum3A_85 = arith.constant dense<0.000000e+00> : vector<512xf32>
    %reduce_sum3A_86 = vector.multi_reduction <add>, %mul3A_84, %reduce_sum3A_85 [1] : vector<512x64xf32> to vector<512xf32>
    %broadcast_in_dim3A_87 = vector.shape_cast %reduce_sum3A_86 : vector<512xf32> to vector<512x1xf32>
    %mul3A_88 = arith.mulf %dot_general3A_58, %dot_general3A_37 : vector<512x64xf32>
    %reduce_sum3A_89 = arith.constant dense<0.000000e+00> : vector<512xf32>
    %reduce_sum3A_90 = vector.multi_reduction <add>, %mul3A_88, %reduce_sum3A_89 [1] : vector<512x64xf32> to vector<512xf32>
    %broadcast_in_dim3A_91 = vector.shape_cast %reduce_sum3A_90 : vector<512xf32> to vector<512x1xf32>
    %max3A = arith.maximumf %broadcast_in_dim3A, %broadcast_in_dim3A_63 : vector<512x1xf32>
    %max3A_92 = arith.maximumf %max3A, %broadcast_in_dim3A_67 : vector<512x1xf32>
    %max3A_93 = arith.maximumf %broadcast_in_dim3A_71, %broadcast_in_dim3A_75 : vector<512x1xf32>
    %max3A_94 = arith.maximumf %max3A_93, %broadcast_in_dim3A_79 : vector<512x1xf32>
    %max3A_95 = arith.maximumf %broadcast_in_dim3A_83, %broadcast_in_dim3A_87 : vector<512x1xf32>
    %max3A_96 = arith.maximumf %max3A_95, %broadcast_in_dim3A_91 : vector<512x1xf32>
    %max3A_97 = arith.maximumf %max3A_92, %max3A_94 : vector<512x1xf32>
    %max3A_98 = arith.maximumf %max3A_97, %max3A_96 : vector<512x1xf32>
    %sub3A = arith.subf %max3A_92, %max3A_98 : vector<512x1xf32>
    %exp3A = math.exp %sub3A : vector<512x1xf32>
    %sub3A_99 = arith.subf %max3A_94, %max3A_98 : vector<512x1xf32>
    %exp3A_100 = math.exp %sub3A_99 : vector<512x1xf32>
    %sub3A_101 = arith.subf %max3A_96, %max3A_98 : vector<512x1xf32>
    %exp3A_102 = math.exp %sub3A_101 : vector<512x1xf32>
    %add3A = arith.addf %exp3A, %exp3A_100 : vector<512x1xf32>
    %add3A_103 = arith.addf %add3A, %exp3A_102 : vector<512x1xf32>
    %div3A = arith.constant 1.000000e+00 : f32
    %div3A_104 = vector.broadcast %div3A : f32 to vector<512x1xf32>
    %div3A_105 = arith.divf %div3A_104, %add3A_103 : vector<512x1xf32>
    %mul3A_106 = arith.mulf %exp3A, %div3A_105 : vector<512x1xf32>
    %mul3A_107 = arith.mulf %exp3A_100, %div3A_105 : vector<512x1xf32>
    %mul3A_108 = arith.mulf %exp3A_102, %div3A_105 : vector<512x1xf32>
    %max3A_109 = arith.maximumf %broadcast_in_dim3A, %broadcast_in_dim3A_71 : vector<512x1xf32>
    %max3A_110 = arith.maximumf %max3A_109, %broadcast_in_dim3A_83 : vector<512x1xf32>
    %max3A_111 = arith.maximumf %broadcast_in_dim3A_63, %broadcast_in_dim3A_75 : vector<512x1xf32>
    %max3A_112 = arith.maximumf %max3A_111, %broadcast_in_dim3A_87 : vector<512x1xf32>
    %max3A_113 = arith.maximumf %broadcast_in_dim3A_67, %broadcast_in_dim3A_79 : vector<512x1xf32>
    %max3A_114 = arith.maximumf %max3A_113, %broadcast_in_dim3A_91 : vector<512x1xf32>
    %max3A_115 = arith.maximumf %max3A_110, %max3A_112 : vector<512x1xf32>
    %max3A_116 = arith.maximumf %max3A_115, %max3A_114 : vector<512x1xf32>
    %sub3A_117 = arith.subf %max3A_110, %max3A_116 : vector<512x1xf32>
    %exp3A_118 = math.exp %sub3A_117 : vector<512x1xf32>
    %sub3A_119 = arith.subf %max3A_112, %max3A_116 : vector<512x1xf32>
    %exp3A_120 = math.exp %sub3A_119 : vector<512x1xf32>
    %sub3A_121 = arith.subf %max3A_114, %max3A_116 : vector<512x1xf32>
    %exp3A_122 = math.exp %sub3A_121 : vector<512x1xf32>
    %add3A_123 = arith.addf %exp3A_118, %exp3A_120 : vector<512x1xf32>
    %add3A_124 = arith.addf %add3A_123, %exp3A_122 : vector<512x1xf32>
    %div3A_125 = arith.constant 1.000000e+00 : f32
    %div3A_126 = vector.broadcast %div3A_125 : f32 to vector<512x1xf32>
    %div3A_127 = arith.divf %div3A_126, %add3A_124 : vector<512x1xf32>
    %mul3A_128 = arith.mulf %exp3A_118, %div3A_127 : vector<512x1xf32>
    %mul3A_129 = arith.mulf %exp3A_120, %div3A_127 : vector<512x1xf32>
    %mul3A_130 = arith.mulf %exp3A_122, %div3A_127 : vector<512x1xf32>
    %mul3A_131 = vector.broadcast %mul3A_106 : vector<512x1xf32> to vector<512x64xf32>
    %mul3A_132 = arith.mulf %mul3A_131, %dot_general3A_17 : vector<512x64xf32>
    %mul3A_133 = vector.broadcast %mul3A_107 : vector<512x1xf32> to vector<512x64xf32>
    %mul3A_134 = arith.mulf %mul3A_133, %dot_general3A_21 : vector<512x64xf32>
    %add3A_135 = arith.addf %mul3A_132, %mul3A_134 : vector<512x64xf32>
    %mul3A_136 = vector.broadcast %mul3A_108 : vector<512x1xf32> to vector<512x64xf32>
    %mul3A_137 = arith.mulf %mul3A_136, %dot_general3A_25 : vector<512x64xf32>
    %add3A_138 = arith.addf %add3A_135, %mul3A_137 : vector<512x64xf32>
    %mul3A_139 = vector.broadcast %mul3A_128 : vector<512x1xf32> to vector<512x64xf32>
    %mul3A_140 = arith.mulf %mul3A_139, %dot_general3A_29 : vector<512x64xf32>
    %mul3A_141 = vector.broadcast %mul3A_129 : vector<512x1xf32> to vector<512x64xf32>
    %mul3A_142 = arith.mulf %mul3A_141, %dot_general3A_33 : vector<512x64xf32>
    %add3A_143 = arith.addf %mul3A_140, %mul3A_142 : vector<512x64xf32>
    %mul3A_144 = vector.broadcast %mul3A_130 : vector<512x1xf32> to vector<512x64xf32>
    %mul3A_145 = arith.mulf %mul3A_144, %dot_general3A_37 : vector<512x64xf32>
    %add3A_146 = arith.addf %add3A_143, %mul3A_145 : vector<512x64xf32>
    %mul3A_147 = arith.mulf %dot_general3A_54, %dot_general3A_41 : vector<512x64xf32>
    %reduce_sum3A_148 = arith.constant dense<0.000000e+00> : vector<512xf32>
    %reduce_sum3A_149 = vector.multi_reduction <add>, %mul3A_147, %reduce_sum3A_148 [1] : vector<512x64xf32> to vector<512xf32>
    %broadcast_in_dim3A_150 = vector.shape_cast %reduce_sum3A_149 : vector<512xf32> to vector<512x1xf32>
    %mul3A_151 = arith.mulf %dot_general3A_54, %dot_general3A_45 : vector<512x64xf32>
    %reduce_sum3A_152 = arith.constant dense<0.000000e+00> : vector<512xf32>
    %reduce_sum3A_153 = vector.multi_reduction <add>, %mul3A_151, %reduce_sum3A_152 [1] : vector<512x64xf32> to vector<512xf32>
    %broadcast_in_dim3A_154 = vector.shape_cast %reduce_sum3A_153 : vector<512xf32> to vector<512x1xf32>
    %mul3A_155 = arith.mulf %dot_general3A_54, %dot_general3A_49 : vector<512x64xf32>
    %reduce_sum3A_156 = arith.constant dense<0.000000e+00> : vector<512xf32>
    %reduce_sum3A_157 = vector.multi_reduction <add>, %mul3A_155, %reduce_sum3A_156 [1] : vector<512x64xf32> to vector<512xf32>
    %broadcast_in_dim3A_158 = vector.shape_cast %reduce_sum3A_157 : vector<512xf32> to vector<512x1xf32>
    %mul3A_159 = arith.mulf %dot_general3A_56, %dot_general3A_41 : vector<512x64xf32>
    %reduce_sum3A_160 = arith.constant dense<0.000000e+00> : vector<512xf32>
    %reduce_sum3A_161 = vector.multi_reduction <add>, %mul3A_159, %reduce_sum3A_160 [1] : vector<512x64xf32> to vector<512xf32>
    %broadcast_in_dim3A_162 = vector.shape_cast %reduce_sum3A_161 : vector<512xf32> to vector<512x1xf32>
    %mul3A_163 = arith.mulf %dot_general3A_56, %dot_general3A_45 : vector<512x64xf32>
    %reduce_sum3A_164 = arith.constant dense<0.000000e+00> : vector<512xf32>
    %reduce_sum3A_165 = vector.multi_reduction <add>, %mul3A_163, %reduce_sum3A_164 [1] : vector<512x64xf32> to vector<512xf32>
    %broadcast_in_dim3A_166 = vector.shape_cast %reduce_sum3A_165 : vector<512xf32> to vector<512x1xf32>
    %mul3A_167 = arith.mulf %dot_general3A_56, %dot_general3A_49 : vector<512x64xf32>
    %reduce_sum3A_168 = arith.constant dense<0.000000e+00> : vector<512xf32>
    %reduce_sum3A_169 = vector.multi_reduction <add>, %mul3A_167, %reduce_sum3A_168 [1] : vector<512x64xf32> to vector<512xf32>
    %broadcast_in_dim3A_170 = vector.shape_cast %reduce_sum3A_169 : vector<512xf32> to vector<512x1xf32>
    %mul3A_171 = arith.mulf %dot_general3A_58, %dot_general3A_41 : vector<512x64xf32>
    %reduce_sum3A_172 = arith.constant dense<0.000000e+00> : vector<512xf32>
    %reduce_sum3A_173 = vector.multi_reduction <add>, %mul3A_171, %reduce_sum3A_172 [1] : vector<512x64xf32> to vector<512xf32>
    %broadcast_in_dim3A_174 = vector.shape_cast %reduce_sum3A_173 : vector<512xf32> to vector<512x1xf32>
    %mul3A_175 = arith.mulf %dot_general3A_58, %dot_general3A_45 : vector<512x64xf32>
    %reduce_sum3A_176 = arith.constant dense<0.000000e+00> : vector<512xf32>
    %reduce_sum3A_177 = vector.multi_reduction <add>, %mul3A_175, %reduce_sum3A_176 [1] : vector<512x64xf32> to vector<512xf32>
    %broadcast_in_dim3A_178 = vector.shape_cast %reduce_sum3A_177 : vector<512xf32> to vector<512x1xf32>
    %mul3A_179 = arith.mulf %dot_general3A_58, %dot_general3A_49 : vector<512x64xf32>
    %reduce_sum3A_180 = arith.constant dense<0.000000e+00> : vector<512xf32>
    %reduce_sum3A_181 = vector.multi_reduction <add>, %mul3A_179, %reduce_sum3A_180 [1] : vector<512x64xf32> to vector<512xf32>
    %broadcast_in_dim3A_182 = vector.shape_cast %reduce_sum3A_181 : vector<512xf32> to vector<512x1xf32>
    %max3A_183 = arith.maximumf %broadcast_in_dim3A_150, %broadcast_in_dim3A_154 : vector<512x1xf32>
    %max3A_184 = arith.maximumf %max3A_183, %broadcast_in_dim3A_158 : vector<512x1xf32>
    %max3A_185 = arith.maximumf %broadcast_in_dim3A_162, %broadcast_in_dim3A_166 : vector<512x1xf32>
    %max3A_186 = arith.maximumf %max3A_185, %broadcast_in_dim3A_170 : vector<512x1xf32>
    %max3A_187 = arith.maximumf %broadcast_in_dim3A_174, %broadcast_in_dim3A_178 : vector<512x1xf32>
    %max3A_188 = arith.maximumf %max3A_187, %broadcast_in_dim3A_182 : vector<512x1xf32>
    %max3A_189 = arith.maximumf %max3A_184, %max3A_186 : vector<512x1xf32>
    %max3A_190 = arith.maximumf %max3A_189, %max3A_188 : vector<512x1xf32>
    %sub3A_191 = arith.subf %max3A_184, %max3A_190 : vector<512x1xf32>
    %exp3A_192 = math.exp %sub3A_191 : vector<512x1xf32>
    %sub3A_193 = arith.subf %max3A_186, %max3A_190 : vector<512x1xf32>
    %exp3A_194 = math.exp %sub3A_193 : vector<512x1xf32>
    %sub3A_195 = arith.subf %max3A_188, %max3A_190 : vector<512x1xf32>
    %exp3A_196 = math.exp %sub3A_195 : vector<512x1xf32>
    %add3A_197 = arith.addf %exp3A_192, %exp3A_194 : vector<512x1xf32>
    %add3A_198 = arith.addf %add3A_197, %exp3A_196 : vector<512x1xf32>
    %div3A_199 = arith.constant 1.000000e+00 : f32
    %div3A_200 = vector.broadcast %div3A_199 : f32 to vector<512x1xf32>
    %div3A_201 = arith.divf %div3A_200, %add3A_198 : vector<512x1xf32>
    %mul3A_202 = arith.mulf %exp3A_192, %div3A_201 : vector<512x1xf32>
    %mul3A_203 = arith.mulf %exp3A_194, %div3A_201 : vector<512x1xf32>
    %mul3A_204 = arith.mulf %exp3A_196, %div3A_201 : vector<512x1xf32>
    %max3A_205 = arith.maximumf %broadcast_in_dim3A_150, %broadcast_in_dim3A_162 : vector<512x1xf32>
    %max3A_206 = arith.maximumf %max3A_205, %broadcast_in_dim3A_174 : vector<512x1xf32>
    %max3A_207 = arith.maximumf %broadcast_in_dim3A_154, %broadcast_in_dim3A_166 : vector<512x1xf32>
    %max3A_208 = arith.maximumf %max3A_207, %broadcast_in_dim3A_178 : vector<512x1xf32>
    %max3A_209 = arith.maximumf %broadcast_in_dim3A_158, %broadcast_in_dim3A_170 : vector<512x1xf32>
    %max3A_210 = arith.maximumf %max3A_209, %broadcast_in_dim3A_182 : vector<512x1xf32>
    %max3A_211 = arith.maximumf %max3A_206, %max3A_208 : vector<512x1xf32>
    %max3A_212 = arith.maximumf %max3A_211, %max3A_210 : vector<512x1xf32>
    %sub3A_213 = arith.subf %max3A_206, %max3A_212 : vector<512x1xf32>
    %exp3A_214 = math.exp %sub3A_213 : vector<512x1xf32>
    %sub3A_215 = arith.subf %max3A_208, %max3A_212 : vector<512x1xf32>
    %exp3A_216 = math.exp %sub3A_215 : vector<512x1xf32>
    %sub3A_217 = arith.subf %max3A_210, %max3A_212 : vector<512x1xf32>
    %exp3A_218 = math.exp %sub3A_217 : vector<512x1xf32>
    %add3A_219 = arith.addf %exp3A_214, %exp3A_216 : vector<512x1xf32>
    %add3A_220 = arith.addf %add3A_219, %exp3A_218 : vector<512x1xf32>
    %div3A_221 = arith.constant 1.000000e+00 : f32
    %div3A_222 = vector.broadcast %div3A_221 : f32 to vector<512x1xf32>
    %div3A_223 = arith.divf %div3A_222, %add3A_220 : vector<512x1xf32>
    %mul3A_224 = arith.mulf %exp3A_214, %div3A_223 : vector<512x1xf32>
    %mul3A_225 = arith.mulf %exp3A_216, %div3A_223 : vector<512x1xf32>
    %mul3A_226 = arith.mulf %exp3A_218, %div3A_223 : vector<512x1xf32>
    %mul3A_227 = vector.broadcast %mul3A_202 : vector<512x1xf32> to vector<512x64xf32>
    %mul3A_228 = arith.mulf %mul3A_227, %dot_general3A_17 : vector<512x64xf32>
    %mul3A_229 = vector.broadcast %mul3A_203 : vector<512x1xf32> to vector<512x64xf32>
    %mul3A_230 = arith.mulf %mul3A_229, %dot_general3A_21 : vector<512x64xf32>
    %add3A_231 = arith.addf %mul3A_228, %mul3A_230 : vector<512x64xf32>
    %mul3A_232 = vector.broadcast %mul3A_204 : vector<512x1xf32> to vector<512x64xf32>
    %mul3A_233 = arith.mulf %mul3A_232, %dot_general3A_25 : vector<512x64xf32>
    %add3A_234 = arith.addf %add3A_231, %mul3A_233 : vector<512x64xf32>
    %mul3A_235 = vector.broadcast %mul3A_224 : vector<512x1xf32> to vector<512x64xf32>
    %mul3A_236 = arith.mulf %mul3A_235, %dot_general3A_41 : vector<512x64xf32>
    %mul3A_237 = vector.broadcast %mul3A_225 : vector<512x1xf32> to vector<512x64xf32>
    %mul3A_238 = arith.mulf %mul3A_237, %dot_general3A_45 : vector<512x64xf32>
    %add3A_239 = arith.addf %mul3A_236, %mul3A_238 : vector<512x64xf32>
    %mul3A_240 = vector.broadcast %mul3A_226 : vector<512x1xf32> to vector<512x64xf32>
    %mul3A_241 = arith.mulf %mul3A_240, %dot_general3A_49 : vector<512x64xf32>
    %add3A_242 = arith.addf %add3A_239, %mul3A_241 : vector<512x64xf32>
    %swap3A = arith.constant 0 : index
    %swap3A_243 = arith.constant 0 : index
    %swap3A_244 = vector.load %arg7[%swap3A, %swap3A_243] : memref<512x64xf32, #tpu.memory_space<vmem>>, vector<512x64xf32>
    tpu.vector_store %arg7[%swap3A, %swap3A_243], %add3A_138 {strides = array<i32>} : memref<512x64xf32, #tpu.memory_space<vmem>>, vector<512x64xf32>,
    %swap3A_245 = arith.constant 0 : index
    %swap3A_246 = arith.constant 0 : index
    %swap3A_247 = vector.load %arg8[%swap3A_245, %swap3A_246] : memref<512x64xf32, #tpu.memory_space<vmem>>, vector<512x64xf32>
    tpu.vector_store %arg8[%swap3A_245, %swap3A_246], %add3A_146 {strides = array<i32>} : memref<512x64xf32, #tpu.memory_space<vmem>>, vector<512x64xf32>,
    %swap3A_248 = arith.constant 0 : index
    %swap3A_249 = arith.constant 0 : index
    %swap3A_250 = vector.load %arg9[%swap3A_248, %swap3A_249] : memref<512x64xf32, #tpu.memory_space<vmem>>, vector<512x64xf32>
    tpu.vector_store %arg9[%swap3A_248, %swap3A_249], %add3A_234 {strides = array<i32>} : memref<512x64xf32, #tpu.memory_space<vmem>>, vector<512x64xf32>,
    %swap3A_251 = arith.constant 0 : index
    %swap3A_252 = arith.constant 0 : index
    %swap3A_253 = vector.load %arg10[%swap3A_251, %swap3A_252] : memref<512x64xf32, #tpu.memory_space<vmem>>, vector<512x64xf32>
    tpu.vector_store %arg10[%swap3A_251, %swap3A_252], %add3A_242 {strides = array<i32>} : memref<512x64xf32, #tpu.memory_space<vmem>>, vector<512x64xf32>,
    return
  }
  func.func @transform_0(%arg0: i32) -> (i32, i32, i32) {
    %c0_i32 = arith.constant 0 : i32
    %c0_i32_0 = arith.constant 0 : i32
    %c0_i32_1 = arith.constant 0 : i32
    return %arg0, %c0_i32, %c0_i32_0 : i32, i32, i32
  }
  func.func @transform_1(%arg0: i32) -> (i32, i32, i32) {
    %c0_i32 = arith.constant 0 : i32
    %c0_i32_0 = arith.constant 0 : i32
    %c0_i32_1 = arith.constant 0 : i32
    return %arg0, %c0_i32, %c0_i32_0 : i32, i32, i32
  }
  func.func @transform_2(%arg0: i32) -> (i32, i32, i32) {
    %c0_i32 = arith.constant 0 : i32
    %c0_i32_0 = arith.constant 0 : i32
    %c0_i32_1 = arith.constant 0 : i32
    return %arg0, %c0_i32, %c0_i32_0 : i32, i32, i32
  }
  func.func @transform_3(%arg0: i32) -> (i32, i32) {
    %c0_i32 = arith.constant 0 : i32
    %c0_i32_0 = arith.constant 0 : i32
    %c0_i32_1 = arith.constant 0 : i32
    return %c0_i32, %c0_i32_0 : i32, i32
  }
  func.func @transform_4(%arg0: i32) -> (i32, i32) {
    %c0_i32 = arith.constant 0 : i32
    %c0_i32_0 = arith.constant 0 : i32
    %c0_i32_1 = arith.constant 0 : i32
    return %c0_i32, %c0_i32_0 : i32, i32
  }
  func.func @transform_5(%arg0: i32) -> (i32, i32) {
    %c0_i32 = arith.constant 0 : i32
    %c0_i32_0 = arith.constant 0 : i32
    %c0_i32_1 = arith.constant 0 : i32
    return %c0_i32, %c0_i32_0 : i32, i32
  }
  func.func @transform_6(%arg0: i32) -> (i32, i32) {
    %c0_i32 = arith.constant 0 : i32
    %c0_i32_0 = arith.constant 0 : i32
    return %arg0, %c0_i32 : i32, i32
  }
  func.func @transform_7(%arg0: i32) -> (i32, i32) {
    %c0_i32 = arith.constant 0 : i32
    %c0_i32_0 = arith.constant 0 : i32
    return %arg0, %c0_i32 : i32, i32
  }
  func.func @transform_8(%arg0: i32) -> (i32, i32) {
    %c0_i32 = arith.constant 0 : i32
    %c0_i32_0 = arith.constant 0 : i32
    return %arg0, %c0_i32 : i32, i32
  }
  func.func @transform_9(%arg0: i32) -> (i32, i32) {
    %c0_i32 = arith.constant 0 : i32
    %c0_i32_0 = arith.constant 0 : i32
    return %arg0, %c0_i32 : i32, i32
  }
}

</mosaic_0001>

<sc_bundles>
// kernel: kernel.4.cloned.1.call-start
scs
__scs_entry_jumppad:
0x0: {  	(pc) =	sbr.rel $0x88, $3  }
0x1: {  	(tag) =	ssettag $0x0;
	lr =	simm.s32 $0x1  }
0x2: {  	[smem:$0x3F99] =	sst lr;
	_ =	strace $0xD0000000  }
0x3: {  	_ = 	snop  }
0x4: {  	_ = 	snop  }
0x5: {  	_ = 	snop  }
0x6: {  	_ = 	snop  }
0x7: {  	_ = 	snop  }
__scs_overlays_trampoline_lowered:
0x8: {  	[smem:$0x3FA8] =	sst s0  }
0x9: {  	[smem:$0x3FA9] =	sst s1  }
0xa: {  	[smem:$0x3FAA] =	sst s2  }
0xb: {  	[smem:$0x3FAB] =	sst s3  }
0xc: {  	[smem:$0x3FAC] =	sst s4  }
0xd: {  	[smem:$0x3FAD] =	sst s5  }
0xe: {  	[smem:$0x3FAE] =	sst s6  }
0xf: {  	[smem:$0x3FAF] =	sst s7  }
0x10: {  	[smem:$0x3FB0] =	sst s8  }
0x11: {  	[smem:$0x3FB1] =	sst s9;
	s0 =	simm.s32 @!p0 $0x0  }
0x12: {  	s1 =	sld [smem:$0x3F97];
	s0 =	simm.s32 @p0 $0x1  }
0x13: {  	[smem:$0x3FB2] =	sst s0;
	s0 =	simm.s32 @!p1 $0x0  }
0x14: {  	s2 =	sld [smem:$0x3F96];
	s0 =	simm.s32 @p1 $0x1  }
0x15: {  	[smem:$0x3FB3] =	sst s0;
	s0 =	simm.s32 @!p2 $0x0  }
0x16: {  	s3 =	sld [smem:$0x3FDB];
	s0 =	simm.s32 @p2 $0x1  }
0x17: {  	s4 =	simm.s32 $0x1BF5;
	[smem:$0x3FB5] =	sst s0  }
0x18: {  	s0 =	sld [smem:$0x3F98];
	_ =	swait.ge [sflag:s4], $0x0  }
0x19: {  	s7 =	sld [smem:$0x3F99]  }
0x1a: {  	s8 =	sadd.s32 $0xFFFFE003, lr  }
0x1b: {  	s9 =	sadd.s32 $0xFFFFFEF7, lr;
	s5 =	simm.s32 $0xFFFFFFFF;
	p2 =	slt.u32 s8, $0xFFFFF086  }
0x1c: {  	p1 =	slt.u32 s9, $0xF7A;
	s5 =	simm.s32 @!p2 $0x0  }
0x1d: {  	s5 =	simm.s32 @p1 $0x1;
	p0 =	seq.s32 s7, s2  }
0x1e: {  	s7 =	smul.u32 @!p0 $0xF7A, s2;
	p2 =	seq.s32 @!p0 s5, $0x0  }
0x1f: {  	s9 =	smul.u32 $0xF7A, s1;
	s8 =	simm.s32 @!p0 $0x1BF5;
	p2 =	por !p2, p0  }
0x20: {  	[sflag:s8] =	ssyncset.s32 @!p0 $0xFFFFF086;
	s6 =	sadd.s32 @!p0 s3, s7;
	s7 =	simm.s32 @!p0 $0x108  }
0x21: {  	s3 =	sadd.s32 s3, s9;
	s6 =	sadd.s32 @!p0 $0x88, s6;
	s7 =	simm.s32 @p2 $0x1082  }
0x22: {  	[simem:s7], [sflag:s8] =	dma.local @!p0 [hbm:s6], $0xF7A  }
0x23: {  	s9 =	sor.u32 $0xD0000000, s2;
	s6 =	simm.s32 $0x108;
	_ =	swait.ge @!p0 [sflag:s8], $0x0  }
0x24: {  	s3 =	sadd.s32 $0x88, s3;
	s6 =	simm.s32 @!p1 $0x1082;
	[sflag:s4] =	ssyncset.s32 $0xFFFFF086  }
0x25: {  	[simem:s6], [sflag:s4] =	dma.local [hbm:s3], $0xF7A  }
0x26: {  	[smem:$0x3F99] =	sst s1;
	(tag) =	ssettag s2;
	_ =	strace s9  }
0x27: {  	s1 =	sld [smem:$0x3FA9]  }
0x28: {  	s2 =	sld [smem:$0x3FAA]  }
0x29: {  	s4 =	sld [smem:$0x3FAC]  }
0x2a: {  	p0 =	seq.s32 s5, $0x0;
	s5 =	sld [smem:$0x3FAD]  }
0x2b: {  	s6 =	sld [smem:$0x3FAE]  }
0x2c: {  	s7 =	sld [smem:$0x3FAF]  }
0x2d: {  	s3 =	simm.s32 $0x108;
	s8 =	sld [smem:$0x3FB0]  }
0x2e: {  	s3 =	simm.s32 @!p0 $0x1082;
	s9 =	sld [smem:$0x3FB1]  }
0x2f: {  	lr =	sadd.s32 s0, s3;
	s0 =	sld [smem:$0x3FA8]  }
0x30: {  	s3 =	sld [smem:$0x3FAB]  }
0x31: {  	[smem:$0x3FB4] =	sst s10  }
0x32: {  	s10 =	sld [smem:$0x3FB2];
	_ =	sdelay $0x3  }
0x33: {  	p0 =	seq.s32 s10, $0x1;
	s10 =	sld [smem:$0x3FB4];
	_ =	sdelay $0x3  }
0x34: {  	[smem:$0x3FB4] =	sst s10  }
0x35: {  	s10 =	sld [smem:$0x3FB3];
	_ =	sdelay $0x3  }
0x36: {  	p1 =	seq.s32 s10, $0x1;
	s10 =	sld [smem:$0x3FB4];
	_ =	sdelay $0x3  }
0x37: {  	[smem:$0x3FB4] =	sst s10  }
0x38: {  	s10 =	sld [smem:$0x3FB5]  }
0x39: {  	_ = 	snop;
	(pc) =	sbr.ind lr, $3  }
0x3a: {  	_ = 	snop  }
0x3b: {  	_ = 	snop  }
0x3c: {  	p2 =	seq.s32 s10, $0x1;
	s10 =	sld [smem:$0x3FB4]  }
0x3d: {  	_ =	shalt  }
0x3e: {  	_ =	shalt  }
0x3f: {  	_ =	shalt  }
0x40: {  	_ =	shalt  }
0x41: {  	_ =	shalt  }
0x42: {  	_ =	shalt  }
0x43: {  	_ =	shalt  }
0x44: {  	_ =	shalt  }
0x45: {  	_ =	shalt  }
0x46: {  	_ =	shalt  }
0x47: {  	_ =	shalt  }
0x48: {  	_ =	shalt  }
0x49: {  	_ =	shalt  }
0x4a: {  	_ =	shalt  }
0x4b: {  	_ =	shalt  }
0x4c: {  	_ =	shalt  }
0x4d: {  	_ =	shalt  }
0x4e: {  	_ =	shalt  }
0x4f: {  	_ =	shalt  }
0x50: {  	_ =	shalt  }
0x51: {  	_ =	shalt  }
0x52: {  	_ =	shalt  }
0x53: {  	_ =	shalt  }
0x54: {  	_ =	shalt  }
0x55: {  	_ =	shalt  }
0x56: {  	_ =	shalt  }
0x57: {  	_ =	shalt  }
0x58: {  	_ =	shalt  }
0x59: {  	_ =	shalt  }
0x5a: {  	_ =	shalt  }
0x5b: {  	_ =	shalt  }
0x5c: {  	_ =	shalt  }
0x5d: {  	_ =	shalt  }
0x5e: {  	_ =	shalt  }
0x5f: {  	_ =	shalt  }
0x60: {  	_ =	shalt  }
0x61: {  	_ =	shalt  }
0x62: {  	_ =	shalt  }
0x63: {  	_ =	shalt  }
0x64: {  	_ =	shalt  }
0x65: {  	_ =	shalt  }
0x66: {  	_ =	shalt  }
0x67: {  	_ =	shalt  }
0x68: {  	_ =	shalt  }
0x69: {  	_ =	shalt  }
0x6a: {  	_ =	shalt  }
0x6b: {  	_ =	shalt  }
0x6c: {  	_ =	shalt  }
0x6d: {  	_ =	shalt  }
0x6e: {  	_ =	shalt  }
0x6f: {  	_ =	shalt  }
0x70: {  	_ =	shalt  }
0x71: {  	_ =	shalt  }
0x72: {  	_ =	shalt  }
0x73: {  	_ =	shalt  }
0x74: {  	_ =	shalt  }
0x75: {  	_ =	shalt  }
0x76: {  	_ =	shalt  }
0x77: {  	_ =	shalt  }
0x78: {  	_ =	shalt  }
0x79: {  	_ =	shalt  }
0x7a: {  	_ =	shalt  }
0x7b: {  	_ =	shalt  }
0x7c: {  	_ =	shalt  }
0x7d: {  	_ =	shalt  }
0x7e: {  	_ =	shalt  }
0x7f: {  	_ =	shalt  }
0x80: {  	_ =	shalt  }
0x81: {  	_ =	shalt  }
0x82: {  	_ =	shalt  }
0x83: {  	_ =	shalt  }
0x84: {  	_ =	shalt  }
0x85: {  	_ =	shalt  }
0x86: {  	_ =	shalt  }
0x87: {  	_ =	shalt  }
.Lfunc_end0:
.L_simem_size_0:
called_computation_lowered:
.L_overlay_start_0:
0x88: {  	s2 =	sld [smem:$0x3FD9]  }
0x89: {  	s3 =	sld [smem:$0x3FFE];
	_ =	sdelay $0x1  }
0x8a: {  	s1 =	srdreg.scid  }
0x8b: {  	s0 =	sand.u32 $0x1, s1  }
0x8c: {  	s17 =	sshll.u32 s0, $0xA;
	s2 =	sadd.s32 s3, s2  }
0x8d: {  	s2 =	sadd.s32 s2, s17  }
0x8e: {  	[smem:$0x3FC0] =	sst s2  }
0x8f: {  	_ = 	snop  }
0x90: {  	s2 =	sld [smem:$0x3FC9]  }
0x91: {  	s18 =	sld [smem:$0x3FC8]  }
0x92: {  	s4 =	sld [smem:$0x3FC7];
	(tm) =	ssettm $0x1  }
0x93: {  	s5 =	sld [smem:$0x3FFB];
	_ =	sdelay $0x3  }
0x94: {  	_ =	strace s5  }
0x95: {  	s5 =	sld [smem:$0x3FFC];
	_ =	sdelay $0x3  }
0x96: {  	_ =	strace s5  }
0x97: {  	s5 =	sld [smem:$0x3FFD];
	_ =	sdelay $0x3  }
0x98: {  	_ =	strace s5  }
0x99: {  	_ =	strace $0x8FFFFFFF  }
0x9a: {  	s19 =	sld [smem:$0x3FDB];
	_ =	sdelay $0x1  }
0x9b: {  	s6 =	simm.s32 $_scs_section_size  }
0x9c: {  	s7 =	simm.s32 $_size__tile_overlayer_lowered;
	s8 =	simm.s32 $_tile_overlayer_lowered  }
0x9d: {  	s22 =	simm.s32 $0x1BFF;
	s21 =	sshll.u32 s8, $0x1;
	s5 =	sadd.s32 s6, s19  }
0x9e: {  	s9 =	simm.s32 $0x0;
	s20 =	sshll.u32 s7, $0x1;
	s7 =	sadd.s32 s21, s5  }
0x9f: {  	[timem:s9], [sflag:s22] =	dma.local [hbm:s7], s20  }
0xa0: {  	_ =	swait.ge [sflag:s22], s20  }
0xa1: {  	s6 =	ssub.s32 $0x0, s20;
	[sflag:s22] =	ssyncset.done $0x0  }
0xa2: {  	[sflag:s22] =	ssyncadd.s32 s6;
	_ =	sdelay $0x1  }
0xa3: {  	s23 =	simm.s32 $0x1B8B  }
0xa4: {  	_ =	swait.ge [sflag:s23], $0x1  }
0xa5: {  	[sflag:s23] =	ssyncset.done $0x0  }
0xa6: {  	s25 =	simm.s32 $0x1B8E;
	s24 =	sld [smem:$0x3FFE];
	[sflag:s23] =	ssyncadd.s32 $0xFFFFFFFF  }
0xa7: {  	s26 =	simm.s32 $execute0_lowered;
	[smem:$0x3FD2] =	sst s25  }
0xa8: {  	s7 =	sshll.u32 s26, $0x1;
	_ =	strace $0x80000046;
	[dreg:$0x1] =	wrdreg $0xFFFFFFFF  }
0xa9: {  	s28 =	simm.s32 $_size_execute0_lowered;
	s5 =	sadd.s32 s5, s7;
	[dreg:$0x0] =	wrdreg $0x0  }
0xaa: {  	s7 =	sshll.u32 s28, $0x1;
	[dreg:$0x2] =	wrdreg s5  }
0xab: {  	[dreg:$0x3] =	wrdreg s7  }
0xac: {  	[dreg:$0x4] =	wrdreg $0xC0  }
0xad: {  	_ =	task [dreg:s9], $0x5FFFF  }
0xae: {  	[dreg:$0x1] =	wrdreg $0xFFFFFFFF  }
0xaf: {  	[dreg:$0x0] =	wrdreg $0x60  }
0xb0: {  	[dreg:$0x2] =	wrdreg s24  }
0xb1: {  	[dreg:$0x3] =	wrdreg s2  }
0xb2: {  	[dreg:$0x4] =	wrdreg s18  }
0xb3: {  	[dreg:$0x5] =	wrdreg s4  }
0xb4: {  	[dreg:$0x6] =	wrdreg $0x9  }
0xb5: {  	_ =	task.clear_ibuf [dreg:s9], $0x7FFFF;
	_ =	strace $0x90000046  }
0xb6: {  	s29 =	simm.s32 $0x9;
	_ =	strace $0x80000048  }
0xb7: {  	_ =	swait.ge [sflag:s29], $0x1  }
0xb8: {  	[sflag:s29] =	ssyncadd.s32 $0xFFFFFFFF  }
0xb9: {  	_ =	strace $0x90000048  }
0xba: {  	_ =	sfence  }
0xbb: {  	s30 =	sld [smem:$0x0];
	_ =	sdelay $0x2  }
0xbc: {  	s31 =	sshll.u32 s1, $0xD;
	s1 =	sshrl.u32 s1, $0x2  }
0xbd: {  	s3 =	sand.u32 $0x4000, s31;
	s1 =	sadd.s32 s1, s30  }
0xbe: {  	s0 =	sor.u32 s3, s0;
	s1 =	sshll.u32 s1, $0x11  }
0xbf: {  	s0 =	sor.u32 s1, s0  }
0xc0: {  	s0 =	sadd.s32 $0x8F2B, s0  }
0xc1: {  	[sflag:s0] =	ssyncadd.remote.s32 $0x1  }
0xc2: {  	_ =	sfence.sel $0xFFFF  }
0xc3: {  	[dreg:$0x0] =	wrdreg $0xFFFFFFFF;
	(pc) =	sbr.abs _section_cstart, $3  }
0xc4: {  	[dreg:$0x1] =	wrdreg $0xFFFFFFFF  }
0xc5: {  	_ =	task.clear_ibuf [dreg:s9], $0x2FFFF;
	_ =	strace $0x9FFFFFFF  }
0xc6: {  	(tm) =	ssettm $0x7FFFFFFF  }
0xc7: {  	_ =	shalt  }
tec
execute0_lowered:
.L_overlay_start_1:
0x0: {  	(tag) =	ssettag $0x1  }
0x1: {  	s0 =	rddreg [dreg:$0x0]  }
0x2: {  	s1 =	rddreg [dreg:$0x1]  }
0x3: {  	s5 =	rddreg [dreg:$0x2]  }
0x4: {  	s6 =	rddreg [dreg:$0x3];
	s2 =	simm.s32 $0x0  }
0x5: {  	s3 =	srdreg.scid;
	s4 =	stileid.u32;
	s12 =	simm.s32 $0x2  }
0x6: {  	s29 =	simm.s32 $0xDD80;
	s30 =	simm.s32 $0xDF80;
	s31 =	simm.s32 $0xE180  }
0x7: {  	s13 =	simm.s32 $0xE780;
	s14 =	simm.s32 $0xE980;
	s11 =	simm.s32 $0xF180  }
0x8: {  	s15 =	simm.s32 $0xF380;
	s16 =	simm.s32 $0xF580;
	s17 =	simm.s32 $0xF780  }
0x9: {  	s18 =	simm.s32 $0xF980;
	s19 =	simm.s32 $0xFB80;
	s20 =	simm.s32 $0xFD80  }
0xa: {  	s21 =	simm.s32 $0xFF80;
	s22 =	simm.s32 $0x1;
	s23 =	simm.s32 $0x0  }
0xb: {  	[smem:$0x7FF] =	sst s2;
	s7 =	sand.u32 $0x1, s3;
	s3 =	sadd.s32 $0x1200, s0  }
0xc: {  	s8 =	sshll.u32 s4, $0x8;
	s4 =	sadd.s32 $0x61BA00, s0;
	s9 =	sshll.u32 s7, $0x7  }
0xd: {  	_ =	strace $0x80000047;
	s7 =	ssub.s32 $0x2, s7;
	s8 =	sor.u32 s9, s8  }
0xe: {  	s10 =	sshrl.u32 s7, $0x1;
	s9 =	sshll.u32 s8, $0x6;
	s8 =	sshrl.u32 s8, $0x3  }
0xf: {  	s7 =	ssub.s32 s7, s10;
	s0 =	sadd.s32 s9, s0;
	s1 =	sadd.s32 s1, s8  }
0x10: {  	s25 =	sadd.s32 s5, s8;
	s26 =	sadd.s32 s6, s8;
	s28 =	smax.u32 s7, $0x1  }
0x11: {  	s5 =	simm.s32 $0xEB80;
	s6 =	simm.s32 $0xED80;
	[dreg:$0x5] =	wrdreg s1  }
0x12: {  	s7 =	simm.s32 $0xEF80;
	[dreg:$0x6] =	wrdreg s25;
	s8 =	sadd.s32 $0xC36200, s0  }
0x13: {  	[dreg:$0x7] =	wrdreg s26;
	s9 =	sadd.s32 $0xC76200, s0;
	s10 =	sadd.s32 $0xCB6200, s0  }
0x14: {  	[dreg:$0x8] =	wrdreg s28;
	s0 =	simm.s32 $0xE380;
	s1 =	simm.s32 $0xE580  }
.LBB2_1:
0x15: {  	s24 =	rddreg [dreg:$0x5]  }
0x16: {  	[tilespmem:s2], [sflag:$0x2] =	stream.linear.gather [hbm4b:s24+s2], $0x80, $0x38;
	[tilespmem:$0x10180] =	vst v63  }
0x17: {  	_ =	swait.ge [sflag:s12], $0x80  }
0x18: {  	[sflag:s12] =	ssyncset.done $0x0  }
0x19: {  	s25 =	simm.s32 $0x80;
	s26 =	rddreg [dreg:$0x6];
	[sflag:s12] =	ssyncadd.s32 $0xFFFFFF80  }
0x1a: {  	[tilespmem:s25], [sflag:$0x2] =	stream.linear.gather [hbm4b:s26+s2], $0x80, $0x38;
	[tilespmem:$0x10180] =	vst v63  }
0x1b: {  	_ =	swait.ge [sflag:s12], $0x80  }
0x1c: {  	[sflag:s12] =	ssyncset.done $0x0  }
0x1d: {  	s26 =	simm.s32 $0x100;
	s25 =	rddreg [dreg:$0x7];
	[sflag:s12] =	ssyncadd.s32 $0xFFFFFF80  }
0x1e: {  	[tilespmem:s26], [sflag:$0x2] =	stream.linear.gather [hbm4b:s25+s2], $0x80, $0x38;
	[tilespmem:$0x10180] =	vst v63  }
0x1f: {  	_ =	swait.ge [sflag:s12], $0x80  }
0x20: {  	[sflag:s12] =	ssyncset.done $0x0  }
0x21: {  	[sflag:s12] =	ssyncadd.s32 $0xFFFFFF80  }
0x22: {  	v0 =	vld [tilespmem:$0x0];
	_ =	sdelay $0x4  }
0x23: {  	v0 =	vshll.u32 v0, $0x6  }
0x24: {  	(v2sf) =	vpush v0, $0x0;
	_ =	sdelay $0x3  }
0x25: {  	(v2sf) =	vpush v0, $0x1;
	_ =	sdelay $0x3  }
0x26: {  	(v2sf) =	vpush v0, $0x2;
	_ =	sdelay $0x3  }
0x27: {  	(v2sf) =	vpush v0, $0x3;
	_ =	sdelay $0x2  }
0x28: {  	s25 =	spop (v2sf)  }
0x29: {  	(v2sf) =	vpush v0, $0x4;
	s24 =	sand.u32 $0x1FFFFFC0, s25  }
0x2a: {  	s26 =	sadd.s32 s3, s24;
	s24 =	simm.s32 $0x180  }
0x2b: {  	[tilespmem:s24], [sflag:$0x1] =	stream.linear.gather [hbm4b:s26+s2], $0x180, $0x38;
	[tilespmem:$0x10180] =	vst v63  }
0x2c: {  	s26 =	spop (v2sf)  }
0x2d: {  	(v2sf) =	vpush v0, $0x5;
	s25 =	sand.u32 $0x1FFFFFC0, s26  }
0x2e: {  	s26 =	simm.s32 $0x380;
	s25 =	sadd.s32 s3, s25  }
0x2f: {  	[tilespmem:s26], [sflag:$0x1] =	stream.linear.gather [hbm4b:s25+s2], $0x180, $0x38;
	[tilespmem:$0x10180] =	vst v63  }
0x30: {  	s26 =	spop (v2sf)  }
0x31: {  	(v2sf) =	vpush v0, $0x6;
	s25 =	sand.u32 $0x1FFFFFC0, s26  }
0x32: {  	s26 =	simm.s32 $0x580;
	s25 =	sadd.s32 s3, s25  }
0x33: {  	[tilespmem:s26], [sflag:$0x1] =	stream.linear.gather [hbm4b:s25+s2], $0x180, $0x38;
	[tilespmem:$0x10180] =	vst v63  }
0x34: {  	s26 =	spop (v2sf)  }
0x35: {  	(v2sf) =	vpush v0, $0x7;
	s25 =	sand.u32 $0x1FFFFFC0, s26  }
0x36: {  	s26 =	simm.s32 $0x780;
	s25 =	sadd.s32 s3, s25  }
0x37: {  	[tilespmem:s26], [sflag:$0x1] =	stream.linear.gather [hbm4b:s25+s2], $0x180, $0x38;
	[tilespmem:$0x10180] =	vst v63  }
0x38: {  	s26 =	spop (v2sf)  }
0x39: {  	(v2sf) =	vpush v0, $0x8;
	s25 =	sand.u32 $0x1FFFFFC0, s26  }
0x3a: {  	s26 =	simm.s32 $0x980;
	s25 =	sadd.s32 s3, s25  }
0x3b: {  	[tilespmem:s26], [sflag:$0x1] =	stream.linear.gather [hbm4b:s25+s2], $0x180, $0x38;
	[tilespmem:$0x10180] =	vst v63  }
0x3c: {  	s26 =	spop (v2sf)  }
0x3d: {  	(v2sf) =	vpush v0, $0x9;
	s25 =	sand.u32 $0x1FFFFFC0, s26  }
0x3e: {  	s26 =	simm.s32 $0xB80;
	s25 =	sadd.s32 s3, s25  }
0x3f: {  	[tilespmem:s26], [sflag:$0x1] =	stream.linear.gather [hbm4b:s25+s2], $0x180, $0x38;
	[tilespmem:$0x10180] =	vst v63  }
0x40: {  	s26 =	spop (v2sf)  }
0x41: {  	(v2sf) =	vpush v0, $0xA;
	s25 =	sand.u32 $0x1FFFFFC0, s26  }
0x42: {  	s26 =	simm.s32 $0xD80;
	s25 =	sadd.s32 s3, s25  }
0x43: {  	[tilespmem:s26], [sflag:$0x1] =	stream.linear.gather [hbm4b:s25+s2], $0x180, $0x38;
	[tilespmem:$0x10180] =	vst v63  }
0x44: {  	s26 =	spop (v2sf)  }
0x45: {  	(v2sf) =	vpush v0, $0xB;
	s25 =	sand.u32 $0x1FFFFFC0, s26  }
0x46: {  	s26 =	simm.s32 $0xF80;
	s25 =	sadd.s32 s3, s25  }
0x47: {  	[tilespmem:s26], [sflag:$0x1] =	stream.linear.gather [hbm4b:s25+s2], $0x180, $0x38;
	[tilespmem:$0x10180] =	vst v63  }
0x48: {  	s26 =	spop (v2sf)  }
0x49: {  	(v2sf) =	vpush v0, $0xC;
	s25 =	sand.u32 $0x1FFFFFC0, s26  }
0x4a: {  	s26 =	simm.s32 $0x1180;
	s25 =	sadd.s32 s3, s25  }
0x4b: {  	[tilespmem:s26], [sflag:$0x1] =	stream.linear.gather [hbm4b:s25+s2], $0x180, $0x38;
	[tilespmem:$0x10180] =	vst v63  }
0x4c: {  	s26 =	spop (v2sf)  }
0x4d: {  	(v2sf) =	vpush v0, $0xD;
	s25 =	sand.u32 $0x1FFFFFC0, s26  }
0x4e: {  	s26 =	simm.s32 $0x1380;
	s25 =	sadd.s32 s3, s25  }
0x4f: {  	[tilespmem:s26], [sflag:$0x1] =	stream.linear.gather [hbm4b:s25+s2], $0x180, $0x38;
	[tilespmem:$0x10180] =	vst v63  }
0x50: {  	s26 =	spop (v2sf)  }
0x51: {  	(v2sf) =	vpush v0, $0xE;
	s25 =	sand.u32 $0x1FFFFFC0, s26  }
0x52: {  	s26 =	simm.s32 $0x1580;
	s25 =	sadd.s32 s3, s25  }
0x53: {  	[tilespmem:s26], [sflag:$0x1] =	stream.linear.gather [hbm4b:s25+s2], $0x180, $0x38;
	[tilespmem:$0x10180] =	vst v63  }
0x54: {  	s26 =	spop (v2sf)  }
0x55: {  	(v2sf) =	vpush v0, $0xF;
	s25 =	sand.u32 $0x1FFFFFC0, s26  }
0x56: {  	s26 =	simm.s32 $0x1780;
	s25 =	sadd.s32 s3, s25  }
0x57: {  	[tilespmem:s26], [sflag:$0x1] =	stream.linear.gather [hbm4b:s25+s2], $0x180, $0x38;
	[tilespmem:$0x10180] =	vst v63  }
0x58: {  	s26 =	spop (v2sf)  }
0x59: {  	s25 =	sand.u32 $0x1FFFFFC0, s26  }
0x5a: {  	s26 =	simm.s32 $0x1980;
	s25 =	sadd.s32 s3, s25  }
0x5b: {  	[tilespmem:s26], [sflag:$0x1] =	stream.linear.gather [hbm4b:s25+s2], $0x180, $0x38;
	[tilespmem:$0x10180] =	vst v63  }
0x5c: {  	s26 =	spop (v2sf)  }
0x5d: {  	s25 =	sand.u32 $0x1FFFFFC0, s26  }
0x5e: {  	s26 =	simm.s32 $0x1B80;
	s25 =	sadd.s32 s3, s25  }
0x5f: {  	[tilespmem:s26], [sflag:$0x1] =	stream.linear.gather [hbm4b:s25+s2], $0x180, $0x38;
	[tilespmem:$0x10180] =	vst v63  }
0x60: {  	s26 =	spop (v2sf)  }
0x61: {  	s25 =	sand.u32 $0x1FFFFFC0, s26  }
0x62: {  	s26 =	simm.s32 $0x1D80;
	s25 =	sadd.s32 s3, s25  }
0x63: {  	[tilespmem:s26], [sflag:$0x1] =	stream.linear.gather [hbm4b:s25+s2], $0x180, $0x38;
	[tilespmem:$0x10180] =	vst v63  }
0x64: {  	s26 =	spop (v2sf)  }
0x65: {  	s25 =	sand.u32 $0x1FFFFFC0, s26  }
0x66: {  	s26 =	simm.s32 $0x1F80;
	s25 =	sadd.s32 s3, s25  }
0x67: {  	[tilespmem:s26], [sflag:$0x1] =	stream.linear.gather [hbm4b:s25+s2], $0x180, $0x38;
	[tilespmem:$0x10180] =	vst v63  }
0x68: {  	v57 =	vld [tilespmem:$0x10];
	_ =	sdelay $0x4  }
0x69: {  	v0 =	vshll.u32 v57, $0x6  }
0x6a: {  	(v2sf) =	vpush v0, $0x0;
	_ =	sdelay $0x3  }
0x6b: {  	(v2sf) =	vpush v0, $0x1;
	_ =	sdelay $0x3  }
0x6c: {  	(v2sf) =	vpush v0, $0x2;
	_ =	sdelay $0x3  }
0x6d: {  	(v2sf) =	vpush v0, $0x3;
	_ =	sdelay $0x2  }
0x6e: {  	s26 =	spop (v2sf)  }
0x6f: {  	(v2sf) =	vpush v0, $0x4;
	s25 =	sand.u32 $0x1FFFFFC0, s26  }
0x70: {  	s26 =	simm.s32 $0x2180;
	s25 =	sadd.s32 s3, s25  }
0x71: {  	[tilespmem:s26], [sflag:$0x1] =	stream.linear.gather [hbm4b:s25+s2], $0x180, $0x38;
	[tilespmem:$0x10180] =	vst v63  }
0x72: {  	s26 =	spop (v2sf)  }
0x73: {  	(v2sf) =	vpush v0, $0x5;
	s25 =	sand.u32 $0x1FFFFFC0, s26  }
0x74: {  	s26 =	simm.s32 $0x2380;
	s25 =	sadd.s32 s3, s25  }
0x75: {  	[tilespmem:s26], [sflag:$0x1] =	stream.linear.gather [hbm4b:s25+s2], $0x180, $0x38;
	[tilespmem:$0x10180] =	vst v63  }
0x76: {  	s26 =	spop (v2sf)  }
0x77: {  	(v2sf) =	vpush v0, $0x6;
	s25 =	sand.u32 $0x1FFFFFC0, s26  }
0x78: {  	s26 =	simm.s32 $0x2580;
	s25 =	sadd.s32 s3, s25  }
0x79: {  	[tilespmem:s26], [sflag:$0x1] =	stream.linear.gather [hbm4b:s25+s2], $0x180, $0x38;
	[tilespmem:$0x10180] =	vst v63  }
0x7a: {  	s26 =	spop (v2sf)  }
0x7b: {  	(v2sf) =	vpush v0, $0x7;
	s25 =	sand.u32 $0x1FFFFFC0, s26  }
0x7c: {  	s26 =	simm.s32 $0x2780;
	s25 =	sadd.s32 s3, s25  }
0x7d: {  	[tilespmem:s26], [sflag:$0x1] =	stream.linear.gather [hbm4b:s25+s2], $0x180, $0x38;
	[tilespmem:$0x10180] =	vst v63  }
0x7e: {  	s26 =	spop (v2sf)  }
0x7f: {  	(v2sf) =	vpush v0, $0x8;
	s25 =	sand.u32 $0x1FFFFFC0, s26  }
0x80: {  	s26 =	simm.s32 $0x2980;
	s25 =	sadd.s32 s3, s25  }
0x81: {  	[tilespmem:s26], [sflag:$0x1] =	stream.linear.gather [hbm4b:s25+s2], $0x180, $0x38;
	[tilespmem:$0x10180] =	vst v63  }
0x82: {  	s26 =	spop (v2sf)  }
0x83: {  	(v2sf) =	vpush v0, $0x9;
	s25 =	sand.u32 $0x1FFFFFC0, s26  }
0x84: {  	s26 =	simm.s32 $0x2B80;
	s25 =	sadd.s32 s3, s25  }
0x85: {  	[tilespmem:s26], [sflag:$0x1] =	stream.linear.gather [hbm4b:s25+s2], $0x180, $0x38;
	[tilespmem:$0x10180] =	vst v63  }
0x86: {  	s26 =	spop (v2sf)  }
0x87: {  	(v2sf) =	vpush v0, $0xA;
	s25 =	sand.u32 $0x1FFFFFC0, s26  }
0x88: {  	s26 =	simm.s32 $0x2D80;
	s25 =	sadd.s32 s3, s25  }
0x89: {  	[tilespmem:s26], [sflag:$0x1] =	stream.linear.gather [hbm4b:s25+s2], $0x180, $0x38;
	[tilespmem:$0x10180] =	vst v63  }
0x8a: {  	s26 =	spop (v2sf)  }
0x8b: {  	(v2sf) =	vpush v0, $0xB;
	s25 =	sand.u32 $0x1FFFFFC0, s26  }
0x8c: {  	s26 =	simm.s32 $0x2F80;
	s25 =	sadd.s32 s3, s25  }
0x8d: {  	[tilespmem:s26], [sflag:$0x1] =	stream.linear.gather [hbm4b:s25+s2], $0x180, $0x38;
	[tilespmem:$0x10180] =	vst v63  }
0x8e: {  	s26 =	spop (v2sf)  }
0x8f: {  	(v2sf) =	vpush v0, $0xC;
	s25 =	sand.u32 $0x1FFFFFC0, s26  }
0x90: {  	s26 =	simm.s32 $0x3180;
	s25 =	sadd.s32 s3, s25  }
0x91: {  	[tilespmem:s26], [sflag:$0x1] =	stream.linear.gather [hbm4b:s25+s2], $0x180, $0x38;
	[tilespmem:$0x10180] =	vst v63  }
0x92: {  	s26 =	spop (v2sf)  }
0x93: {  	(v2sf) =	vpush v0, $0xD;
	s25 =	sand.u32 $0x1FFFFFC0, s26  }
0x94: {  	s26 =	simm.s32 $0x3380;
	s25 =	sadd.s32 s3, s25  }
0x95: {  	[tilespmem:s26], [sflag:$0x1] =	stream.linear.gather [hbm4b:s25+s2], $0x180, $0x38;
	[tilespmem:$0x10180] =	vst v63  }
0x96: {  	s26 =	spop (v2sf)  }
0x97: {  	(v2sf) =	vpush v0, $0xE;
	s25 =	sand.u32 $0x1FFFFFC0, s26  }
0x98: {  	s26 =	simm.s32 $0x3580;
	s25 =	sadd.s32 s3, s25  }
0x99: {  	[tilespmem:s26], [sflag:$0x1] =	stream.linear.gather [hbm4b:s25+s2], $0x180, $0x38;
	[tilespmem:$0x10180] =	vst v63  }
0x9a: {  	s26 =	spop (v2sf)  }
0x9b: {  	(v2sf) =	vpush v0, $0xF;
	s25 =	sand.u32 $0x1FFFFFC0, s26  }
0x9c: {  	s26 =	simm.s32 $0x3780;
	s25 =	sadd.s32 s3, s25  }
0x9d: {  	[tilespmem:s26], [sflag:$0x1] =	stream.linear.gather [hbm4b:s25+s2], $0x180, $0x38;
	[tilespmem:$0x10180] =	vst v63  }
0x9e: {  	s26 =	spop (v2sf)  }
0x9f: {  	s25 =	sand.u32 $0x1FFFFFC0, s26  }
0xa0: {  	s26 =	simm.s32 $0x3980;
	s25 =	sadd.s32 s3, s25  }
0xa1: {  	[tilespmem:s26], [sflag:$0x1] =	stream.linear.gather [hbm4b:s25+s2], $0x180, $0x38;
	[tilespmem:$0x10180] =	vst v63  }
0xa2: {  	s26 =	spop (v2sf)  }
0xa3: {  	s25 =	sand.u32 $0x1FFFFFC0, s26  }
0xa4: {  	s26 =	simm.s32 $0x3B80;
	s25 =	sadd.s32 s3, s25  }
0xa5: {  	[tilespmem:s26], [sflag:$0x1] =	stream.linear.gather [hbm4b:s25+s2], $0x180, $0x38;
	[tilespmem:$0x10180] =	vst v63  }
0xa6: {  	s26 =	spop (v2sf)  }
0xa7: {  	s25 =	sand.u32 $0x1FFFFFC0, s26  }
0xa8: {  	s26 =	simm.s32 $0x3D80;
	s25 =	sadd.s32 s3, s25  }
0xa9: {  	[tilespmem:s26], [sflag:$0x1] =	stream.linear.gather [hbm4b:s25+s2], $0x180, $0x38;
	[tilespmem:$0x10180] =	vst v63  }
0xaa: {  	s26 =	spop (v2sf)  }
0xab: {  	s25 =	sand.u32 $0x1FFFFFC0, s26  }
0xac: {  	s26 =	simm.s32 $0x3F80;
	s25 =	sadd.s32 s3, s25  }
0xad: {  	[tilespmem:s26], [sflag:$0x1] =	stream.linear.gather [hbm4b:s25+s2], $0x180, $0x38;
	[tilespmem:$0x10180] =	vst v63  }
0xae: {  	v58 =	vld [tilespmem:$0x20];
	_ =	sdelay $0x4  }
0xaf: {  	v0 =	vshll.u32 v58, $0x6  }
0xb0: {  	(v2sf) =	vpush v0, $0x0;
	_ =	sdelay $0x3  }
0xb1: {  	(v2sf) =	vpush v0, $0x1;
	_ =	sdelay $0x3  }
0xb2: {  	(v2sf) =	vpush v0, $0x2;
	_ =	sdelay $0x3  }
0xb3: {  	(v2sf) =	vpush v0, $0x3;
	_ =	sdelay $0x2  }
0xb4: {  	s26 =	spop (v2sf)  }
0xb5: {  	(v2sf) =	vpush v0, $0x4;
	s25 =	sand.u32 $0x1FFFFFC0, s26  }
0xb6: {  	s26 =	simm.s32 $0x4180;
	s25 =	sadd.s32 s3, s25  }
0xb7: {  	[tilespmem:s26], [sflag:$0x1] =	stream.linear.gather [hbm4b:s25+s2], $0x180, $0x38;
	[tilespmem:$0x10180] =	vst v63  }
0xb8: {  	s26 =	spop (v2sf)  }
0xb9: {  	(v2sf) =	vpush v0, $0x5;
	s25 =	sand.u32 $0x1FFFFFC0, s26  }
0xba: {  	s26 =	simm.s32 $0x4380;
	s25 =	sadd.s32 s3, s25  }
0xbb: {  	[tilespmem:s26], [sflag:$0x1] =	stream.linear.gather [hbm4b:s25+s2], $0x180, $0x38;
	[tilespmem:$0x10180] =	vst v63  }
0xbc: {  	s26 =	spop (v2sf)  }
0xbd: {  	(v2sf) =	vpush v0, $0x6;
	s25 =	sand.u32 $0x1FFFFFC0, s26  }
0xbe: {  	s26 =	simm.s32 $0x4580;
	s25 =	sadd.s32 s3, s25  }
0xbf: {  	[tilespmem:s26], [sflag:$0x1] =	stream.linear.gather [hbm4b:s25+s2], $0x180, $0x38;
	[tilespmem:$0x10180] =	vst v63  }
0xc0: {  	s26 =	spop (v2sf)  }
0xc1: {  	(v2sf) =	vpush v0, $0x7;
	s25 =	sand.u32 $0x1FFFFFC0, s26  }
0xc2: {  	s26 =	simm.s32 $0x4780;
	s25 =	sadd.s32 s3, s25  }
0xc3: {  	[tilespmem:s26], [sflag:$0x1] =	stream.linear.gather [hbm4b:s25+s2], $0x180, $0x38;
	[tilespmem:$0x10180] =	vst v63  }
0xc4: {  	s26 =	spop (v2sf)  }
0xc5: {  	(v2sf) =	vpush v0, $0x8;
	s25 =	sand.u32 $0x1FFFFFC0, s26  }
0xc6: {  	s26 =	simm.s32 $0x4980;
	s25 =	sadd.s32 s3, s25  }
0xc7: {  	[tilespmem:s26], [sflag:$0x1] =	stream.linear.gather [hbm4b:s25+s2], $0x180, $0x38;
	[tilespmem:$0x10180] =	vst v63  }
0xc8: {  	s26 =	spop (v2sf)  }
0xc9: {  	(v2sf) =	vpush v0, $0x9;
	s25 =	sand.u32 $0x1FFFFFC0, s26  }
0xca: {  	s26 =	simm.s32 $0x4B80;
	s25 =	sadd.s32 s3, s25  }
0xcb: {  	[tilespmem:s26], [sflag:$0x1] =	stream.linear.gather [hbm4b:s25+s2], $0x180, $0x38;
	[tilespmem:$0x10180] =	vst v63  }
0xcc: {  	s26 =	spop (v2sf)  }
0xcd: {  	(v2sf) =	vpush v0, $0xA;
	s25 =	sand.u32 $0x1FFFFFC0, s26  }
0xce: {  	s26 =	simm.s32 $0x4D80;
	s25 =	sadd.s32 s3, s25  }
0xcf: {  	[tilespmem:s26], [sflag:$0x1] =	stream.linear.gather [hbm4b:s25+s2], $0x180, $0x38;
	[tilespmem:$0x10180] =	vst v63  }
0xd0: {  	s26 =	spop (v2sf)  }
0xd1: {  	(v2sf) =	vpush v0, $0xB;
	s25 =	sand.u32 $0x1FFFFFC0, s26  }
0xd2: {  	s26 =	simm.s32 $0x4F80;
	s25 =	sadd.s32 s3, s25  }
0xd3: {  	[tilespmem:s26], [sflag:$0x1] =	stream.linear.gather [hbm4b:s25+s2], $0x180, $0x38;
	[tilespmem:$0x10180] =	vst v63  }
0xd4: {  	s26 =	spop (v2sf)  }
0xd5: {  	(v2sf) =	vpush v0, $0xC;
	s25 =	sand.u32 $0x1FFFFFC0, s26  }
0xd6: {  	s26 =	simm.s32 $0x5180;
	s25 =	sadd.s32 s3, s25  }
0xd7: {  	[tilespmem:s26], [sflag:$0x1] =	stream.linear.gather [hbm4b:s25+s2], $0x180, $0x38;
	[tilespmem:$0x10180] =	vst v63  }
0xd8: {  	s26 =	spop (v2sf)  }
0xd9: {  	(v2sf) =	vpush v0, $0xD;
	s25 =	sand.u32 $0x1FFFFFC0, s26  }
0xda: {  	s26 =	simm.s32 $0x5380;
	s25 =	sadd.s32 s3, s25  }
0xdb: {  	[tilespmem:s26], [sflag:$0x1] =	stream.linear.gather [hbm4b:s25+s2], $0x180, $0x38;
	[tilespmem:$0x10180] =	vst v63  }
0xdc: {  	s26 =	spop (v2sf)  }
0xdd: {  	(v2sf) =	vpush v0, $0xE;
	s25 =	sand.u32 $0x1FFFFFC0, s26  }
0xde: {  	s26 =	simm.s32 $0x5580;
	s25 =	sadd.s32 s3, s25  }
0xdf: {  	[tilespmem:s26], [sflag:$0x1] =	stream.linear.gather [hbm4b:s25+s2], $0x180, $0x38;
	[tilespmem:$0x10180] =	vst v63  }
0xe0: {  	s26 =	spop (v2sf)  }
0xe1: {  	(v2sf) =	vpush v0, $0xF;
	s25 =	sand.u32 $0x1FFFFFC0, s26  }
0xe2: {  	s26 =	simm.s32 $0x5780;
	s25 =	sadd.s32 s3, s25  }
0xe3: {  	[tilespmem:s26], [sflag:$0x1] =	stream.linear.gather [hbm4b:s25+s2], $0x180, $0x38;
	[tilespmem:$0x10180] =	vst v63  }
0xe4: {  	s26 =	spop (v2sf)  }
0xe5: {  	s25 =	sand.u32 $0x1FFFFFC0, s26  }
0xe6: {  	s26 =	simm.s32 $0x5980;
	s25 =	sadd.s32 s3, s25  }
0xe7: {  	[tilespmem:s26], [sflag:$0x1] =	stream.linear.gather [hbm4b:s25+s2], $0x180, $0x38;
	[tilespmem:$0x10180] =	vst v63  }
0xe8: {  	s26 =	spop (v2sf)  }
0xe9: {  	s25 =	sand.u32 $0x1FFFFFC0, s26  }
0xea: {  	s26 =	simm.s32 $0x5B80;
	s25 =	sadd.s32 s3, s25  }
0xeb: {  	[tilespmem:s26], [sflag:$0x1] =	stream.linear.gather [hbm4b:s25+s2], $0x180, $0x38;
	[tilespmem:$0x10180] =	vst v63  }
0xec: {  	s26 =	spop (v2sf)  }
0xed: {  	s25 =	sand.u32 $0x1FFFFFC0, s26  }
0xee: {  	s26 =	simm.s32 $0x5D80;
	s25 =	sadd.s32 s3, s25  }
0xef: {  	[tilespmem:s26], [sflag:$0x1] =	stream.linear.gather [hbm4b:s25+s2], $0x180, $0x38;
	[tilespmem:$0x10180] =	vst v63  }
0xf0: {  	s26 =	spop (v2sf)  }
0xf1: {  	s25 =	sand.u32 $0x1FFFFFC0, s26  }
0xf2: {  	s26 =	simm.s32 $0x5F80;
	s25 =	sadd.s32 s3, s25  }
0xf3: {  	[tilespmem:s26], [sflag:$0x1] =	stream.linear.gather [hbm4b:s25+s2], $0x180, $0x38;
	[tilespmem:$0x10180] =	vst v63  }
0xf4: {  	v59 =	vld [tilespmem:$0x30];
	_ =	sdelay $0x4  }
0xf5: {  	v0 =	vshll.u32 v59, $0x6  }
0xf6: {  	(v2sf) =	vpush v0, $0x0;
	_ =	sdelay $0x3  }
0xf7: {  	(v2sf) =	vpush v0, $0x1;
	_ =	sdelay $0x3  }
0xf8: {  	(v2sf) =	vpush v0, $0x2;
	_ =	sdelay $0x3  }
0xf9: {  	(v2sf) =	vpush v0, $0x3;
	_ =	sdelay $0x2  }
0xfa: {  	s26 =	spop (v2sf)  }
0xfb: {  	(v2sf) =	vpush v0, $0x4;
	s25 =	sand.u32 $0x1FFFFFC0, s26  }
0xfc: {  	s26 =	simm.s32 $0x6180;
	s25 =	sadd.s32 s3, s25  }
0xfd: {  	[tilespmem:s26], [sflag:$0x1] =	stream.linear.gather [hbm4b:s25+s2], $0x180, $0x38;
	[tilespmem:$0x10180] =	vst v63  }
0xfe: {  	s26 =	spop (v2sf)  }
0xff: {  	(v2sf) =	vpush v0, $0x5;
	s25 =	sand.u32 $0x1FFFFFC0, s26  }
0x100: {  	s26 =	simm.s32 $0x6380;
	s25 =	sadd.s32 s3, s25  }
0x101: {  	[tilespmem:s26], [sflag:$0x1] =	stream.linear.gather [hbm4b:s25+s2], $0x180, $0x38;
	[tilespmem:$0x10180] =	vst v63  }
0x102: {  	s26 =	spop (v2sf)  }
0x103: {  	(v2sf) =	vpush v0, $0x6;
	s25 =	sand.u32 $0x1FFFFFC0, s26  }
0x104: {  	s26 =	simm.s32 $0x6580;
	s25 =	sadd.s32 s3, s25  }
0x105: {  	[tilespmem:s26], [sflag:$0x1] =	stream.linear.gather [hbm4b:s25+s2], $0x180, $0x38;
	[tilespmem:$0x10180] =	vst v63  }
0x106: {  	s26 =	spop (v2sf)  }
0x107: {  	(v2sf) =	vpush v0, $0x7;
	s25 =	sand.u32 $0x1FFFFFC0, s26  }
0x108: {  	s26 =	simm.s32 $0x6780;
	s25 =	sadd.s32 s3, s25  }
0x109: {  	[tilespmem:s26], [sflag:$0x1] =	stream.linear.gather [hbm4b:s25+s2], $0x180, $0x38;
	[tilespmem:$0x10180] =	vst v63  }
0x10a: {  	s26 =	spop (v2sf)  }
0x10b: {  	(v2sf) =	vpush v0, $0x8;
	s25 =	sand.u32 $0x1FFFFFC0, s26  }
0x10c: {  	s26 =	simm.s32 $0x6980;
	s25 =	sadd.s32 s3, s25  }
0x10d: {  	[tilespmem:s26], [sflag:$0x1] =	stream.linear.gather [hbm4b:s25+s2], $0x180, $0x38;
	[tilespmem:$0x10180] =	vst v63  }
0x10e: {  	s26 =	spop (v2sf)  }
0x10f: {  	(v2sf) =	vpush v0, $0x9;
	s25 =	sand.u32 $0x1FFFFFC0, s26  }
0x110: {  	s26 =	simm.s32 $0x6B80;
	s25 =	sadd.s32 s3, s25  }
0x111: {  	[tilespmem:s26], [sflag:$0x1] =	stream.linear.gather [hbm4b:s25+s2], $0x180, $0x38;
	[tilespmem:$0x10180] =	vst v63  }
0x112: {  	s26 =	spop (v2sf)  }
0x113: {  	(v2sf) =	vpush v0, $0xA;
	s25 =	sand.u32 $0x1FFFFFC0, s26  }
0x114: {  	s26 =	simm.s32 $0x6D80;
	s25 =	sadd.s32 s3, s25  }
0x115: {  	[tilespmem:s26], [sflag:$0x1] =	stream.linear.gather [hbm4b:s25+s2], $0x180, $0x38;
	[tilespmem:$0x10180] =	vst v63  }
0x116: {  	s26 =	spop (v2sf)  }
0x117: {  	(v2sf) =	vpush v0, $0xB;
	s25 =	sand.u32 $0x1FFFFFC0, s26  }
0x118: {  	s26 =	simm.s32 $0x6F80;
	s25 =	sadd.s32 s3, s25  }
0x119: {  	[tilespmem:s26], [sflag:$0x1] =	stream.linear.gather [hbm4b:s25+s2], $0x180, $0x38;
	[tilespmem:$0x10180] =	vst v63  }
0x11a: {  	s26 =	spop (v2sf)  }
0x11b: {  	(v2sf) =	vpush v0, $0xC;
	s25 =	sand.u32 $0x1FFFFFC0, s26  }
0x11c: {  	s26 =	simm.s32 $0x7180;
	s25 =	sadd.s32 s3, s25  }
0x11d: {  	[tilespmem:s26], [sflag:$0x1] =	stream.linear.gather [hbm4b:s25+s2], $0x180, $0x38;
	[tilespmem:$0x10180] =	vst v63  }
0x11e: {  	s26 =	spop (v2sf)  }
0x11f: {  	(v2sf) =	vpush v0, $0xD;
	s25 =	sand.u32 $0x1FFFFFC0, s26  }
0x120: {  	s26 =	simm.s32 $0x7380;
	s25 =	sadd.s32 s3, s25  }
0x121: {  	[tilespmem:s26], [sflag:$0x1] =	stream.linear.gather [hbm4b:s25+s2], $0x180, $0x38;
	[tilespmem:$0x10180] =	vst v63  }
0x122: {  	s26 =	spop (v2sf)  }
0x123: {  	(v2sf) =	vpush v0, $0xE;
	s25 =	sand.u32 $0x1FFFFFC0, s26  }
0x124: {  	s26 =	simm.s32 $0x7580;
	s25 =	sadd.s32 s3, s25  }
0x125: {  	[tilespmem:s26], [sflag:$0x1] =	stream.linear.gather [hbm4b:s25+s2], $0x180, $0x38;
	[tilespmem:$0x10180] =	vst v63  }
0x126: {  	s26 =	spop (v2sf)  }
0x127: {  	(v2sf) =	vpush v0, $0xF;
	s25 =	sand.u32 $0x1FFFFFC0, s26  }
0x128: {  	s26 =	simm.s32 $0x7780;
	s25 =	sadd.s32 s3, s25  }
0x129: {  	[tilespmem:s26], [sflag:$0x1] =	stream.linear.gather [hbm4b:s25+s2], $0x180, $0x38;
	[tilespmem:$0x10180] =	vst v63  }
0x12a: {  	s26 =	spop (v2sf)  }
0x12b: {  	s25 =	sand.u32 $0x1FFFFFC0, s26  }
0x12c: {  	s26 =	simm.s32 $0x7980;
	s25 =	sadd.s32 s3, s25  }
0x12d: {  	[tilespmem:s26], [sflag:$0x1] =	stream.linear.gather [hbm4b:s25+s2], $0x180, $0x38;
	[tilespmem:$0x10180] =	vst v63  }
0x12e: {  	s26 =	spop (v2sf)  }
0x12f: {  	s25 =	sand.u32 $0x1FFFFFC0, s26  }
0x130: {  	s26 =	simm.s32 $0x7B80;
	s25 =	sadd.s32 s3, s25  }
0x131: {  	[tilespmem:s26], [sflag:$0x1] =	stream.linear.gather [hbm4b:s25+s2], $0x180, $0x38;
	[tilespmem:$0x10180] =	vst v63  }
0x132: {  	s26 =	spop (v2sf)  }
0x133: {  	s25 =	sand.u32 $0x1FFFFFC0, s26  }
0x134: {  	s26 =	simm.s32 $0x7D80;
	s25 =	sadd.s32 s3, s25  }
0x135: {  	[tilespmem:s26], [sflag:$0x1] =	stream.linear.gather [hbm4b:s25+s2], $0x180, $0x38;
	[tilespmem:$0x10180] =	vst v63  }
0x136: {  	s26 =	spop (v2sf)  }
0x137: {  	s25 =	sand.u32 $0x1FFFFFC0, s26  }
0x138: {  	s26 =	simm.s32 $0x7F80;
	s25 =	sadd.s32 s3, s25  }
0x139: {  	[tilespmem:s26], [sflag:$0x1] =	stream.linear.gather [hbm4b:s25+s2], $0x180, $0x38;
	[tilespmem:$0x10180] =	vst v63  }
0x13a: {  	v60 =	vld [tilespmem:$0x40];
	_ =	sdelay $0x4  }
0x13b: {  	v0 =	vshll.u32 v60, $0x6  }
0x13c: {  	(v2sf) =	vpush v0, $0x0;
	_ =	sdelay $0x3  }
0x13d: {  	(v2sf) =	vpush v0, $0x1;
	_ =	sdelay $0x3  }
0x13e: {  	(v2sf) =	vpush v0, $0x2;
	_ =	sdelay $0x3  }
0x13f: {  	(v2sf) =	vpush v0, $0x3;
	_ =	sdelay $0x2  }
0x140: {  	s26 =	spop (v2sf)  }
0x141: {  	(v2sf) =	vpush v0, $0x4;
	s25 =	sand.u32 $0x1FFFFFC0, s26  }
0x142: {  	s26 =	simm.s32 $0x8180;
	s25 =	sadd.s32 s3, s25  }
0x143: {  	[tilespmem:s26], [sflag:$0x1] =	stream.linear.gather [hbm4b:s25+s2], $0x180, $0x38;
	[tilespmem:$0x10180] =	vst v63  }
0x144: {  	s26 =	spop (v2sf)  }
0x145: {  	(v2sf) =	vpush v0, $0x5;
	s25 =	sand.u32 $0x1FFFFFC0, s26  }
0x146: {  	s26 =	simm.s32 $0x8380;
	s25 =	sadd.s32 s3, s25  }
0x147: {  	[tilespmem:s26], [sflag:$0x1] =	stream.linear.gather [hbm4b:s25+s2], $0x180, $0x38;
	[tilespmem:$0x10180] =	vst v63  }
0x148: {  	s26 =	spop (v2sf)  }
0x149: {  	(v2sf) =	vpush v0, $0x6;
	s25 =	sand.u32 $0x1FFFFFC0, s26  }
0x14a: {  	s26 =	simm.s32 $0x8580;
	s25 =	sadd.s32 s3, s25  }
0x14b: {  	[tilespmem:s26], [sflag:$0x1] =	stream.linear.gather [hbm4b:s25+s2], $0x180, $0x38;
	[tilespmem:$0x10180] =	vst v63  }
0x14c: {  	s26 =	spop (v2sf)  }
0x14d: {  	(v2sf) =	vpush v0, $0x7;
	s25 =	sand.u32 $0x1FFFFFC0, s26  }
0x14e: {  	s26 =	simm.s32 $0x8780;
	s25 =	sadd.s32 s3, s25  }
0x14f: {  	[tilespmem:s26], [sflag:$0x1] =	stream.linear.gather [hbm4b:s25+s2], $0x180, $0x38;
	[tilespmem:$0x10180] =	vst v63  }
0x150: {  	s26 =	spop (v2sf)  }
0x151: {  	(v2sf) =	vpush v0, $0x8;
	s25 =	sand.u32 $0x1FFFFFC0, s26  }
0x152: {  	s26 =	simm.s32 $0x8980;
	s25 =	sadd.s32 s3, s25  }
0x153: {  	[tilespmem:s26], [sflag:$0x1] =	stream.linear.gather [hbm4b:s25+s2], $0x180, $0x38;
	[tilespmem:$0x10180] =	vst v63  }
0x154: {  	s26 =	spop (v2sf)  }
0x155: {  	(v2sf) =	vpush v0, $0x9;
	s25 =	sand.u32 $0x1FFFFFC0, s26  }
0x156: {  	s26 =	simm.s32 $0x8B80;
	s25 =	sadd.s32 s3, s25  }
0x157: {  	[tilespmem:s26], [sflag:$0x1] =	stream.linear.gather [hbm4b:s25+s2], $0x180, $0x38;
	[tilespmem:$0x10180] =	vst v63  }
0x158: {  	s26 =	spop (v2sf)  }
0x159: {  	(v2sf) =	vpush v0, $0xA;
	s25 =	sand.u32 $0x1FFFFFC0, s26  }
0x15a: {  	s26 =	simm.s32 $0x8D80;
	s25 =	sadd.s32 s3, s25  }
0x15b: {  	[tilespmem:s26], [sflag:$0x1] =	stream.linear.gather [hbm4b:s25+s2], $0x180, $0x38;
	[tilespmem:$0x10180] =	vst v63  }
0x15c: {  	s26 =	spop (v2sf)  }
0x15d: {  	(v2sf) =	vpush v0, $0xB;
	s25 =	sand.u32 $0x1FFFFFC0, s26  }
0x15e: {  	s26 =	simm.s32 $0x8F80;
	s25 =	sadd.s32 s3, s25  }
0x15f: {  	[tilespmem:s26], [sflag:$0x1] =	stream.linear.gather [hbm4b:s25+s2], $0x180, $0x38;
	[tilespmem:$0x10180] =	vst v63  }
0x160: {  	s26 =	spop (v2sf)  }
0x161: {  	(v2sf) =	vpush v0, $0xC;
	s25 =	sand.u32 $0x1FFFFFC0, s26  }
0x162: {  	s26 =	simm.s32 $0x9180;
	s25 =	sadd.s32 s3, s25  }
0x163: {  	[tilespmem:s26], [sflag:$0x1] =	stream.linear.gather [hbm4b:s25+s2], $0x180, $0x38;
	[tilespmem:$0x10180] =	vst v63  }
0x164: {  	s26 =	spop (v2sf)  }
0x165: {  	(v2sf) =	vpush v0, $0xD;
	s25 =	sand.u32 $0x1FFFFFC0, s26  }
0x166: {  	s26 =	simm.s32 $0x9380;
	s25 =	sadd.s32 s3, s25  }
0x167: {  	[tilespmem:s26], [sflag:$0x1] =	stream.linear.gather [hbm4b:s25+s2], $0x180, $0x38;
	[tilespmem:$0x10180] =	vst v63  }
0x168: {  	s26 =	spop (v2sf)  }
0x169: {  	(v2sf) =	vpush v0, $0xE;
	s25 =	sand.u32 $0x1FFFFFC0, s26  }
0x16a: {  	s26 =	simm.s32 $0x9580;
	s25 =	sadd.s32 s3, s25  }
0x16b: {  	[tilespmem:s26], [sflag:$0x1] =	stream.linear.gather [hbm4b:s25+s2], $0x180, $0x38;
	[tilespmem:$0x10180] =	vst v63  }
0x16c: {  	s26 =	spop (v2sf)  }
0x16d: {  	(v2sf) =	vpush v0, $0xF;
	s25 =	sand.u32 $0x1FFFFFC0, s26  }
0x16e: {  	s26 =	simm.s32 $0x9780;
	s25 =	sadd.s32 s3, s25  }
0x16f: {  	[tilespmem:s26], [sflag:$0x1] =	stream.linear.gather [hbm4b:s25+s2], $0x180, $0x38;
	[tilespmem:$0x10180] =	vst v63  }
0x170: {  	s26 =	spop (v2sf)  }
0x171: {  	s25 =	sand.u32 $0x1FFFFFC0, s26  }
0x172: {  	s26 =	simm.s32 $0x9980;
	s25 =	sadd.s32 s3, s25  }
0x173: {  	[tilespmem:s26], [sflag:$0x1] =	stream.linear.gather [hbm4b:s25+s2], $0x180, $0x38;
	[tilespmem:$0x10180] =	vst v63  }
0x174: {  	s26 =	spop (v2sf)  }
0x175: {  	s25 =	sand.u32 $0x1FFFFFC0, s26  }
0x176: {  	s26 =	simm.s32 $0x9B80;
	s25 =	sadd.s32 s3, s25  }
0x177: {  	[tilespmem:s26], [sflag:$0x1] =	stream.linear.gather [hbm4b:s25+s2], $0x180, $0x38;
	[tilespmem:$0x10180] =	vst v63  }
0x178: {  	s26 =	spop (v2sf)  }
0x179: {  	s25 =	sand.u32 $0x1FFFFFC0, s26  }
0x17a: {  	s26 =	simm.s32 $0x9D80;
	s25 =	sadd.s32 s3, s25  }
0x17b: {  	[tilespmem:s26], [sflag:$0x1] =	stream.linear.gather [hbm4b:s25+s2], $0x180, $0x38;
	[tilespmem:$0x10180] =	vst v63  }
0x17c: {  	s26 =	spop (v2sf)  }
0x17d: {  	s25 =	sand.u32 $0x1FFFFFC0, s26  }
0x17e: {  	s26 =	simm.s32 $0x9F80;
	s25 =	sadd.s32 s3, s25  }
0x17f: {  	[tilespmem:s26], [sflag:$0x1] =	stream.linear.gather [hbm4b:s25+s2], $0x180, $0x38;
	[tilespmem:$0x10180] =	vst v63  }
0x180: {  	v61 =	vld [tilespmem:$0x50];
	_ =	sdelay $0x4  }
0x181: {  	v0 =	vshll.u32 v61, $0x6  }
0x182: {  	(v2sf) =	vpush v0, $0x0;
	_ =	sdelay $0x3  }
0x183: {  	(v2sf) =	vpush v0, $0x1;
	_ =	sdelay $0x3  }
0x184: {  	(v2sf) =	vpush v0, $0x2;
	_ =	sdelay $0x3  }
0x185: {  	(v2sf) =	vpush v0, $0x3;
	_ =	sdelay $0x2  }
0x186: {  	s26 =	spop (v2sf)  }
0x187: {  	(v2sf) =	vpush v0, $0x4;
	s25 =	sand.u32 $0x1FFFFFC0, s26  }
0x188: {  	s26 =	simm.s32 $0xA180;
	s25 =	sadd.s32 s3, s25  }
0x189: {  	[tilespmem:s26], [sflag:$0x1] =	stream.linear.gather [hbm4b:s25+s2], $0x180, $0x38;
	[tilespmem:$0x10180] =	vst v63  }
0x18a: {  	s26 =	spop (v2sf)  }
0x18b: {  	(v2sf) =	vpush v0, $0x5;
	s25 =	sand.u32 $0x1FFFFFC0, s26  }
0x18c: {  	s26 =	simm.s32 $0xA380;
	s25 =	sadd.s32 s3, s25  }
0x18d: {  	[tilespmem:s26], [sflag:$0x1] =	stream.linear.gather [hbm4b:s25+s2], $0x180, $0x38;
	[tilespmem:$0x10180] =	vst v63  }
0x18e: {  	s26 =	spop (v2sf)  }
0x18f: {  	(v2sf) =	vpush v0, $0x6;
	s25 =	sand.u32 $0x1FFFFFC0, s26  }
0x190: {  	s26 =	simm.s32 $0xA580;
	s25 =	sadd.s32 s3, s25  }
0x191: {  	[tilespmem:s26], [sflag:$0x1] =	stream.linear.gather [hbm4b:s25+s2], $0x180, $0x38;
	[tilespmem:$0x10180] =	vst v63  }
0x192: {  	s26 =	spop (v2sf)  }
0x193: {  	(v2sf) =	vpush v0, $0x7;
	s25 =	sand.u32 $0x1FFFFFC0, s26  }
0x194: {  	s26 =	simm.s32 $0xA780;
	s25 =	sadd.s32 s3, s25  }
0x195: {  	[tilespmem:s26], [sflag:$0x1] =	stream.linear.gather [hbm4b:s25+s2], $0x180, $0x38;
	[tilespmem:$0x10180] =	vst v63  }
0x196: {  	s26 =	spop (v2sf)  }
0x197: {  	(v2sf) =	vpush v0, $0x8;
	s25 =	sand.u32 $0x1FFFFFC0, s26  }
0x198: {  	s26 =	simm.s32 $0xA980;
	s25 =	sadd.s32 s3, s25  }
0x199: {  	[tilespmem:s26], [sflag:$0x1] =	stream.linear.gather [hbm4b:s25+s2], $0x180, $0x38;
	[tilespmem:$0x10180] =	vst v63  }
0x19a: {  	s26 =	spop (v2sf)  }
0x19b: {  	(v2sf) =	vpush v0, $0x9;
	s25 =	sand.u32 $0x1FFFFFC0, s26  }
0x19c: {  	s26 =	simm.s32 $0xAB80;
	s25 =	sadd.s32 s3, s25  }
0x19d: {  	[tilespmem:s26], [sflag:$0x1] =	stream.linear.gather [hbm4b:s25+s2], $0x180, $0x38;
	[tilespmem:$0x10180] =	vst v63  }
0x19e: {  	s26 =	spop (v2sf)  }
0x19f: {  	(v2sf) =	vpush v0, $0xA;
	s25 =	sand.u32 $0x1FFFFFC0, s26  }
0x1a0: {  	s26 =	simm.s32 $0xAD80;
	s25 =	sadd.s32 s3, s25  }
0x1a1: {  	[tilespmem:s26], [sflag:$0x1] =	stream.linear.gather [hbm4b:s25+s2], $0x180, $0x38;
	[tilespmem:$0x10180] =	vst v63  }
0x1a2: {  	s26 =	spop (v2sf)  }
0x1a3: {  	(v2sf) =	vpush v0, $0xB;
	s25 =	sand.u32 $0x1FFFFFC0, s26  }
0x1a4: {  	s26 =	simm.s32 $0xAF80;
	s25 =	sadd.s32 s3, s25  }
0x1a5: {  	[tilespmem:s26], [sflag:$0x1] =	stream.linear.gather [hbm4b:s25+s2], $0x180, $0x38;
	[tilespmem:$0x10180] =	vst v63  }
0x1a6: {  	s26 =	spop (v2sf)  }
0x1a7: {  	(v2sf) =	vpush v0, $0xC;
	s25 =	sand.u32 $0x1FFFFFC0, s26  }
0x1a8: {  	s26 =	simm.s32 $0xB180;
	s25 =	sadd.s32 s3, s25  }
0x1a9: {  	[tilespmem:s26], [sflag:$0x1] =	stream.linear.gather [hbm4b:s25+s2], $0x180, $0x38;
	[tilespmem:$0x10180] =	vst v63  }
0x1aa: {  	s26 =	spop (v2sf)  }
0x1ab: {  	(v2sf) =	vpush v0, $0xD;
	s25 =	sand.u32 $0x1FFFFFC0, s26  }
0x1ac: {  	s26 =	simm.s32 $0xB380;
	s25 =	sadd.s32 s3, s25  }
0x1ad: {  	[tilespmem:s26], [sflag:$0x1] =	stream.linear.gather [hbm4b:s25+s2], $0x180, $0x38;
	[tilespmem:$0x10180] =	vst v63  }
0x1ae: {  	s26 =	spop (v2sf)  }
0x1af: {  	(v2sf) =	vpush v0, $0xE;
	s25 =	sand.u32 $0x1FFFFFC0, s26  }
0x1b0: {  	s26 =	simm.s32 $0xB580;
	s25 =	sadd.s32 s3, s25  }
0x1b1: {  	[tilespmem:s26], [sflag:$0x1] =	stream.linear.gather [hbm4b:s25+s2], $0x180, $0x38;
	[tilespmem:$0x10180] =	vst v63  }
0x1b2: {  	s26 =	spop (v2sf)  }
0x1b3: {  	(v2sf) =	vpush v0, $0xF;
	s25 =	sand.u32 $0x1FFFFFC0, s26  }
0x1b4: {  	s26 =	simm.s32 $0xB780;
	s25 =	sadd.s32 s3, s25  }
0x1b5: {  	[tilespmem:s26], [sflag:$0x1] =	stream.linear.gather [hbm4b:s25+s2], $0x180, $0x38;
	[tilespmem:$0x10180] =	vst v63  }
0x1b6: {  	s26 =	spop (v2sf)  }
0x1b7: {  	s25 =	sand.u32 $0x1FFFFFC0, s26  }
0x1b8: {  	s26 =	simm.s32 $0xB980;
	s25 =	sadd.s32 s3, s25  }
0x1b9: {  	[tilespmem:s26], [sflag:$0x1] =	stream.linear.gather [hbm4b:s25+s2], $0x180, $0x38;
	[tilespmem:$0x10180] =	vst v63  }
0x1ba: {  	s26 =	spop (v2sf)  }
0x1bb: {  	s25 =	sand.u32 $0x1FFFFFC0, s26  }
0x1bc: {  	s26 =	simm.s32 $0xBB80;
	s25 =	sadd.s32 s3, s25  }
0x1bd: {  	[tilespmem:s26], [sflag:$0x1] =	stream.linear.gather [hbm4b:s25+s2], $0x180, $0x38;
	[tilespmem:$0x10180] =	vst v63  }
0x1be: {  	s26 =	spop (v2sf)  }
0x1bf: {  	s25 =	sand.u32 $0x1FFFFFC0, s26  }
0x1c0: {  	s26 =	simm.s32 $0xBD80;
	s25 =	sadd.s32 s3, s25  }
0x1c1: {  	[tilespmem:s26], [sflag:$0x1] =	stream.linear.gather [hbm4b:s25+s2], $0x180, $0x38;
	[tilespmem:$0x10180] =	vst v63  }
0x1c2: {  	s26 =	spop (v2sf)  }
0x1c3: {  	s25 =	sand.u32 $0x1FFFFFC0, s26  }
0x1c4: {  	s26 =	simm.s32 $0xBF80;
	s25 =	sadd.s32 s3, s25  }
0x1c5: {  	[tilespmem:s26], [sflag:$0x1] =	stream.linear.gather [hbm4b:s25+s2], $0x180, $0x38;
	[tilespmem:$0x10180] =	vst v63  }
0x1c6: {  	v62 =	vld [tilespmem:$0x60];
	_ =	sdelay $0x4  }
0x1c7: {  	v0 =	vshll.u32 v62, $0x6  }
0x1c8: {  	(v2sf) =	vpush v0, $0x0;
	_ =	sdelay $0x3  }
0x1c9: {  	(v2sf) =	vpush v0, $0x1;
	_ =	sdelay $0x3  }
0x1ca: {  	(v2sf) =	vpush v0, $0x2;
	_ =	sdelay $0x3  }
0x1cb: {  	(v2sf) =	vpush v0, $0x3;
	_ =	sdelay $0x2  }
0x1cc: {  	s26 =	spop (v2sf)  }
0x1cd: {  	(v2sf) =	vpush v0, $0x4;
	s25 =	sand.u32 $0x1FFFFFC0, s26  }
0x1ce: {  	s26 =	simm.s32 $0xC180;
	s25 =	sadd.s32 s3, s25  }
0x1cf: {  	[tilespmem:s26], [sflag:$0x1] =	stream.linear.gather [hbm4b:s25+s2], $0x180, $0x38;
	[tilespmem:$0x10180] =	vst v63  }
0x1d0: {  	s26 =	spop (v2sf)  }
0x1d1: {  	(v2sf) =	vpush v0, $0x5;
	s25 =	sand.u32 $0x1FFFFFC0, s26  }
0x1d2: {  	s26 =	simm.s32 $0xC380;
	s25 =	sadd.s32 s3, s25  }
0x1d3: {  	[tilespmem:s26], [sflag:$0x1] =	stream.linear.gather [hbm4b:s25+s2], $0x180, $0x38;
	[tilespmem:$0x10180] =	vst v63  }
0x1d4: {  	s26 =	spop (v2sf)  }
0x1d5: {  	(v2sf) =	vpush v0, $0x6;
	s25 =	sand.u32 $0x1FFFFFC0, s26  }
0x1d6: {  	s26 =	simm.s32 $0xC580;
	s25 =	sadd.s32 s3, s25  }
0x1d7: {  	[tilespmem:s26], [sflag:$0x1] =	stream.linear.gather [hbm4b:s25+s2], $0x180, $0x38;
	[tilespmem:$0x10180] =	vst v63  }
0x1d8: {  	s26 =	spop (v2sf)  }
0x1d9: {  	(v2sf) =	vpush v0, $0x7;
	s25 =	sand.u32 $0x1FFFFFC0, s26  }
0x1da: {  	s26 =	simm.s32 $0xC780;
	s25 =	sadd.s32 s3, s25  }
0x1db: {  	[tilespmem:s26], [sflag:$0x1] =	stream.linear.gather [hbm4b:s25+s2], $0x180, $0x38;
	[tilespmem:$0x10180] =	vst v63  }
0x1dc: {  	s26 =	spop (v2sf)  }
0x1dd: {  	(v2sf) =	vpush v0, $0x8;
	s25 =	sand.u32 $0x1FFFFFC0, s26  }
0x1de: {  	s26 =	simm.s32 $0xC980;
	s25 =	sadd.s32 s3, s25  }
0x1df: {  	[tilespmem:s26], [sflag:$0x1] =	stream.linear.gather [hbm4b:s25+s2], $0x180, $0x38;
	[tilespmem:$0x10180] =	vst v63  }
0x1e0: {  	s26 =	spop (v2sf)  }
0x1e1: {  	(v2sf) =	vpush v0, $0x9;
	s25 =	sand.u32 $0x1FFFFFC0, s26  }
0x1e2: {  	s26 =	simm.s32 $0xCB80;
	s25 =	sadd.s32 s3, s25  }
0x1e3: {  	[tilespmem:s26], [sflag:$0x1] =	stream.linear.gather [hbm4b:s25+s2], $0x180, $0x38;
	[tilespmem:$0x10180] =	vst v63  }
0x1e4: {  	s26 =	spop (v2sf)  }
0x1e5: {  	(v2sf) =	vpush v0, $0xA;
	s25 =	sand.u32 $0x1FFFFFC0, s26  }
0x1e6: {  	s26 =	simm.s32 $0xCD80;
	s25 =	sadd.s32 s3, s25  }
0x1e7: {  	[tilespmem:s26], [sflag:$0x1] =	stream.linear.gather [hbm4b:s25+s2], $0x180, $0x38;
	[tilespmem:$0x10180] =	vst v63  }
0x1e8: {  	s26 =	spop (v2sf)  }
0x1e9: {  	(v2sf) =	vpush v0, $0xB;
	s25 =	sand.u32 $0x1FFFFFC0, s26  }
0x1ea: {  	s26 =	simm.s32 $0xCF80;
	s25 =	sadd.s32 s3, s25  }
0x1eb: {  	[tilespmem:s26], [sflag:$0x1] =	stream.linear.gather [hbm4b:s25+s2], $0x180, $0x38;
	[tilespmem:$0x10180] =	vst v63  }
0x1ec: {  	s26 =	spop (v2sf)  }
0x1ed: {  	(v2sf) =	vpush v0, $0xC;
	s25 =	sand.u32 $0x1FFFFFC0, s26  }
0x1ee: {  	s26 =	simm.s32 $0xD180;
	s25 =	sadd.s32 s3, s25  }
0x1ef: {  	[tilespmem:s26], [sflag:$0x1] =	stream.linear.gather [hbm4b:s25+s2], $0x180, $0x38;
	[tilespmem:$0x10180] =	vst v63  }
0x1f0: {  	s26 =	spop (v2sf)  }
0x1f1: {  	(v2sf) =	vpush v0, $0xD;
	s25 =	sand.u32 $0x1FFFFFC0, s26  }
0x1f2: {  	s26 =	simm.s32 $0xD380;
	s25 =	sadd.s32 s3, s25  }
0x1f3: {  	[tilespmem:s26], [sflag:$0x1] =	stream.linear.gather [hbm4b:s25+s2], $0x180, $0x38;
	[tilespmem:$0x10180] =	vst v63  }
0x1f4: {  	s26 =	spop (v2sf)  }
0x1f5: {  	(v2sf) =	vpush v0, $0xE;
	s25 =	sand.u32 $0x1FFFFFC0, s26  }
0x1f6: {  	s26 =	simm.s32 $0xD580;
	s25 =	sadd.s32 s3, s25  }
0x1f7: {  	[tilespmem:s26], [sflag:$0x1] =	stream.linear.gather [hbm4b:s25+s2], $0x180, $0x38;
	[tilespmem:$0x10180] =	vst v63  }
0x1f8: {  	s26 =	spop (v2sf)  }
0x1f9: {  	(v2sf) =	vpush v0, $0xF;
	s25 =	sand.u32 $0x1FFFFFC0, s26  }
0x1fa: {  	s26 =	simm.s32 $0xD780;
	s25 =	sadd.s32 s3, s25  }
0x1fb: {  	[tilespmem:s26], [sflag:$0x1] =	stream.linear.gather [hbm4b:s25+s2], $0x180, $0x38;
	[tilespmem:$0x10180] =	vst v63  }
0x1fc: {  	s26 =	spop (v2sf)  }
0x1fd: {  	s25 =	sand.u32 $0x1FFFFFC0, s26  }
0x1fe: {  	s26 =	simm.s32 $0xD980;
	s25 =	sadd.s32 s3, s25  }
0x1ff: {  	[tilespmem:s26], [sflag:$0x1] =	stream.linear.gather [hbm4b:s25+s2], $0x180, $0x38;
	[tilespmem:$0x10180] =	vst v63  }
0x200: {  	s26 =	spop (v2sf)  }
0x201: {  	s25 =	sand.u32 $0x1FFFFFC0, s26  }
0x202: {  	s26 =	simm.s32 $0xDB80;
	s25 =	sadd.s32 s3, s25  }
0x203: {  	[tilespmem:s26], [sflag:$0x1] =	stream.linear.gather [hbm4b:s25+s2], $0x180, $0x38;
	[tilespmem:$0x10180] =	vst v63  }
0x204: {  	s26 =	spop (v2sf)  }
0x205: {  	s25 =	sand.u32 $0x1FFFFFC0, s26  }
0x206: {  	s25 =	sadd.s32 s3, s25  }
0x207: {  	[tilespmem:s29], [sflag:$0x1] =	stream.linear.gather [hbm4b:s25+s2], $0x180, $0x38;
	[tilespmem:$0x10180] =	vst v63  }
0x208: {  	s26 =	spop (v2sf)  }
0x209: {  	s25 =	sand.u32 $0x1FFFFFC0, s26  }
0x20a: {  	s25 =	sadd.s32 s3, s25  }
0x20b: {  	[tilespmem:s30], [sflag:$0x1] =	stream.linear.gather [hbm4b:s25+s2], $0x180, $0x38;
	[tilespmem:$0x10180] =	vst v63  }
0x20c: {  	v63 =	vld [tilespmem:$0x70];
	_ =	sdelay $0x4  }
0x20d: {  	v0 =	vshll.u32 v63, $0x6  }
0x20e: {  	(v2sf) =	vpush v0, $0x0;
	_ =	sdelay $0x1  }
0x20f: {  	(v2sf) =	vpush v0, $0x1;
	_ =	sdelay $0x2  }
0x210: {  	(v2sf) =	vpush v0, $0x2;
	_ =	sdelay $0x1  }
0x211: {  	(v2sf) =	vpush v0, $0x3;
	_ =	sdelay $0x2  }
0x212: {  	(v2sf) =	vpush v0, $0x4;
	_ =	sdelay $0x4  }
0x213: {  	s26 =	spop (v2sf);
	(v2sf) =	vpush v0, $0x5  }
0x214: {  	s25 =	sand.u32 $0x1FFFFFC0, s26  }
0x215: {  	s26 =	spop (v2sf);
	s25 =	sadd.s32 s3, s25  }
0x216: {  	[tilespmem:s31], [sflag:$0x1] =	stream.linear.gather [hbm4b:s25+s2], $0x180, $0x38;
	[tilespmem:$0x10180] =	vst v63  }
0x217: {  	s25 =	sand.u32 $0x1FFFFFC0, s26  }
0x218: {  	s26 =	spop (v2sf);
	(v2sf) =	vpush v0, $0x6;
	s25 =	sadd.s32 s3, s25  }
0x219: {  	[tilespmem:s0], [sflag:$0x1] =	stream.linear.gather [hbm4b:s25+s2], $0x180, $0x38;
	[tilespmem:$0x10180] =	vst v63  }
0x21a: {  	s25 =	sand.u32 $0x1FFFFFC0, s26;
	s26 =	spop (v2sf);
	(v2sf) =	vpush v0, $0x7  }
0x21b: {  	s25 =	sadd.s32 s3, s25  }
0x21c: {  	[tilespmem:s1], [sflag:$0x1] =	stream.linear.gather [hbm4b:s25+s2], $0x180, $0x38;
	[tilespmem:$0x10180] =	vst v63  }
0x21d: {  	s25 =	sand.u32 $0x1FFFFFC0, s26;
	s26 =	spop (v2sf);
	(v2sf) =	vpush v0, $0x8;
	_ =	sdelay $0x1  }
0x21e: {  	s25 =	sadd.s32 s3, s25  }
0x21f: {  	[tilespmem:s13], [sflag:$0x1] =	stream.linear.gather [hbm4b:s25+s2], $0x180, $0x38;
	[tilespmem:$0x10180] =	vst v63  }
0x220: {  	s25 =	sand.u32 $0x1FFFFFC0, s26  }
0x221: {  	s25 =	sadd.s32 s3, s25;
	s26 =	spop (v2sf);
	(v2sf) =	vpush v0, $0x9  }
0x222: {  	[tilespmem:s14], [sflag:$0x1] =	stream.linear.gather [hbm4b:s25+s2], $0x180, $0x38;
	[tilespmem:$0x10180] =	vst v63  }
0x223: {  	s25 =	sand.u32 $0x1FFFFFC0, s26;
	(v2sf) =	vpush v0, $0xA  }
0x224: {  	s25 =	sadd.s32 s3, s25  }
0x225: {  	[tilespmem:s5], [sflag:$0x1] =	stream.linear.gather [hbm4b:s25+s2], $0x180, $0x38;
	[tilespmem:$0x10180] =	vst v63  }
0x226: {  	s26 =	spop (v2sf);
	(v2sf) =	vpush v0, $0xB  }
0x227: {  	s25 =	sand.u32 $0x1FFFFFC0, s26  }
0x228: {  	s25 =	sadd.s32 s3, s25;
	s26 =	spop (v2sf)  }
0x229: {  	(v2sf) =	vpush v0, $0xC;
	[tilespmem:s6], [sflag:$0x1] =	stream.linear.gather [hbm4b:s25+s2], $0x180, $0x38;
	[tilespmem:$0x10180] =	vst v63  }
0x22a: {  	s25 =	sand.u32 $0x1FFFFFC0, s26  }
0x22b: {  	s25 =	sadd.s32 s3, s25;
	s26 =	spop (v2sf)  }
0x22c: {  	(v2sf) =	vpush v0, $0xD;
	[tilespmem:s7], [sflag:$0x1] =	stream.linear.gather [hbm4b:s25+s2], $0x180, $0x38;
	[tilespmem:$0x10180] =	vst v63  }
0x22d: {  	s25 =	sand.u32 $0x1FFFFFC0, s26  }
0x22e: {  	s25 =	sadd.s32 s3, s25  }
0x22f: {  	[tilespmem:s11], [sflag:$0x1] =	stream.linear.gather [hbm4b:s25+s2], $0x180, $0x38;
	[tilespmem:$0x10180] =	vst v63  }
0x230: {  	s26 =	spop (v2sf)  }
0x231: {  	(v2sf) =	vpush v0, $0xE;
	s25 =	sand.u32 $0x1FFFFFC0, s26  }
0x232: {  	s26 =	spop (v2sf);
	s25 =	sadd.s32 s3, s25  }
0x233: {  	(v2sf) =	vpush v0, $0xF;
	[tilespmem:s15], [sflag:$0x1] =	stream.linear.gather [hbm4b:s25+s2], $0x180, $0x38;
	[tilespmem:$0x10180] =	vst v63  }
0x234: {  	s25 =	sand.u32 $0x1FFFFFC0, s26  }
0x235: {  	s26 =	spop (v2sf);
	s25 =	sadd.s32 s3, s25  }
0x236: {  	[tilespmem:s16], [sflag:$0x1] =	stream.linear.gather [hbm4b:s25+s2], $0x180, $0x38;
	[tilespmem:$0x10180] =	vst v63  }
0x237: {  	s25 =	sand.u32 $0x1FFFFFC0, s26  }
0x238: {  	s26 =	spop (v2sf);
	s25 =	sadd.s32 s3, s25  }
0x239: {  	[tilespmem:s17], [sflag:$0x1] =	stream.linear.gather [hbm4b:s25+s2], $0x180, $0x38;
	[tilespmem:$0x10180] =	vst v63  }
0x23a: {  	s25 =	sand.u32 $0x1FFFFFC0, s26  }
0x23b: {  	s26 =	spop (v2sf);
	s25 =	sadd.s32 s3, s25  }
0x23c: {  	[tilespmem:s18], [sflag:$0x1] =	stream.linear.gather [hbm4b:s25+s2], $0x180, $0x38;
	[tilespmem:$0x10180] =	vst v63  }
0x23d: {  	s25 =	sand.u32 $0x1FFFFFC0, s26  }
0x23e: {  	s25 =	sadd.s32 s3, s25  }
0x23f: {  	[tilespmem:s19], [sflag:$0x1] =	stream.linear.gather [hbm4b:s25+s2], $0x180, $0x38;
	[tilespmem:$0x10180] =	vst v63  }
0x240: {  	s26 =	spop (v2sf)  }
0x241: {  	s26 =	sand.u32 $0x1FFFFFC0, s26  }
0x242: {  	s25 =	sadd.s32 s3, s26;
	s26 =	spop (v2sf)  }
0x243: {  	[tilespmem:s20], [sflag:$0x1] =	stream.linear.gather [hbm4b:s25+s2], $0x180, $0x38;
	[tilespmem:$0x10180] =	vst v63  }
0x244: {  	s25 =	sand.u32 $0x1FFFFFC0, s26  }
0x245: {  	s25 =	sadd.s32 s3, s25  }
0x246: {  	[tilespmem:s21], [sflag:$0x1] =	stream.linear.gather [hbm4b:s25+s2], $0x180, $0x38;
	[tilespmem:$0x10180] =	vst v63  }
0x247: {  	_ =	swait.ge [sflag:s22], $0xC000  }
0x248: {  	s28 =	sadd.s32 $0x0, s8;
	[sflag:s22] =	ssyncset.done $0x0  }
0x249: {  	s26 =	simm.s32 $0x380;
	s25 =	simm.s32 $0x40;
	[sflag:s22] =	ssyncadd.s32 $0xFFFF4000  }
.LBB2_2:
0x24a: {  	[hbm4b:s28+s2] =	stream.linear.scatter [tilespmem:s24], [sflag:$0x2], $0x180, $0x38;
	[tilespmem:$0x10180] =	vst v63  }
0x24b: {  	s28 =	smov.u32 s25;
	s24 =	smov.u32 s26;
	p0 =	sne.s32 s25, $0x1FC0  }
.Ltmp0:
0x24c: {  	s25 =	sadd.s32 $0x40, s25;
	(pc) =	sbr.rel @p0 .LBB2_2-.Ltmp0, $2  }
0x24d: {  	_ =	sdelay $0x2  }
0x24e: {  	s26 =	sadd.s32 $0x200, s26;
	s28 =	sadd.s32 s28, s8  }
0x24f: {  	[hbm4b:s28+s2] =	stream.linear.scatter [tilespmem:s24], [sflag:$0x2], $0x180, $0x38;
	[tilespmem:$0x10180] =	vst v63  }
0x250: {  	_ =	swait.ge [sflag:s12], $0xC000  }
0x251: {  	[sflag:s12] =	ssyncset.done $0x0  }
0x252: {  	[sflag:s12] =	ssyncadd.s32 $0xFFFF4000  }
0x253: {  	v0 =	vld [tilespmem:$0x80];
	_ =	sdelay $0x4  }
0x254: {  	v0 =	vshll.u32 v0, $0x6  }
0x255: {  	(v2sf) =	vpush v0, $0x0;
	_ =	sdelay $0x3  }
0x256: {  	(v2sf) =	vpush v0, $0x1;
	_ =	sdelay $0x3  }
0x257: {  	(v2sf) =	vpush v0, $0x2;
	_ =	sdelay $0x3  }
0x258: {  	(v2sf) =	vpush v0, $0x3;
	_ =	sdelay $0x2  }
0x259: {  	s26 =	spop (v2sf)  }
0x25a: {  	(v2sf) =	vpush v0, $0x4;
	s24 =	sand.u32 $0x1FFFFFC0, s26  }
0x25b: {  	s25 =	simm.s32 $0x0;
	s26 =	sadd.s32 s4, s24;
	s24 =	simm.s32 $0x180  }
0x25c: {  	[tilespmem:s24], [sflag:$0x1] =	stream.linear.gather [hbm4b:s26+s25], $0x180, $0x38;
	[tilespmem:$0x10180] =	vst v63  }
0x25d: {  	s26 =	spop (v2sf)  }
0x25e: {  	(v2sf) =	vpush v0, $0x5;
	s26 =	sand.u32 $0x1FFFFFC0, s26  }
0x25f: {  	s28 =	simm.s32 $0x380;
	s26 =	sadd.s32 s4, s26  }
0x260: {  	[tilespmem:s28], [sflag:$0x1] =	stream.linear.gather [hbm4b:s26+s25], $0x180, $0x38;
	[tilespmem:$0x10180] =	vst v63  }
0x261: {  	s26 =	spop (v2sf)  }
0x262: {  	(v2sf) =	vpush v0, $0x6;
	s26 =	sand.u32 $0x1FFFFFC0, s26  }
0x263: {  	s28 =	simm.s32 $0x580;
	s26 =	sadd.s32 s4, s26  }
0x264: {  	[tilespmem:s28], [sflag:$0x1] =	stream.linear.gather [hbm4b:s26+s25], $0x180, $0x38;
	[tilespmem:$0x10180] =	vst v63  }
0x265: {  	s26 =	spop (v2sf)  }
0x266: {  	(v2sf) =	vpush v0, $0x7;
	s26 =	sand.u32 $0x1FFFFFC0, s26  }
0x267: {  	s28 =	simm.s32 $0x780;
	s26 =	sadd.s32 s4, s26  }
0x268: {  	[tilespmem:s28], [sflag:$0x1] =	stream.linear.gather [hbm4b:s26+s25], $0x180, $0x38;
	[tilespmem:$0x10180] =	vst v63  }
0x269: {  	s26 =	spop (v2sf)  }
0x26a: {  	(v2sf) =	vpush v0, $0x8;
	s26 =	sand.u32 $0x1FFFFFC0, s26  }
0x26b: {  	s28 =	simm.s32 $0x980;
	s26 =	sadd.s32 s4, s26  }
0x26c: {  	[tilespmem:s28], [sflag:$0x1] =	stream.linear.gather [hbm4b:s26+s25], $0x180, $0x38;
	[tilespmem:$0x10180] =	vst v63  }
0x26d: {  	s26 =	spop (v2sf)  }
0x26e: {  	(v2sf) =	vpush v0, $0x9;
	s26 =	sand.u32 $0x1FFFFFC0, s26  }
0x26f: {  	s28 =	simm.s32 $0xB80;
	s26 =	sadd.s32 s4, s26  }
0x270: {  	[tilespmem:s28], [sflag:$0x1] =	stream.linear.gather [hbm4b:s26+s25], $0x180, $0x38;
	[tilespmem:$0x10180] =	vst v63  }
0x271: {  	s26 =	spop (v2sf)  }
0x272: {  	(v2sf) =	vpush v0, $0xA;
	s26 =	sand.u32 $0x1FFFFFC0, s26  }
0x273: {  	s28 =	simm.s32 $0xD80;
	s26 =	sadd.s32 s4, s26  }
0x274: {  	[tilespmem:s28], [sflag:$0x1] =	stream.linear.gather [hbm4b:s26+s25], $0x180, $0x38;
	[tilespmem:$0x10180] =	vst v63  }
0x275: {  	s26 =	spop (v2sf)  }
0x276: {  	(v2sf) =	vpush v0, $0xB;
	s26 =	sand.u32 $0x1FFFFFC0, s26  }
0x277: {  	s28 =	simm.s32 $0xF80;
	s26 =	sadd.s32 s4, s26  }
0x278: {  	[tilespmem:s28], [sflag:$0x1] =	stream.linear.gather [hbm4b:s26+s25], $0x180, $0x38;
	[tilespmem:$0x10180] =	vst v63  }
0x279: {  	s26 =	spop (v2sf)  }
0x27a: {  	(v2sf) =	vpush v0, $0xC;
	s26 =	sand.u32 $0x1FFFFFC0, s26  }
0x27b: {  	s28 =	simm.s32 $0x1180;
	s26 =	sadd.s32 s4, s26  }
0x27c: {  	[tilespmem:s28], [sflag:$0x1] =	stream.linear.gather [hbm4b:s26+s25], $0x180, $0x38;
	[tilespmem:$0x10180] =	vst v63  }
0x27d: {  	s26 =	spop (v2sf)  }
0x27e: {  	(v2sf) =	vpush v0, $0xD;
	s26 =	sand.u32 $0x1FFFFFC0, s26  }
0x27f: {  	s28 =	simm.s32 $0x1380;
	s26 =	sadd.s32 s4, s26  }
0x280: {  	[tilespmem:s28], [sflag:$0x1] =	stream.linear.gather [hbm4b:s26+s25], $0x180, $0x38;
	[tilespmem:$0x10180] =	vst v63  }
0x281: {  	s26 =	spop (v2sf)  }
0x282: {  	(v2sf) =	vpush v0, $0xE;
	s26 =	sand.u32 $0x1FFFFFC0, s26  }
0x283: {  	s28 =	simm.s32 $0x1580;
	s26 =	sadd.s32 s4, s26  }
0x284: {  	[tilespmem:s28], [sflag:$0x1] =	stream.linear.gather [hbm4b:s26+s25], $0x180, $0x38;
	[tilespmem:$0x10180] =	vst v63  }
0x285: {  	s26 =	spop (v2sf)  }
0x286: {  	(v2sf) =	vpush v0, $0xF;
	s26 =	sand.u32 $0x1FFFFFC0, s26  }
0x287: {  	s28 =	simm.s32 $0x1780;
	s26 =	sadd.s32 s4, s26  }
0x288: {  	[tilespmem:s28], [sflag:$0x1] =	stream.linear.gather [hbm4b:s26+s25], $0x180, $0x38;
	[tilespmem:$0x10180] =	vst v63  }
0x289: {  	s26 =	spop (v2sf)  }
0x28a: {  	s26 =	sand.u32 $0x1FFFFFC0, s26  }
0x28b: {  	s28 =	simm.s32 $0x1980;
	s26 =	sadd.s32 s4, s26  }
0x28c: {  	[tilespmem:s28], [sflag:$0x1] =	stream.linear.gather [hbm4b:s26+s25], $0x180, $0x38;
	[tilespmem:$0x10180] =	vst v63  }
0x28d: {  	s26 =	spop (v2sf)  }
0x28e: {  	s26 =	sand.u32 $0x1FFFFFC0, s26  }
0x28f: {  	s28 =	simm.s32 $0x1B80;
	s26 =	sadd.s32 s4, s26  }
0x290: {  	[tilespmem:s28], [sflag:$0x1] =	stream.linear.gather [hbm4b:s26+s25], $0x180, $0x38;
	[tilespmem:$0x10180] =	vst v63  }
0x291: {  	s26 =	spop (v2sf)  }
0x292: {  	s26 =	sand.u32 $0x1FFFFFC0, s26  }
0x293: {  	s28 =	simm.s32 $0x1D80;
	s26 =	sadd.s32 s4, s26  }
0x294: {  	[tilespmem:s28], [sflag:$0x1] =	stream.linear.gather [hbm4b:s26+s25], $0x180, $0x38;
	[tilespmem:$0x10180] =	vst v63  }
0x295: {  	s26 =	spop (v2sf)  }
0x296: {  	s26 =	sand.u32 $0x1FFFFFC0, s26  }
0x297: {  	s28 =	simm.s32 $0x1F80;
	s26 =	sadd.s32 s4, s26  }
0x298: {  	[tilespmem:s28], [sflag:$0x1] =	stream.linear.gather [hbm4b:s26+s25], $0x180, $0x38;
	[tilespmem:$0x10180] =	vst v63  }
0x299: {  	v57 =	vld [tilespmem:$0x90];
	_ =	sdelay $0x4  }
0x29a: {  	v0 =	vshll.u32 v57, $0x6  }
0x29b: {  	(v2sf) =	vpush v0, $0x0;
	_ =	sdelay $0x3  }
0x29c: {  	(v2sf) =	vpush v0, $0x1;
	_ =	sdelay $0x3  }
0x29d: {  	(v2sf) =	vpush v0, $0x2;
	_ =	sdelay $0x3  }
0x29e: {  	(v2sf) =	vpush v0, $0x3;
	_ =	sdelay $0x2  }
0x29f: {  	s26 =	spop (v2sf)  }
0x2a0: {  	(v2sf) =	vpush v0, $0x4;
	s26 =	sand.u32 $0x1FFFFFC0, s26  }
0x2a1: {  	s28 =	simm.s32 $0x2180;
	s26 =	sadd.s32 s4, s26  }
0x2a2: {  	[tilespmem:s28], [sflag:$0x1] =	stream.linear.gather [hbm4b:s26+s25], $0x180, $0x38;
	[tilespmem:$0x10180] =	vst v63  }
0x2a3: {  	s26 =	spop (v2sf)  }
0x2a4: {  	(v2sf) =	vpush v0, $0x5;
	s26 =	sand.u32 $0x1FFFFFC0, s26  }
0x2a5: {  	s28 =	simm.s32 $0x2380;
	s26 =	sadd.s32 s4, s26  }
0x2a6: {  	[tilespmem:s28], [sflag:$0x1] =	stream.linear.gather [hbm4b:s26+s25], $0x180, $0x38;
	[tilespmem:$0x10180] =	vst v63  }
0x2a7: {  	s26 =	spop (v2sf)  }
0x2a8: {  	(v2sf) =	vpush v0, $0x6;
	s26 =	sand.u32 $0x1FFFFFC0, s26  }
0x2a9: {  	s28 =	simm.s32 $0x2580;
	s26 =	sadd.s32 s4, s26  }
0x2aa: {  	[tilespmem:s28], [sflag:$0x1] =	stream.linear.gather [hbm4b:s26+s25], $0x180, $0x38;
	[tilespmem:$0x10180] =	vst v63  }
0x2ab: {  	s26 =	spop (v2sf)  }
0x2ac: {  	(v2sf) =	vpush v0, $0x7;
	s26 =	sand.u32 $0x1FFFFFC0, s26  }
0x2ad: {  	s28 =	simm.s32 $0x2780;
	s26 =	sadd.s32 s4, s26  }
0x2ae: {  	[tilespmem:s28], [sflag:$0x1] =	stream.linear.gather [hbm4b:s26+s25], $0x180, $0x38;
	[tilespmem:$0x10180] =	vst v63  }
0x2af: {  	s26 =	spop (v2sf)  }
0x2b0: {  	(v2sf) =	vpush v0, $0x8;
	s26 =	sand.u32 $0x1FFFFFC0, s26  }
0x2b1: {  	s28 =	simm.s32 $0x2980;
	s26 =	sadd.s32 s4, s26  }
0x2b2: {  	[tilespmem:s28], [sflag:$0x1] =	stream.linear.gather [hbm4b:s26+s25], $0x180, $0x38;
	[tilespmem:$0x10180] =	vst v63  }
0x2b3: {  	s26 =	spop (v2sf)  }
0x2b4: {  	(v2sf) =	vpush v0, $0x9;
	s26 =	sand.u32 $0x1FFFFFC0, s26  }
0x2b5: {  	s28 =	simm.s32 $0x2B80;
	s26 =	sadd.s32 s4, s26  }
0x2b6: {  	[tilespmem:s28], [sflag:$0x1] =	stream.linear.gather [hbm4b:s26+s25], $0x180, $0x38;
	[tilespmem:$0x10180] =	vst v63  }
0x2b7: {  	s26 =	spop (v2sf)  }
0x2b8: {  	(v2sf) =	vpush v0, $0xA;
	s26 =	sand.u32 $0x1FFFFFC0, s26  }
0x2b9: {  	s28 =	simm.s32 $0x2D80;
	s26 =	sadd.s32 s4, s26  }
0x2ba: {  	[tilespmem:s28], [sflag:$0x1] =	stream.linear.gather [hbm4b:s26+s25], $0x180, $0x38;
	[tilespmem:$0x10180] =	vst v63  }
0x2bb: {  	s26 =	spop (v2sf)  }
0x2bc: {  	(v2sf) =	vpush v0, $0xB;
	s26 =	sand.u32 $0x1FFFFFC0, s26  }
0x2bd: {  	s28 =	simm.s32 $0x2F80;
	s26 =	sadd.s32 s4, s26  }
0x2be: {  	[tilespmem:s28], [sflag:$0x1] =	stream.linear.gather [hbm4b:s26+s25], $0x180, $0x38;
	[tilespmem:$0x10180] =	vst v63  }
0x2bf: {  	s26 =	spop (v2sf)  }
0x2c0: {  	(v2sf) =	vpush v0, $0xC;
	s26 =	sand.u32 $0x1FFFFFC0, s26  }
0x2c1: {  	s28 =	simm.s32 $0x3180;
	s26 =	sadd.s32 s4, s26  }
0x2c2: {  	[tilespmem:s28], [sflag:$0x1] =	stream.linear.gather [hbm4b:s26+s25], $0x180, $0x38;
	[tilespmem:$0x10180] =	vst v63  }
0x2c3: {  	s26 =	spop (v2sf)  }
0x2c4: {  	(v2sf) =	vpush v0, $0xD;
	s26 =	sand.u32 $0x1FFFFFC0, s26  }
0x2c5: {  	s28 =	simm.s32 $0x3380;
	s26 =	sadd.s32 s4, s26  }
0x2c6: {  	[tilespmem:s28], [sflag:$0x1] =	stream.linear.gather [hbm4b:s26+s25], $0x180, $0x38;
	[tilespmem:$0x10180] =	vst v63  }
0x2c7: {  	s26 =	spop (v2sf)  }
0x2c8: {  	(v2sf) =	vpush v0, $0xE;
	s26 =	sand.u32 $0x1FFFFFC0, s26  }
0x2c9: {  	s28 =	simm.s32 $0x3580;
	s26 =	sadd.s32 s4, s26  }
0x2ca: {  	[tilespmem:s28], [sflag:$0x1] =	stream.linear.gather [hbm4b:s26+s25], $0x180, $0x38;
	[tilespmem:$0x10180] =	vst v63  }
0x2cb: {  	s26 =	spop (v2sf)  }
0x2cc: {  	(v2sf) =	vpush v0, $0xF;
	s26 =	sand.u32 $0x1FFFFFC0, s26  }
0x2cd: {  	s28 =	simm.s32 $0x3780;
	s26 =	sadd.s32 s4, s26  }
0x2ce: {  	[tilespmem:s28], [sflag:$0x1] =	stream.linear.gather [hbm4b:s26+s25], $0x180, $0x38;
	[tilespmem:$0x10180] =	vst v63  }
0x2cf: {  	s26 =	spop (v2sf)  }
0x2d0: {  	s26 =	sand.u32 $0x1FFFFFC0, s26  }
0x2d1: {  	s28 =	simm.s32 $0x3980;
	s26 =	sadd.s32 s4, s26  }
0x2d2: {  	[tilespmem:s28], [sflag:$0x1] =	stream.linear.gather [hbm4b:s26+s25], $0x180, $0x38;
	[tilespmem:$0x10180] =	vst v63  }
0x2d3: {  	s26 =	spop (v2sf)  }
0x2d4: {  	s26 =	sand.u32 $0x1FFFFFC0, s26  }
0x2d5: {  	s28 =	simm.s32 $0x3B80;
	s26 =	sadd.s32 s4, s26  }
0x2d6: {  	[tilespmem:s28], [sflag:$0x1] =	stream.linear.gather [hbm4b:s26+s25], $0x180, $0x38;
	[tilespmem:$0x10180] =	vst v63  }
0x2d7: {  	s26 =	spop (v2sf)  }
0x2d8: {  	s26 =	sand.u32 $0x1FFFFFC0, s26  }
0x2d9: {  	s28 =	simm.s32 $0x3D80;
	s26 =	sadd.s32 s4, s26  }
0x2da: {  	[tilespmem:s28], [sflag:$0x1] =	stream.linear.gather [hbm4b:s26+s25], $0x180, $0x38;
	[tilespmem:$0x10180] =	vst v63  }
0x2db: {  	s26 =	spop (v2sf)  }
0x2dc: {  	s26 =	sand.u32 $0x1FFFFFC0, s26  }
0x2dd: {  	s28 =	simm.s32 $0x3F80;
	s26 =	sadd.s32 s4, s26  }
0x2de: {  	[tilespmem:s28], [sflag:$0x1] =	stream.linear.gather [hbm4b:s26+s25], $0x180, $0x38;
	[tilespmem:$0x10180] =	vst v63  }
0x2df: {  	v58 =	vld [tilespmem:$0xA0];
	_ =	sdelay $0x4  }
0x2e0: {  	v0 =	vshll.u32 v58, $0x6  }
0x2e1: {  	(v2sf) =	vpush v0, $0x0;
	_ =	sdelay $0x3  }
0x2e2: {  	(v2sf) =	vpush v0, $0x1;
	_ =	sdelay $0x3  }
0x2e3: {  	(v2sf) =	vpush v0, $0x2;
	_ =	sdelay $0x3  }
0x2e4: {  	(v2sf) =	vpush v0, $0x3;
	_ =	sdelay $0x2  }
0x2e5: {  	s26 =	spop (v2sf)  }
0x2e6: {  	(v2sf) =	vpush v0, $0x4;
	s26 =	sand.u32 $0x1FFFFFC0, s26  }
0x2e7: {  	s28 =	simm.s32 $0x4180;
	s26 =	sadd.s32 s4, s26  }
0x2e8: {  	[tilespmem:s28], [sflag:$0x1] =	stream.linear.gather [hbm4b:s26+s25], $0x180, $0x38;
	[tilespmem:$0x10180] =	vst v63  }
0x2e9: {  	s26 =	spop (v2sf)  }
0x2ea: {  	(v2sf) =	vpush v0, $0x5;
	s26 =	sand.u32 $0x1FFFFFC0, s26  }
0x2eb: {  	s28 =	simm.s32 $0x4380;
	s26 =	sadd.s32 s4, s26  }
0x2ec: {  	[tilespmem:s28], [sflag:$0x1] =	stream.linear.gather [hbm4b:s26+s25], $0x180, $0x38;
	[tilespmem:$0x10180] =	vst v63  }
0x2ed: {  	s26 =	spop (v2sf)  }
0x2ee: {  	(v2sf) =	vpush v0, $0x6;
	s26 =	sand.u32 $0x1FFFFFC0, s26  }
0x2ef: {  	s28 =	simm.s32 $0x4580;
	s26 =	sadd.s32 s4, s26  }
0x2f0: {  	[tilespmem:s28], [sflag:$0x1] =	stream.linear.gather [hbm4b:s26+s25], $0x180, $0x38;
	[tilespmem:$0x10180] =	vst v63  }
0x2f1: {  	s26 =	spop (v2sf)  }
0x2f2: {  	(v2sf) =	vpush v0, $0x7;
	s26 =	sand.u32 $0x1FFFFFC0, s26  }
0x2f3: {  	s28 =	simm.s32 $0x4780;
	s26 =	sadd.s32 s4, s26  }
0x2f4: {  	[tilespmem:s28], [sflag:$0x1] =	stream.linear.gather [hbm4b:s26+s25], $0x180, $0x38;
	[tilespmem:$0x10180] =	vst v63  }
0x2f5: {  	s26 =	spop (v2sf)  }
0x2f6: {  	(v2sf) =	vpush v0, $0x8;
	s26 =	sand.u32 $0x1FFFFFC0, s26  }
0x2f7: {  	s28 =	simm.s32 $0x4980;
	s26 =	sadd.s32 s4, s26  }
0x2f8: {  	[tilespmem:s28], [sflag:$0x1] =	stream.linear.gather [hbm4b:s26+s25], $0x180, $0x38;
	[tilespmem:$0x10180] =	vst v63  }
0x2f9: {  	s26 =	spop (v2sf)  }
0x2fa: {  	(v2sf) =	vpush v0, $0x9;
	s26 =	sand.u32 $0x1FFFFFC0, s26  }
0x2fb: {  	s28 =	simm.s32 $0x4B80;
	s26 =	sadd.s32 s4, s26  }
0x2fc: {  	[tilespmem:s28], [sflag:$0x1] =	stream.linear.gather [hbm4b:s26+s25], $0x180, $0x38;
	[tilespmem:$0x10180] =	vst v63  }
0x2fd: {  	s26 =	spop (v2sf)  }
0x2fe: {  	(v2sf) =	vpush v0, $0xA;
	s26 =	sand.u32 $0x1FFFFFC0, s26  }
0x2ff: {  	s28 =	simm.s32 $0x4D80;
	s26 =	sadd.s32 s4, s26  }
0x300: {  	[tilespmem:s28], [sflag:$0x1] =	stream.linear.gather [hbm4b:s26+s25], $0x180, $0x38;
	[tilespmem:$0x10180] =	vst v63  }
0x301: {  	s26 =	spop (v2sf)  }
0x302: {  	(v2sf) =	vpush v0, $0xB;
	s26 =	sand.u32 $0x1FFFFFC0, s26  }
0x303: {  	s28 =	simm.s32 $0x4F80;
	s26 =	sadd.s32 s4, s26  }
0x304: {  	[tilespmem:s28], [sflag:$0x1] =	stream.linear.gather [hbm4b:s26+s25], $0x180, $0x38;
	[tilespmem:$0x10180] =	vst v63  }
0x305: {  	s26 =	spop (v2sf)  }
0x306: {  	(v2sf) =	vpush v0, $0xC;
	s26 =	sand.u32 $0x1FFFFFC0, s26  }
0x307: {  	s28 =	simm.s32 $0x5180;
	s26 =	sadd.s32 s4, s26  }
0x308: {  	[tilespmem:s28], [sflag:$0x1] =	stream.linear.gather [hbm4b:s26+s25], $0x180, $0x38;
	[tilespmem:$0x10180] =	vst v63  }
0x309: {  	s26 =	spop (v2sf)  }
0x30a: {  	(v2sf) =	vpush v0, $0xD;
	s26 =	sand.u32 $0x1FFFFFC0, s26  }
0x30b: {  	s28 =	simm.s32 $0x5380;
	s26 =	sadd.s32 s4, s26  }
0x30c: {  	[tilespmem:s28], [sflag:$0x1] =	stream.linear.gather [hbm4b:s26+s25], $0x180, $0x38;
	[tilespmem:$0x10180] =	vst v63  }
0x30d: {  	s26 =	spop (v2sf)  }
0x30e: {  	(v2sf) =	vpush v0, $0xE;
	s26 =	sand.u32 $0x1FFFFFC0, s26  }
0x30f: {  	s28 =	simm.s32 $0x5580;
	s26 =	sadd.s32 s4, s26  }
0x310: {  	[tilespmem:s28], [sflag:$0x1] =	stream.linear.gather [hbm4b:s26+s25], $0x180, $0x38;
	[tilespmem:$0x10180] =	vst v63  }
0x311: {  	s26 =	spop (v2sf)  }
0x312: {  	(v2sf) =	vpush v0, $0xF;
	s26 =	sand.u32 $0x1FFFFFC0, s26  }
0x313: {  	s28 =	simm.s32 $0x5780;
	s26 =	sadd.s32 s4, s26  }
0x314: {  	[tilespmem:s28], [sflag:$0x1] =	stream.linear.gather [hbm4b:s26+s25], $0x180, $0x38;
	[tilespmem:$0x10180] =	vst v63  }
0x315: {  	s26 =	spop (v2sf)  }
0x316: {  	s26 =	sand.u32 $0x1FFFFFC0, s26  }
0x317: {  	s28 =	simm.s32 $0x5980;
	s26 =	sadd.s32 s4, s26  }
0x318: {  	[tilespmem:s28], [sflag:$0x1] =	stream.linear.gather [hbm4b:s26+s25], $0x180, $0x38;
	[tilespmem:$0x10180] =	vst v63  }
0x319: {  	s26 =	spop (v2sf)  }
0x31a: {  	s26 =	sand.u32 $0x1FFFFFC0, s26  }
0x31b: {  	s28 =	simm.s32 $0x5B80;
	s26 =	sadd.s32 s4, s26  }
0x31c: {  	[tilespmem:s28], [sflag:$0x1] =	stream.linear.gather [hbm4b:s26+s25], $0x180, $0x38;
	[tilespmem:$0x10180] =	vst v63  }
0x31d: {  	s26 =	spop (v2sf)  }
0x31e: {  	s26 =	sand.u32 $0x1FFFFFC0, s26  }
0x31f: {  	s28 =	simm.s32 $0x5D80;
	s26 =	sadd.s32 s4, s26  }
0x320: {  	[tilespmem:s28], [sflag:$0x1] =	stream.linear.gather [hbm4b:s26+s25], $0x180, $0x38;
	[tilespmem:$0x10180] =	vst v63  }
0x321: {  	s26 =	spop (v2sf)  }
0x322: {  	s26 =	sand.u32 $0x1FFFFFC0, s26  }
0x323: {  	s28 =	simm.s32 $0x5F80;
	s26 =	sadd.s32 s4, s26  }
0x324: {  	[tilespmem:s28], [sflag:$0x1] =	stream.linear.gather [hbm4b:s26+s25], $0x180, $0x38;
	[tilespmem:$0x10180] =	vst v63  }
0x325: {  	v59 =	vld [tilespmem:$0xB0];
	_ =	sdelay $0x4  }
0x326: {  	v0 =	vshll.u32 v59, $0x6  }
0x327: {  	(v2sf) =	vpush v0, $0x0;
	_ =	sdelay $0x3  }
0x328: {  	(v2sf) =	vpush v0, $0x1;
	_ =	sdelay $0x3  }
0x329: {  	(v2sf) =	vpush v0, $0x2;
	_ =	sdelay $0x3  }
0x32a: {  	(v2sf) =	vpush v0, $0x3;
	_ =	sdelay $0x2  }
0x32b: {  	s26 =	spop (v2sf)  }
0x32c: {  	(v2sf) =	vpush v0, $0x4;
	s26 =	sand.u32 $0x1FFFFFC0, s26  }
0x32d: {  	s28 =	simm.s32 $0x6180;
	s26 =	sadd.s32 s4, s26  }
0x32e: {  	[tilespmem:s28], [sflag:$0x1] =	stream.linear.gather [hbm4b:s26+s25], $0x180, $0x38;
	[tilespmem:$0x10180] =	vst v63  }
0x32f: {  	s26 =	spop (v2sf)  }
0x330: {  	(v2sf) =	vpush v0, $0x5;
	s26 =	sand.u32 $0x1FFFFFC0, s26  }
0x331: {  	s28 =	simm.s32 $0x6380;
	s26 =	sadd.s32 s4, s26  }
0x332: {  	[tilespmem:s28], [sflag:$0x1] =	stream.linear.gather [hbm4b:s26+s25], $0x180, $0x38;
	[tilespmem:$0x10180] =	vst v63  }
0x333: {  	s26 =	spop (v2sf)  }
0x334: {  	(v2sf) =	vpush v0, $0x6;
	s26 =	sand.u32 $0x1FFFFFC0, s26  }
0x335: {  	s28 =	simm.s32 $0x6580;
	s26 =	sadd.s32 s4, s26  }
0x336: {  	[tilespmem:s28], [sflag:$0x1] =	stream.linear.gather [hbm4b:s26+s25], $0x180, $0x38;
	[tilespmem:$0x10180] =	vst v63  }
0x337: {  	s26 =	spop (v2sf)  }
0x338: {  	(v2sf) =	vpush v0, $0x7;
	s26 =	sand.u32 $0x1FFFFFC0, s26  }
0x339: {  	s28 =	simm.s32 $0x6780;
	s26 =	sadd.s32 s4, s26  }
0x33a: {  	[tilespmem:s28], [sflag:$0x1] =	stream.linear.gather [hbm4b:s26+s25], $0x180, $0x38;
	[tilespmem:$0x10180] =	vst v63  }
0x33b: {  	s26 =	spop (v2sf)  }
0x33c: {  	(v2sf) =	vpush v0, $0x8;
	s26 =	sand.u32 $0x1FFFFFC0, s26  }
0x33d: {  	s28 =	simm.s32 $0x6980;
	s26 =	sadd.s32 s4, s26  }
0x33e: {  	[tilespmem:s28], [sflag:$0x1] =	stream.linear.gather [hbm4b:s26+s25], $0x180, $0x38;
	[tilespmem:$0x10180] =	vst v63  }
0x33f: {  	s26 =	spop (v2sf)  }
0x340: {  	(v2sf) =	vpush v0, $0x9;
	s26 =	sand.u32 $0x1FFFFFC0, s26  }
0x341: {  	s28 =	simm.s32 $0x6B80;
	s26 =	sadd.s32 s4, s26  }
0x342: {  	[tilespmem:s28], [sflag:$0x1] =	stream.linear.gather [hbm4b:s26+s25], $0x180, $0x38;
	[tilespmem:$0x10180] =	vst v63  }
0x343: {  	s26 =	spop (v2sf)  }
0x344: {  	(v2sf) =	vpush v0, $0xA;
	s26 =	sand.u32 $0x1FFFFFC0, s26  }
0x345: {  	s28 =	simm.s32 $0x6D80;
	s26 =	sadd.s32 s4, s26  }
0x346: {  	[tilespmem:s28], [sflag:$0x1] =	stream.linear.gather [hbm4b:s26+s25], $0x180, $0x38;
	[tilespmem:$0x10180] =	vst v63  }
0x347: {  	s26 =	spop (v2sf)  }
0x348: {  	(v2sf) =	vpush v0, $0xB;
	s26 =	sand.u32 $0x1FFFFFC0, s26  }
0x349: {  	s28 =	simm.s32 $0x6F80;
	s26 =	sadd.s32 s4, s26  }
0x34a: {  	[tilespmem:s28], [sflag:$0x1] =	stream.linear.gather [hbm4b:s26+s25], $0x180, $0x38;
	[tilespmem:$0x10180] =	vst v63  }
0x34b: {  	s26 =	spop (v2sf)  }
0x34c: {  	(v2sf) =	vpush v0, $0xC;
	s26 =	sand.u32 $0x1FFFFFC0, s26  }
0x34d: {  	s28 =	simm.s32 $0x7180;
	s26 =	sadd.s32 s4, s26  }
0x34e: {  	[tilespmem:s28], [sflag:$0x1] =	stream.linear.gather [hbm4b:s26+s25], $0x180, $0x38;
	[tilespmem:$0x10180] =	vst v63  }
0x34f: {  	s26 =	spop (v2sf)  }
0x350: {  	(v2sf) =	vpush v0, $0xD;
	s26 =	sand.u32 $0x1FFFFFC0, s26  }
0x351: {  	s28 =	simm.s32 $0x7380;
	s26 =	sadd.s32 s4, s26  }
0x352: {  	[tilespmem:s28], [sflag:$0x1] =	stream.linear.gather [hbm4b:s26+s25], $0x180, $0x38;
	[tilespmem:$0x10180] =	vst v63  }
0x353: {  	s26 =	spop (v2sf)  }
0x354: {  	(v2sf) =	vpush v0, $0xE;
	s26 =	sand.u32 $0x1FFFFFC0, s26  }
0x355: {  	s28 =	simm.s32 $0x7580;
	s26 =	sadd.s32 s4, s26  }
0x356: {  	[tilespmem:s28], [sflag:$0x1] =	stream.linear.gather [hbm4b:s26+s25], $0x180, $0x38;
	[tilespmem:$0x10180] =	vst v63  }
0x357: {  	s26 =	spop (v2sf)  }
0x358: {  	(v2sf) =	vpush v0, $0xF;
	s26 =	sand.u32 $0x1FFFFFC0, s26  }
0x359: {  	s28 =	simm.s32 $0x7780;
	s26 =	sadd.s32 s4, s26  }
0x35a: {  	[tilespmem:s28], [sflag:$0x1] =	stream.linear.gather [hbm4b:s26+s25], $0x180, $0x38;
	[tilespmem:$0x10180] =	vst v63  }
0x35b: {  	s26 =	spop (v2sf)  }
0x35c: {  	s26 =	sand.u32 $0x1FFFFFC0, s26  }
0x35d: {  	s28 =	simm.s32 $0x7980;
	s26 =	sadd.s32 s4, s26  }
0x35e: {  	[tilespmem:s28], [sflag:$0x1] =	stream.linear.gather [hbm4b:s26+s25], $0x180, $0x38;
	[tilespmem:$0x10180] =	vst v63  }
0x35f: {  	s26 =	spop (v2sf)  }
0x360: {  	s26 =	sand.u32 $0x1FFFFFC0, s26  }
0x361: {  	s28 =	simm.s32 $0x7B80;
	s26 =	sadd.s32 s4, s26  }
0x362: {  	[tilespmem:s28], [sflag:$0x1] =	stream.linear.gather [hbm4b:s26+s25], $0x180, $0x38;
	[tilespmem:$0x10180] =	vst v63  }
0x363: {  	s26 =	spop (v2sf)  }
0x364: {  	s26 =	sand.u32 $0x1FFFFFC0, s26  }
0x365: {  	s28 =	simm.s32 $0x7D80;
	s26 =	sadd.s32 s4, s26  }
0x366: {  	[tilespmem:s28], [sflag:$0x1] =	stream.linear.gather [hbm4b:s26+s25], $0x180, $0x38;
	[tilespmem:$0x10180] =	vst v63  }
0x367: {  	s26 =	spop (v2sf)  }
0x368: {  	s26 =	sand.u32 $0x1FFFFFC0, s26  }
0x369: {  	s28 =	simm.s32 $0x7F80;
	s26 =	sadd.s32 s4, s26  }
0x36a: {  	[tilespmem:s28], [sflag:$0x1] =	stream.linear.gather [hbm4b:s26+s25], $0x180, $0x38;
	[tilespmem:$0x10180] =	vst v63  }
0x36b: {  	v60 =	vld [tilespmem:$0xC0];
	_ =	sdelay $0x4  }
0x36c: {  	v0 =	vshll.u32 v60, $0x6  }
0x36d: {  	(v2sf) =	vpush v0, $0x0;
	_ =	sdelay $0x3  }
0x36e: {  	(v2sf) =	vpush v0, $0x1;
	_ =	sdelay $0x3  }
0x36f: {  	(v2sf) =	vpush v0, $0x2;
	_ =	sdelay $0x3  }
0x370: {  	(v2sf) =	vpush v0, $0x3;
	_ =	sdelay $0x2  }
0x371: {  	s26 =	spop (v2sf)  }
0x372: {  	(v2sf) =	vpush v0, $0x4;
	s26 =	sand.u32 $0x1FFFFFC0, s26  }
0x373: {  	s28 =	simm.s32 $0x8180;
	s26 =	sadd.s32 s4, s26  }
0x374: {  	[tilespmem:s28], [sflag:$0x1] =	stream.linear.gather [hbm4b:s26+s25], $0x180, $0x38;
	[tilespmem:$0x10180] =	vst v63  }
0x375: {  	s26 =	spop (v2sf)  }
0x376: {  	(v2sf) =	vpush v0, $0x5;
	s26 =	sand.u32 $0x1FFFFFC0, s26  }
0x377: {  	s28 =	simm.s32 $0x8380;
	s26 =	sadd.s32 s4, s26  }
0x378: {  	[tilespmem:s28], [sflag:$0x1] =	stream.linear.gather [hbm4b:s26+s25], $0x180, $0x38;
	[tilespmem:$0x10180] =	vst v63  }
0x379: {  	s26 =	spop (v2sf)  }
0x37a: {  	(v2sf) =	vpush v0, $0x6;
	s26 =	sand.u32 $0x1FFFFFC0, s26  }
0x37b: {  	s28 =	simm.s32 $0x8580;
	s26 =	sadd.s32 s4, s26  }
0x37c: {  	[tilespmem:s28], [sflag:$0x1] =	stream.linear.gather [hbm4b:s26+s25], $0x180, $0x38;
	[tilespmem:$0x10180] =	vst v63  }
0x37d: {  	s26 =	spop (v2sf)  }
0x37e: {  	(v2sf) =	vpush v0, $0x7;
	s26 =	sand.u32 $0x1FFFFFC0, s26  }
0x37f: {  	s28 =	simm.s32 $0x8780;
	s26 =	sadd.s32 s4, s26  }
0x380: {  	[tilespmem:s28], [sflag:$0x1] =	stream.linear.gather [hbm4b:s26+s25], $0x180, $0x38;
	[tilespmem:$0x10180] =	vst v63  }
0x381: {  	s26 =	spop (v2sf)  }
0x382: {  	(v2sf) =	vpush v0, $0x8;
	s26 =	sand.u32 $0x1FFFFFC0, s26  }
0x383: {  	s28 =	simm.s32 $0x8980;
	s26 =	sadd.s32 s4, s26  }
0x384: {  	[tilespmem:s28], [sflag:$0x1] =	stream.linear.gather [hbm4b:s26+s25], $0x180, $0x38;
	[tilespmem:$0x10180] =	vst v63  }
0x385: {  	s26 =	spop (v2sf)  }
0x386: {  	(v2sf) =	vpush v0, $0x9;
	s26 =	sand.u32 $0x1FFFFFC0, s26  }
0x387: {  	s28 =	simm.s32 $0x8B80;
	s26 =	sadd.s32 s4, s26  }
0x388: {  	[tilespmem:s28], [sflag:$0x1] =	stream.linear.gather [hbm4b:s26+s25], $0x180, $0x38;
	[tilespmem:$0x10180] =	vst v63  }
0x389: {  	s26 =	spop (v2sf)  }
0x38a: {  	(v2sf) =	vpush v0, $0xA;
	s26 =	sand.u32 $0x1FFFFFC0, s26  }
0x38b: {  	s28 =	simm.s32 $0x8D80;
	s26 =	sadd.s32 s4, s26  }
0x38c: {  	[tilespmem:s28], [sflag:$0x1] =	stream.linear.gather [hbm4b:s26+s25], $0x180, $0x38;
	[tilespmem:$0x10180] =	vst v63  }
0x38d: {  	s26 =	spop (v2sf)  }
0x38e: {  	(v2sf) =	vpush v0, $0xB;
	s26 =	sand.u32 $0x1FFFFFC0, s26  }
0x38f: {  	s28 =	simm.s32 $0x8F80;
	s26 =	sadd.s32 s4, s26  }
0x390: {  	[tilespmem:s28], [sflag:$0x1] =	stream.linear.gather [hbm4b:s26+s25], $0x180, $0x38;
	[tilespmem:$0x10180] =	vst v63  }
0x391: {  	s26 =	spop (v2sf)  }
0x392: {  	(v2sf) =	vpush v0, $0xC;
	s26 =	sand.u32 $0x1FFFFFC0, s26  }
0x393: {  	s28 =	simm.s32 $0x9180;
	s26 =	sadd.s32 s4, s26  }
0x394: {  	[tilespmem:s28], [sflag:$0x1] =	stream.linear.gather [hbm4b:s26+s25], $0x180, $0x38;
	[tilespmem:$0x10180] =	vst v63  }
0x395: {  	s26 =	spop (v2sf)  }
0x396: {  	(v2sf) =	vpush v0, $0xD;
	s26 =	sand.u32 $0x1FFFFFC0, s26  }
0x397: {  	s28 =	simm.s32 $0x9380;
	s26 =	sadd.s32 s4, s26  }
0x398: {  	[tilespmem:s28], [sflag:$0x1] =	stream.linear.gather [hbm4b:s26+s25], $0x180, $0x38;
	[tilespmem:$0x10180] =	vst v63  }
0x399: {  	s26 =	spop (v2sf)  }
0x39a: {  	(v2sf) =	vpush v0, $0xE;
	s26 =	sand.u32 $0x1FFFFFC0, s26  }
0x39b: {  	s28 =	simm.s32 $0x9580;
	s26 =	sadd.s32 s4, s26  }
0x39c: {  	[tilespmem:s28], [sflag:$0x1] =	stream.linear.gather [hbm4b:s26+s25], $0x180, $0x38;
	[tilespmem:$0x10180] =	vst v63  }
0x39d: {  	s26 =	spop (v2sf)  }
0x39e: {  	(v2sf) =	vpush v0, $0xF;
	s26 =	sand.u32 $0x1FFFFFC0, s26  }
0x39f: {  	s28 =	simm.s32 $0x9780;
	s26 =	sadd.s32 s4, s26  }
0x3a0: {  	[tilespmem:s28], [sflag:$0x1] =	stream.linear.gather [hbm4b:s26+s25], $0x180, $0x38;
	[tilespmem:$0x10180] =	vst v63  }
0x3a1: {  	s26 =	spop (v2sf)  }
0x3a2: {  	s26 =	sand.u32 $0x1FFFFFC0, s26  }
0x3a3: {  	s28 =	simm.s32 $0x9980;
	s26 =	sadd.s32 s4, s26  }
0x3a4: {  	[tilespmem:s28], [sflag:$0x1] =	stream.linear.gather [hbm4b:s26+s25], $0x180, $0x38;
	[tilespmem:$0x10180] =	vst v63  }
0x3a5: {  	s26 =	spop (v2sf)  }
0x3a6: {  	s26 =	sand.u32 $0x1FFFFFC0, s26  }
0x3a7: {  	s28 =	simm.s32 $0x9B80;
	s26 =	sadd.s32 s4, s26  }
0x3a8: {  	[tilespmem:s28], [sflag:$0x1] =	stream.linear.gather [hbm4b:s26+s25], $0x180, $0x38;
	[tilespmem:$0x10180] =	vst v63  }
0x3a9: {  	s26 =	spop (v2sf)  }
0x3aa: {  	s26 =	sand.u32 $0x1FFFFFC0, s26  }
0x3ab: {  	s28 =	simm.s32 $0x9D80;
	s26 =	sadd.s32 s4, s26  }
0x3ac: {  	[tilespmem:s28], [sflag:$0x1] =	stream.linear.gather [hbm4b:s26+s25], $0x180, $0x38;
	[tilespmem:$0x10180] =	vst v63  }
0x3ad: {  	s26 =	spop (v2sf)  }
0x3ae: {  	s26 =	sand.u32 $0x1FFFFFC0, s26  }
0x3af: {  	s28 =	simm.s32 $0x9F80;
	s26 =	sadd.s32 s4, s26  }
0x3b0: {  	[tilespmem:s28], [sflag:$0x1] =	stream.linear.gather [hbm4b:s26+s25], $0x180, $0x38;
	[tilespmem:$0x10180] =	vst v63  }
0x3b1: {  	v61 =	vld [tilespmem:$0xD0];
	_ =	sdelay $0x4  }
0x3b2: {  	v0 =	vshll.u32 v61, $0x6  }
0x3b3: {  	(v2sf) =	vpush v0, $0x0;
	_ =	sdelay $0x3  }
0x3b4: {  	(v2sf) =	vpush v0, $0x1;
	_ =	sdelay $0x3  }
0x3b5: {  	(v2sf) =	vpush v0, $0x2;
	_ =	sdelay $0x3  }
0x3b6: {  	(v2sf) =	vpush v0, $0x3;
	_ =	sdelay $0x2  }
0x3b7: {  	s26 =	spop (v2sf)  }
0x3b8: {  	(v2sf) =	vpush v0, $0x4;
	s26 =	sand.u32 $0x1FFFFFC0, s26  }
0x3b9: {  	s28 =	simm.s32 $0xA180;
	s26 =	sadd.s32 s4, s26  }
0x3ba: {  	[tilespmem:s28], [sflag:$0x1] =	stream.linear.gather [hbm4b:s26+s25], $0x180, $0x38;
	[tilespmem:$0x10180] =	vst v63  }
0x3bb: {  	s26 =	spop (v2sf)  }
0x3bc: {  	(v2sf) =	vpush v0, $0x5;
	s26 =	sand.u32 $0x1FFFFFC0, s26  }
0x3bd: {  	s28 =	simm.s32 $0xA380;
	s26 =	sadd.s32 s4, s26  }
0x3be: {  	[tilespmem:s28], [sflag:$0x1] =	stream.linear.gather [hbm4b:s26+s25], $0x180, $0x38;
	[tilespmem:$0x10180] =	vst v63  }
0x3bf: {  	s26 =	spop (v2sf)  }
0x3c0: {  	(v2sf) =	vpush v0, $0x6;
	s26 =	sand.u32 $0x1FFFFFC0, s26  }
0x3c1: {  	s28 =	simm.s32 $0xA580;
	s26 =	sadd.s32 s4, s26  }
0x3c2: {  	[tilespmem:s28], [sflag:$0x1] =	stream.linear.gather [hbm4b:s26+s25], $0x180, $0x38;
	[tilespmem:$0x10180] =	vst v63  }
0x3c3: {  	s26 =	spop (v2sf)  }
0x3c4: {  	(v2sf) =	vpush v0, $0x7;
	s26 =	sand.u32 $0x1FFFFFC0, s26  }
0x3c5: {  	s28 =	simm.s32 $0xA780;
	s26 =	sadd.s32 s4, s26  }
0x3c6: {  	[tilespmem:s28], [sflag:$0x1] =	stream.linear.gather [hbm4b:s26+s25], $0x180, $0x38;
	[tilespmem:$0x10180] =	vst v63  }
0x3c7: {  	s26 =	spop (v2sf)  }
0x3c8: {  	(v2sf) =	vpush v0, $0x8;
	s26 =	sand.u32 $0x1FFFFFC0, s26  }
0x3c9: {  	s28 =	simm.s32 $0xA980;
	s26 =	sadd.s32 s4, s26  }
0x3ca: {  	[tilespmem:s28], [sflag:$0x1] =	stream.linear.gather [hbm4b:s26+s25], $0x180, $0x38;
	[tilespmem:$0x10180] =	vst v63  }
0x3cb: {  	s26 =	spop (v2sf)  }
0x3cc: {  	(v2sf) =	vpush v0, $0x9;
	s26 =	sand.u32 $0x1FFFFFC0, s26  }
0x3cd: {  	s28 =	simm.s32 $0xAB80;
	s26 =	sadd.s32 s4, s26  }
0x3ce: {  	[tilespmem:s28], [sflag:$0x1] =	stream.linear.gather [hbm4b:s26+s25], $0x180, $0x38;
	[tilespmem:$0x10180] =	vst v63  }
0x3cf: {  	s26 =	spop (v2sf)  }
0x3d0: {  	(v2sf) =	vpush v0, $0xA;
	s26 =	sand.u32 $0x1FFFFFC0, s26  }
0x3d1: {  	s28 =	simm.s32 $0xAD80;
	s26 =	sadd.s32 s4, s26  }
0x3d2: {  	[tilespmem:s28], [sflag:$0x1] =	stream.linear.gather [hbm4b:s26+s25], $0x180, $0x38;
	[tilespmem:$0x10180] =	vst v63  }
0x3d3: {  	s26 =	spop (v2sf)  }
0x3d4: {  	(v2sf) =	vpush v0, $0xB;
	s26 =	sand.u32 $0x1FFFFFC0, s26  }
0x3d5: {  	s28 =	simm.s32 $0xAF80;
	s26 =	sadd.s32 s4, s26  }
0x3d6: {  	[tilespmem:s28], [sflag:$0x1] =	stream.linear.gather [hbm4b:s26+s25], $0x180, $0x38;
	[tilespmem:$0x10180] =	vst v63  }
0x3d7: {  	s26 =	spop (v2sf)  }
0x3d8: {  	(v2sf) =	vpush v0, $0xC;
	s26 =	sand.u32 $0x1FFFFFC0, s26  }
0x3d9: {  	s28 =	simm.s32 $0xB180;
	s26 =	sadd.s32 s4, s26  }
0x3da: {  	[tilespmem:s28], [sflag:$0x1] =	stream.linear.gather [hbm4b:s26+s25], $0x180, $0x38;
	[tilespmem:$0x10180] =	vst v63  }
0x3db: {  	s26 =	spop (v2sf)  }
0x3dc: {  	(v2sf) =	vpush v0, $0xD;
	s26 =	sand.u32 $0x1FFFFFC0, s26  }
0x3dd: {  	s28 =	simm.s32 $0xB380;
	s26 =	sadd.s32 s4, s26  }
0x3de: {  	[tilespmem:s28], [sflag:$0x1] =	stream.linear.gather [hbm4b:s26+s25], $0x180, $0x38;
	[tilespmem:$0x10180] =	vst v63  }
0x3df: {  	s26 =	spop (v2sf)  }
0x3e0: {  	(v2sf) =	vpush v0, $0xE;
	s26 =	sand.u32 $0x1FFFFFC0, s26  }
0x3e1: {  	s28 =	simm.s32 $0xB580;
	s26 =	sadd.s32 s4, s26  }
0x3e2: {  	[tilespmem:s28], [sflag:$0x1] =	stream.linear.gather [hbm4b:s26+s25], $0x180, $0x38;
	[tilespmem:$0x10180] =	vst v63  }
0x3e3: {  	s26 =	spop (v2sf)  }
0x3e4: {  	(v2sf) =	vpush v0, $0xF;
	s26 =	sand.u32 $0x1FFFFFC0, s26  }
0x3e5: {  	s28 =	simm.s32 $0xB780;
	s26 =	sadd.s32 s4, s26  }
0x3e6: {  	[tilespmem:s28], [sflag:$0x1] =	stream.linear.gather [hbm4b:s26+s25], $0x180, $0x38;
	[tilespmem:$0x10180] =	vst v63  }
0x3e7: {  	s26 =	spop (v2sf)  }
0x3e8: {  	s26 =	sand.u32 $0x1FFFFFC0, s26  }
0x3e9: {  	s28 =	simm.s32 $0xB980;
	s26 =	sadd.s32 s4, s26  }
0x3ea: {  	[tilespmem:s28], [sflag:$0x1] =	stream.linear.gather [hbm4b:s26+s25], $0x180, $0x38;
	[tilespmem:$0x10180] =	vst v63  }
0x3eb: {  	s26 =	spop (v2sf)  }
0x3ec: {  	s26 =	sand.u32 $0x1FFFFFC0, s26  }
0x3ed: {  	s28 =	simm.s32 $0xBB80;
	s26 =	sadd.s32 s4, s26  }
0x3ee: {  	[tilespmem:s28], [sflag:$0x1] =	stream.linear.gather [hbm4b:s26+s25], $0x180, $0x38;
	[tilespmem:$0x10180] =	vst v63  }
0x3ef: {  	s26 =	spop (v2sf)  }
0x3f0: {  	s26 =	sand.u32 $0x1FFFFFC0, s26  }
0x3f1: {  	s28 =	simm.s32 $0xBD80;
	s26 =	sadd.s32 s4, s26  }
0x3f2: {  	[tilespmem:s28], [sflag:$0x1] =	stream.linear.gather [hbm4b:s26+s25], $0x180, $0x38;
	[tilespmem:$0x10180] =	vst v63  }
0x3f3: {  	s26 =	spop (v2sf)  }
0x3f4: {  	s26 =	sand.u32 $0x1FFFFFC0, s26  }
0x3f5: {  	s28 =	simm.s32 $0xBF80;
	s26 =	sadd.s32 s4, s26  }
0x3f6: {  	[tilespmem:s28], [sflag:$0x1] =	stream.linear.gather [hbm4b:s26+s25], $0x180, $0x38;
	[tilespmem:$0x10180] =	vst v63  }
0x3f7: {  	v62 =	vld [tilespmem:$0xE0];
	_ =	sdelay $0x4  }
0x3f8: {  	v0 =	vshll.u32 v62, $0x6  }
0x3f9: {  	(v2sf) =	vpush v0, $0x0;
	_ =	sdelay $0x3  }
0x3fa: {  	(v2sf) =	vpush v0, $0x1;
	_ =	sdelay $0x3  }
0x3fb: {  	(v2sf) =	vpush v0, $0x2;
	_ =	sdelay $0x3  }
0x3fc: {  	(v2sf) =	vpush v0, $0x3;
	_ =	sdelay $0x2  }
0x3fd: {  	s26 =	spop (v2sf)  }
0x3fe: {  	(v2sf) =	vpush v0, $0x4;
	s26 =	sand.u32 $0x1FFFFFC0, s26  }
0x3ff: {  	s28 =	simm.s32 $0xC180;
	s26 =	sadd.s32 s4, s26  }
0x400: {  	[tilespmem:s28], [sflag:$0x1] =	stream.linear.gather [hbm4b:s26+s25], $0x180, $0x38;
	[tilespmem:$0x10180] =	vst v63  }
0x401: {  	s26 =	spop (v2sf)  }
0x402: {  	(v2sf) =	vpush v0, $0x5;
	s26 =	sand.u32 $0x1FFFFFC0, s26  }
0x403: {  	s28 =	simm.s32 $0xC380;
	s26 =	sadd.s32 s4, s26  }
0x404: {  	[tilespmem:s28], [sflag:$0x1] =	stream.linear.gather [hbm4b:s26+s25], $0x180, $0x38;
	[tilespmem:$0x10180] =	vst v63  }
0x405: {  	s26 =	spop (v2sf)  }
0x406: {  	(v2sf) =	vpush v0, $0x6;
	s26 =	sand.u32 $0x1FFFFFC0, s26  }
0x407: {  	s28 =	simm.s32 $0xC580;
	s26 =	sadd.s32 s4, s26  }
0x408: {  	[tilespmem:s28], [sflag:$0x1] =	stream.linear.gather [hbm4b:s26+s25], $0x180, $0x38;
	[tilespmem:$0x10180] =	vst v63  }
0x409: {  	s26 =	spop (v2sf)  }
0x40a: {  	(v2sf) =	vpush v0, $0x7;
	s26 =	sand.u32 $0x1FFFFFC0, s26  }
0x40b: {  	s28 =	simm.s32 $0xC780;
	s26 =	sadd.s32 s4, s26  }
0x40c: {  	[tilespmem:s28], [sflag:$0x1] =	stream.linear.gather [hbm4b:s26+s25], $0x180, $0x38;
	[tilespmem:$0x10180] =	vst v63  }
0x40d: {  	s26 =	spop (v2sf)  }
0x40e: {  	(v2sf) =	vpush v0, $0x8;
	s26 =	sand.u32 $0x1FFFFFC0, s26  }
0x40f: {  	s28 =	simm.s32 $0xC980;
	s26 =	sadd.s32 s4, s26  }
0x410: {  	[tilespmem:s28], [sflag:$0x1] =	stream.linear.gather [hbm4b:s26+s25], $0x180, $0x38;
	[tilespmem:$0x10180] =	vst v63  }
0x411: {  	s26 =	spop (v2sf)  }
0x412: {  	(v2sf) =	vpush v0, $0x9;
	s26 =	sand.u32 $0x1FFFFFC0, s26  }
0x413: {  	s28 =	simm.s32 $0xCB80;
	s26 =	sadd.s32 s4, s26  }
0x414: {  	[tilespmem:s28], [sflag:$0x1] =	stream.linear.gather [hbm4b:s26+s25], $0x180, $0x38;
	[tilespmem:$0x10180] =	vst v63  }
0x415: {  	s26 =	spop (v2sf)  }
0x416: {  	(v2sf) =	vpush v0, $0xA;
	s26 =	sand.u32 $0x1FFFFFC0, s26  }
0x417: {  	s28 =	simm.s32 $0xCD80;
	s26 =	sadd.s32 s4, s26  }
0x418: {  	[tilespmem:s28], [sflag:$0x1] =	stream.linear.gather [hbm4b:s26+s25], $0x180, $0x38;
	[tilespmem:$0x10180] =	vst v63  }
0x419: {  	s26 =	spop (v2sf)  }
0x41a: {  	(v2sf) =	vpush v0, $0xB;
	s26 =	sand.u32 $0x1FFFFFC0, s26  }
0x41b: {  	s28 =	simm.s32 $0xCF80;
	s26 =	sadd.s32 s4, s26  }
0x41c: {  	[tilespmem:s28], [sflag:$0x1] =	stream.linear.gather [hbm4b:s26+s25], $0x180, $0x38;
	[tilespmem:$0x10180] =	vst v63  }
0x41d: {  	s26 =	spop (v2sf)  }
0x41e: {  	(v2sf) =	vpush v0, $0xC;
	s26 =	sand.u32 $0x1FFFFFC0, s26  }
0x41f: {  	s28 =	simm.s32 $0xD180;
	s26 =	sadd.s32 s4, s26  }
0x420: {  	[tilespmem:s28], [sflag:$0x1] =	stream.linear.gather [hbm4b:s26+s25], $0x180, $0x38;
	[tilespmem:$0x10180] =	vst v63  }
0x421: {  	s26 =	spop (v2sf)  }
0x422: {  	(v2sf) =	vpush v0, $0xD;
	s26 =	sand.u32 $0x1FFFFFC0, s26  }
0x423: {  	s28 =	simm.s32 $0xD380;
	s26 =	sadd.s32 s4, s26  }
0x424: {  	[tilespmem:s28], [sflag:$0x1] =	stream.linear.gather [hbm4b:s26+s25], $0x180, $0x38;
	[tilespmem:$0x10180] =	vst v63  }
0x425: {  	s26 =	spop (v2sf)  }
0x426: {  	(v2sf) =	vpush v0, $0xE;
	s26 =	sand.u32 $0x1FFFFFC0, s26  }
0x427: {  	s28 =	simm.s32 $0xD580;
	s26 =	sadd.s32 s4, s26  }
0x428: {  	[tilespmem:s28], [sflag:$0x1] =	stream.linear.gather [hbm4b:s26+s25], $0x180, $0x38;
	[tilespmem:$0x10180] =	vst v63  }
0x429: {  	s26 =	spop (v2sf)  }
0x42a: {  	(v2sf) =	vpush v0, $0xF;
	s26 =	sand.u32 $0x1FFFFFC0, s26  }
0x42b: {  	s28 =	simm.s32 $0xD780;
	s26 =	sadd.s32 s4, s26  }
0x42c: {  	[tilespmem:s28], [sflag:$0x1] =	stream.linear.gather [hbm4b:s26+s25], $0x180, $0x38;
	[tilespmem:$0x10180] =	vst v63  }
0x42d: {  	s26 =	spop (v2sf)  }
0x42e: {  	s26 =	sand.u32 $0x1FFFFFC0, s26  }
0x42f: {  	s28 =	simm.s32 $0xD980;
	s26 =	sadd.s32 s4, s26  }
0x430: {  	[tilespmem:s28], [sflag:$0x1] =	stream.linear.gather [hbm4b:s26+s25], $0x180, $0x38;
	[tilespmem:$0x10180] =	vst v63  }
0x431: {  	s26 =	spop (v2sf)  }
0x432: {  	s26 =	sand.u32 $0x1FFFFFC0, s26  }
0x433: {  	s28 =	simm.s32 $0xDB80;
	s26 =	sadd.s32 s4, s26  }
0x434: {  	[tilespmem:s28], [sflag:$0x1] =	stream.linear.gather [hbm4b:s26+s25], $0x180, $0x38;
	[tilespmem:$0x10180] =	vst v63  }
0x435: {  	s26 =	spop (v2sf)  }
0x436: {  	s26 =	sand.u32 $0x1FFFFFC0, s26  }
0x437: {  	s26 =	sadd.s32 s4, s26  }
0x438: {  	[tilespmem:s29], [sflag:$0x1] =	stream.linear.gather [hbm4b:s26+s25], $0x180, $0x38;
	[tilespmem:$0x10180] =	vst v63  }
0x439: {  	s26 =	spop (v2sf)  }
0x43a: {  	s26 =	sand.u32 $0x1FFFFFC0, s26  }
0x43b: {  	s26 =	sadd.s32 s4, s26  }
0x43c: {  	[tilespmem:s30], [sflag:$0x1] =	stream.linear.gather [hbm4b:s26+s25], $0x180, $0x38;
	[tilespmem:$0x10180] =	vst v63  }
0x43d: {  	v63 =	vld [tilespmem:$0xF0];
	_ =	sdelay $0x4  }
0x43e: {  	v0 =	vshll.u32 v63, $0x6  }
0x43f: {  	(v2sf) =	vpush v0, $0x0;
	_ =	sdelay $0x3  }
0x440: {  	(v2sf) =	vpush v0, $0x1;
	_ =	sdelay $0x3  }
0x441: {  	(v2sf) =	vpush v0, $0x2;
	_ =	sdelay $0x3  }
0x442: {  	(v2sf) =	vpush v0, $0x3;
	_ =	sdelay $0x2  }
0x443: {  	s26 =	spop (v2sf)  }
0x444: {  	(v2sf) =	vpush v0, $0x4;
	s26 =	sand.u32 $0x1FFFFFC0, s26  }
0x445: {  	s26 =	sadd.s32 s4, s26  }
0x446: {  	[tilespmem:s31], [sflag:$0x1] =	stream.linear.gather [hbm4b:s26+s25], $0x180, $0x38;
	[tilespmem:$0x10180] =	vst v63  }
0x447: {  	s26 =	spop (v2sf)  }
0x448: {  	(v2sf) =	vpush v0, $0x5;
	s26 =	sand.u32 $0x1FFFFFC0, s26  }
0x449: {  	s26 =	sadd.s32 s4, s26  }
0x44a: {  	[tilespmem:s0], [sflag:$0x1] =	stream.linear.gather [hbm4b:s26+s25], $0x180, $0x38;
	[tilespmem:$0x10180] =	vst v63  }
0x44b: {  	s26 =	spop (v2sf)  }
0x44c: {  	(v2sf) =	vpush v0, $0x6;
	s26 =	sand.u32 $0x1FFFFFC0, s26  }
0x44d: {  	s26 =	sadd.s32 s4, s26  }
0x44e: {  	[tilespmem:s1], [sflag:$0x1] =	stream.linear.gather [hbm4b:s26+s25], $0x180, $0x38;
	[tilespmem:$0x10180] =	vst v63  }
0x44f: {  	s26 =	spop (v2sf)  }
0x450: {  	(v2sf) =	vpush v0, $0x7;
	s26 =	sand.u32 $0x1FFFFFC0, s26  }
0x451: {  	s26 =	sadd.s32 s4, s26  }
0x452: {  	[tilespmem:s13], [sflag:$0x1] =	stream.linear.gather [hbm4b:s26+s25], $0x180, $0x38;
	[tilespmem:$0x10180] =	vst v63  }
0x453: {  	s26 =	spop (v2sf)  }
0x454: {  	(v2sf) =	vpush v0, $0x8;
	s26 =	sand.u32 $0x1FFFFFC0, s26  }
0x455: {  	s26 =	sadd.s32 s4, s26  }
0x456: {  	[tilespmem:s14], [sflag:$0x1] =	stream.linear.gather [hbm4b:s26+s25], $0x180, $0x38;
	[tilespmem:$0x10180] =	vst v63  }
0x457: {  	s26 =	spop (v2sf)  }
0x458: {  	(v2sf) =	vpush v0, $0x9;
	s26 =	sand.u32 $0x1FFFFFC0, s26  }
0x459: {  	s26 =	sadd.s32 s4, s26  }
0x45a: {  	[tilespmem:s5], [sflag:$0x1] =	stream.linear.gather [hbm4b:s26+s25], $0x180, $0x38;
	[tilespmem:$0x10180] =	vst v63  }
0x45b: {  	s26 =	spop (v2sf)  }
0x45c: {  	(v2sf) =	vpush v0, $0xA;
	s26 =	sand.u32 $0x1FFFFFC0, s26  }
0x45d: {  	s26 =	sadd.s32 s4, s26  }
0x45e: {  	(v2sf) =	vpush v0, $0xB;
	[tilespmem:s6], [sflag:$0x1] =	stream.linear.gather [hbm4b:s26+s25], $0x180, $0x38;
	[tilespmem:$0x10180] =	vst v63  }
0x45f: {  	s26 =	spop (v2sf)  }
0x460: {  	s26 =	sand.u32 $0x1FFFFFC0, s26  }
0x461: {  	(v2sf) =	vpush v0, $0xC;
	s26 =	sadd.s32 s4, s26  }
0x462: {  	[tilespmem:s7], [sflag:$0x1] =	stream.linear.gather [hbm4b:s26+s25], $0x180, $0x38;
	[tilespmem:$0x10180] =	vst v63  }
0x463: {  	s26 =	spop (v2sf)  }
0x464: {  	(v2sf) =	vpush v0, $0xD;
	s26 =	sand.u32 $0x1FFFFFC0, s26  }
0x465: {  	s26 =	sadd.s32 s4, s26  }
0x466: {  	[tilespmem:s11], [sflag:$0x1] =	stream.linear.gather [hbm4b:s26+s25], $0x180, $0x38;
	[tilespmem:$0x10180] =	vst v63  }
0x467: {  	s26 =	spop (v2sf);
	(v2sf) =	vpush v0, $0xE  }
0x468: {  	s26 =	sand.u32 $0x1FFFFFC0, s26  }
0x469: {  	s26 =	sadd.s32 s4, s26  }
0x46a: {  	[tilespmem:s15], [sflag:$0x1] =	stream.linear.gather [hbm4b:s26+s25], $0x180, $0x38;
	[tilespmem:$0x10180] =	vst v63  }
0x46b: {  	s26 =	spop (v2sf)  }
0x46c: {  	(v2sf) =	vpush v0, $0xF;
	s26 =	sand.u32 $0x1FFFFFC0, s26  }
0x46d: {  	s26 =	sadd.s32 s4, s26;
	s28 =	spop (v2sf)  }
0x46e: {  	[tilespmem:s16], [sflag:$0x1] =	stream.linear.gather [hbm4b:s26+s25], $0x180, $0x38;
	[tilespmem:$0x10180] =	vst v63  }
0x46f: {  	s26 =	sand.u32 $0x1FFFFFC0, s28  }
0x470: {  	s26 =	sadd.s32 s4, s26;
	s28 =	spop (v2sf)  }
0x471: {  	[tilespmem:s17], [sflag:$0x1] =	stream.linear.gather [hbm4b:s26+s25], $0x180, $0x38;
	[tilespmem:$0x10180] =	vst v63  }
0x472: {  	s26 =	sand.u32 $0x1FFFFFC0, s28  }
0x473: {  	s26 =	sadd.s32 s4, s26;
	s28 =	spop (v2sf)  }
0x474: {  	[tilespmem:s18], [sflag:$0x1] =	stream.linear.gather [hbm4b:s26+s25], $0x180, $0x38;
	[tilespmem:$0x10180] =	vst v63  }
0x475: {  	s26 =	sand.u32 $0x1FFFFFC0, s28  }
0x476: {  	s26 =	sadd.s32 s4, s26;
	s28 =	spop (v2sf)  }
0x477: {  	[tilespmem:s19], [sflag:$0x1] =	stream.linear.gather [hbm4b:s26+s25], $0x180, $0x38;
	[tilespmem:$0x10180] =	vst v63  }
0x478: {  	s26 =	sand.u32 $0x1FFFFFC0, s28  }
0x479: {  	s26 =	sadd.s32 s4, s26  }
0x47a: {  	[tilespmem:s20], [sflag:$0x1] =	stream.linear.gather [hbm4b:s26+s25], $0x180, $0x38;
	[tilespmem:$0x10180] =	vst v63  }
0x47b: {  	s26 =	spop (v2sf)  }
0x47c: {  	s26 =	sand.u32 $0x1FFFFFC0, s26  }
0x47d: {  	s26 =	sadd.s32 s4, s26  }
0x47e: {  	[tilespmem:s21], [sflag:$0x1] =	stream.linear.gather [hbm4b:s26+s25], $0x180, $0x38;
	[tilespmem:$0x10180] =	vst v63  }
0x47f: {  	_ =	swait.ge [sflag:s22], $0xC000  }
0x480: {  	s28 =	sadd.s32 $0x0, s9;
	[sflag:s22] =	ssyncset.done $0x0  }
0x481: {  	s25 =	simm.s32 $0x40;
	s26 =	simm.s32 $0x380;
	[sflag:s22] =	ssyncadd.s32 $0xFFFF4000  }
.LBB2_4:
0x482: {  	[hbm4b:s28+s2] =	stream.linear.scatter [tilespmem:s24], [sflag:$0x2], $0x180, $0x38;
	[tilespmem:$0x10180] =	vst v63  }
0x483: {  	s28 =	smov.u32 s25;
	s24 =	smov.u32 s26;
	p0 =	sne.s32 s25, $0x1FC0  }
.Ltmp1:
0x484: {  	s25 =	sadd.s32 $0x40, s25;
	(pc) =	sbr.rel @p0 .LBB2_4-.Ltmp1, $2  }
0x485: {  	_ =	sdelay $0x2  }
0x486: {  	s26 =	sadd.s32 $0x200, s26;
	s28 =	sadd.s32 s28, s9  }
0x487: {  	[hbm4b:s28+s2] =	stream.linear.scatter [tilespmem:s24], [sflag:$0x2], $0x180, $0x38;
	[tilespmem:$0x10180] =	vst v63  }
0x488: {  	_ =	swait.ge [sflag:s12], $0xC000  }
0x489: {  	[sflag:s12] =	ssyncset.done $0x0  }
0x48a: {  	[sflag:s12] =	ssyncadd.s32 $0xFFFF4000  }
0x48b: {  	v0 =	vld [tilespmem:$0x100];
	_ =	sdelay $0x4  }
0x48c: {  	v0 =	vshll.u32 v0, $0x6  }
0x48d: {  	(v2sf) =	vpush v0, $0x0;
	_ =	sdelay $0x3  }
0x48e: {  	(v2sf) =	vpush v0, $0x1;
	_ =	sdelay $0x3  }
0x48f: {  	(v2sf) =	vpush v0, $0x2;
	_ =	sdelay $0x3  }
0x490: {  	(v2sf) =	vpush v0, $0x3;
	_ =	sdelay $0x2  }
0x491: {  	s26 =	spop (v2sf)  }
0x492: {  	(v2sf) =	vpush v0, $0x4;
	s24 =	sand.u32 $0x1FFFFFC0, s26  }
0x493: {  	s25 =	simm.s32 $0x0;
	s26 =	sadd.s32 s4, s24;
	s24 =	simm.s32 $0x180  }
0x494: {  	[tilespmem:s24], [sflag:$0x1] =	stream.linear.gather [hbm4b:s26+s25], $0x180, $0x38;
	[tilespmem:$0x10180] =	vst v63  }
0x495: {  	s26 =	spop (v2sf)  }
0x496: {  	(v2sf) =	vpush v0, $0x5;
	s26 =	sand.u32 $0x1FFFFFC0, s26  }
0x497: {  	s28 =	simm.s32 $0x380;
	s26 =	sadd.s32 s4, s26  }
0x498: {  	[tilespmem:s28], [sflag:$0x1] =	stream.linear.gather [hbm4b:s26+s25], $0x180, $0x38;
	[tilespmem:$0x10180] =	vst v63  }
0x499: {  	s26 =	spop (v2sf)  }
0x49a: {  	(v2sf) =	vpush v0, $0x6;
	s26 =	sand.u32 $0x1FFFFFC0, s26  }
0x49b: {  	s28 =	simm.s32 $0x580;
	s26 =	sadd.s32 s4, s26  }
0x49c: {  	[tilespmem:s28], [sflag:$0x1] =	stream.linear.gather [hbm4b:s26+s25], $0x180, $0x38;
	[tilespmem:$0x10180] =	vst v63  }
0x49d: {  	s26 =	spop (v2sf)  }
0x49e: {  	(v2sf) =	vpush v0, $0x7;
	s26 =	sand.u32 $0x1FFFFFC0, s26  }
0x49f: {  	s28 =	simm.s32 $0x780;
	s26 =	sadd.s32 s4, s26  }
0x4a0: {  	[tilespmem:s28], [sflag:$0x1] =	stream.linear.gather [hbm4b:s26+s25], $0x180, $0x38;
	[tilespmem:$0x10180] =	vst v63  }
0x4a1: {  	s26 =	spop (v2sf)  }
0x4a2: {  	(v2sf) =	vpush v0, $0x8;
	s26 =	sand.u32 $0x1FFFFFC0, s26  }
0x4a3: {  	s28 =	simm.s32 $0x980;
	s26 =	sadd.s32 s4, s26  }
0x4a4: {  	[tilespmem:s28], [sflag:$0x1] =	stream.linear.gather [hbm4b:s26+s25], $0x180, $0x38;
	[tilespmem:$0x10180] =	vst v63  }
0x4a5: {  	s26 =	spop (v2sf)  }
0x4a6: {  	(v2sf) =	vpush v0, $0x9;
	s26 =	sand.u32 $0x1FFFFFC0, s26  }
0x4a7: {  	s28 =	simm.s32 $0xB80;
	s26 =	sadd.s32 s4, s26  }
0x4a8: {  	[tilespmem:s28], [sflag:$0x1] =	stream.linear.gather [hbm4b:s26+s25], $0x180, $0x38;
	[tilespmem:$0x10180] =	vst v63  }
0x4a9: {  	s26 =	spop (v2sf)  }
0x4aa: {  	(v2sf) =	vpush v0, $0xA;
	s26 =	sand.u32 $0x1FFFFFC0, s26  }
0x4ab: {  	s28 =	simm.s32 $0xD80;
	s26 =	sadd.s32 s4, s26  }
0x4ac: {  	[tilespmem:s28], [sflag:$0x1] =	stream.linear.gather [hbm4b:s26+s25], $0x180, $0x38;
	[tilespmem:$0x10180] =	vst v63  }
0x4ad: {  	s26 =	spop (v2sf)  }
0x4ae: {  	(v2sf) =	vpush v0, $0xB;
	s26 =	sand.u32 $0x1FFFFFC0, s26  }
0x4af: {  	s28 =	simm.s32 $0xF80;
	s26 =	sadd.s32 s4, s26  }
0x4b0: {  	[tilespmem:s28], [sflag:$0x1] =	stream.linear.gather [hbm4b:s26+s25], $0x180, $0x38;
	[tilespmem:$0x10180] =	vst v63  }
0x4b1: {  	s26 =	spop (v2sf)  }
0x4b2: {  	(v2sf) =	vpush v0, $0xC;
	s26 =	sand.u32 $0x1FFFFFC0, s26  }
0x4b3: {  	s28 =	simm.s32 $0x1180;
	s26 =	sadd.s32 s4, s26  }
0x4b4: {  	[tilespmem:s28], [sflag:$0x1] =	stream.linear.gather [hbm4b:s26+s25], $0x180, $0x38;
	[tilespmem:$0x10180] =	vst v63  }
0x4b5: {  	s26 =	spop (v2sf)  }
0x4b6: {  	(v2sf) =	vpush v0, $0xD;
	s26 =	sand.u32 $0x1FFFFFC0, s26  }
0x4b7: {  	s28 =	simm.s32 $0x1380;
	s26 =	sadd.s32 s4, s26  }
0x4b8: {  	[tilespmem:s28], [sflag:$0x1] =	stream.linear.gather [hbm4b:s26+s25], $0x180, $0x38;
	[tilespmem:$0x10180] =	vst v63  }
0x4b9: {  	s26 =	spop (v2sf)  }
0x4ba: {  	(v2sf) =	vpush v0, $0xE;
	s26 =	sand.u32 $0x1FFFFFC0, s26  }
0x4bb: {  	s28 =	simm.s32 $0x1580;
	s26 =	sadd.s32 s4, s26  }
0x4bc: {  	[tilespmem:s28], [sflag:$0x1] =	stream.linear.gather [hbm4b:s26+s25], $0x180, $0x38;
	[tilespmem:$0x10180] =	vst v63  }
0x4bd: {  	s26 =	spop (v2sf)  }
0x4be: {  	(v2sf) =	vpush v0, $0xF;
	s26 =	sand.u32 $0x1FFFFFC0, s26  }
0x4bf: {  	s28 =	simm.s32 $0x1780;
	s26 =	sadd.s32 s4, s26  }
0x4c0: {  	[tilespmem:s28], [sflag:$0x1] =	stream.linear.gather [hbm4b:s26+s25], $0x180, $0x38;
	[tilespmem:$0x10180] =	vst v63  }
0x4c1: {  	s26 =	spop (v2sf)  }
0x4c2: {  	s26 =	sand.u32 $0x1FFFFFC0, s26  }
0x4c3: {  	s28 =	simm.s32 $0x1980;
	s26 =	sadd.s32 s4, s26  }
0x4c4: {  	[tilespmem:s28], [sflag:$0x1] =	stream.linear.gather [hbm4b:s26+s25], $0x180, $0x38;
	[tilespmem:$0x10180] =	vst v63  }
0x4c5: {  	s26 =	spop (v2sf)  }
0x4c6: {  	s26 =	sand.u32 $0x1FFFFFC0, s26  }
0x4c7: {  	s28 =	simm.s32 $0x1B80;
	s26 =	sadd.s32 s4, s26  }
0x4c8: {  	[tilespmem:s28], [sflag:$0x1] =	stream.linear.gather [hbm4b:s26+s25], $0x180, $0x38;
	[tilespmem:$0x10180] =	vst v63  }
0x4c9: {  	s26 =	spop (v2sf)  }
0x4ca: {  	s26 =	sand.u32 $0x1FFFFFC0, s26  }
0x4cb: {  	s28 =	simm.s32 $0x1D80;
	s26 =	sadd.s32 s4, s26  }
0x4cc: {  	[tilespmem:s28], [sflag:$0x1] =	stream.linear.gather [hbm4b:s26+s25], $0x180, $0x38;
	[tilespmem:$0x10180] =	vst v63  }
0x4cd: {  	s26 =	spop (v2sf)  }
0x4ce: {  	s26 =	sand.u32 $0x1FFFFFC0, s26  }
0x4cf: {  	s28 =	simm.s32 $0x1F80;
	s26 =	sadd.s32 s4, s26  }
0x4d0: {  	[tilespmem:s28], [sflag:$0x1] =	stream.linear.gather [hbm4b:s26+s25], $0x180, $0x38;
	[tilespmem:$0x10180] =	vst v63  }
0x4d1: {  	v57 =	vld [tilespmem:$0x110];
	_ =	sdelay $0x4  }
0x4d2: {  	v0 =	vshll.u32 v57, $0x6  }
0x4d3: {  	(v2sf) =	vpush v0, $0x0;
	_ =	sdelay $0x3  }
0x4d4: {  	(v2sf) =	vpush v0, $0x1;
	_ =	sdelay $0x3  }
0x4d5: {  	(v2sf) =	vpush v0, $0x2;
	_ =	sdelay $0x3  }
0x4d6: {  	(v2sf) =	vpush v0, $0x3;
	_ =	sdelay $0x2  }
0x4d7: {  	s26 =	spop (v2sf)  }
0x4d8: {  	(v2sf) =	vpush v0, $0x4;
	s26 =	sand.u32 $0x1FFFFFC0, s26  }
0x4d9: {  	s28 =	simm.s32 $0x2180;
	s26 =	sadd.s32 s4, s26  }
0x4da: {  	[tilespmem:s28], [sflag:$0x1] =	stream.linear.gather [hbm4b:s26+s25], $0x180, $0x38;
	[tilespmem:$0x10180] =	vst v63  }
0x4db: {  	s26 =	spop (v2sf)  }
0x4dc: {  	(v2sf) =	vpush v0, $0x5;
	s26 =	sand.u32 $0x1FFFFFC0, s26  }
0x4dd: {  	s28 =	simm.s32 $0x2380;
	s26 =	sadd.s32 s4, s26  }
0x4de: {  	[tilespmem:s28], [sflag:$0x1] =	stream.linear.gather [hbm4b:s26+s25], $0x180, $0x38;
	[tilespmem:$0x10180] =	vst v63  }
0x4df: {  	s26 =	spop (v2sf)  }
0x4e0: {  	(v2sf) =	vpush v0, $0x6;
	s26 =	sand.u32 $0x1FFFFFC0, s26  }
0x4e1: {  	s28 =	simm.s32 $0x2580;
	s26 =	sadd.s32 s4, s26  }
0x4e2: {  	[tilespmem:s28], [sflag:$0x1] =	stream.linear.gather [hbm4b:s26+s25], $0x180, $0x38;
	[tilespmem:$0x10180] =	vst v63  }
0x4e3: {  	s26 =	spop (v2sf)  }
0x4e4: {  	(v2sf) =	vpush v0, $0x7;
	s26 =	sand.u32 $0x1FFFFFC0, s26  }
0x4e5: {  	s28 =	simm.s32 $0x2780;
	s26 =	sadd.s32 s4, s26  }
0x4e6: {  	[tilespmem:s28], [sflag:$0x1] =	stream.linear.gather [hbm4b:s26+s25], $0x180, $0x38;
	[tilespmem:$0x10180] =	vst v63  }
0x4e7: {  	s26 =	spop (v2sf)  }
0x4e8: {  	(v2sf) =	vpush v0, $0x8;
	s26 =	sand.u32 $0x1FFFFFC0, s26  }
0x4e9: {  	s28 =	simm.s32 $0x2980;
	s26 =	sadd.s32 s4, s26  }
0x4ea: {  	[tilespmem:s28], [sflag:$0x1] =	stream.linear.gather [hbm4b:s26+s25], $0x180, $0x38;
	[tilespmem:$0x10180] =	vst v63  }
0x4eb: {  	s26 =	spop (v2sf)  }
0x4ec: {  	(v2sf) =	vpush v0, $0x9;
	s26 =	sand.u32 $0x1FFFFFC0, s26  }
0x4ed: {  	s28 =	simm.s32 $0x2B80;
	s26 =	sadd.s32 s4, s26  }
0x4ee: {  	[tilespmem:s28], [sflag:$0x1] =	stream.linear.gather [hbm4b:s26+s25], $0x180, $0x38;
	[tilespmem:$0x10180] =	vst v63  }
0x4ef: {  	s26 =	spop (v2sf)  }
0x4f0: {  	(v2sf) =	vpush v0, $0xA;
	s26 =	sand.u32 $0x1FFFFFC0, s26  }
0x4f1: {  	s28 =	simm.s32 $0x2D80;
	s26 =	sadd.s32 s4, s26  }
0x4f2: {  	[tilespmem:s28], [sflag:$0x1] =	stream.linear.gather [hbm4b:s26+s25], $0x180, $0x38;
	[tilespmem:$0x10180] =	vst v63  }
0x4f3: {  	s26 =	spop (v2sf)  }
0x4f4: {  	(v2sf) =	vpush v0, $0xB;
	s26 =	sand.u32 $0x1FFFFFC0, s26  }
0x4f5: {  	s28 =	simm.s32 $0x2F80;
	s26 =	sadd.s32 s4, s26  }
0x4f6: {  	[tilespmem:s28], [sflag:$0x1] =	stream.linear.gather [hbm4b:s26+s25], $0x180, $0x38;
	[tilespmem:$0x10180] =	vst v63  }
0x4f7: {  	s26 =	spop (v2sf)  }
0x4f8: {  	(v2sf) =	vpush v0, $0xC;
	s26 =	sand.u32 $0x1FFFFFC0, s26  }
0x4f9: {  	s28 =	simm.s32 $0x3180;
	s26 =	sadd.s32 s4, s26  }
0x4fa: {  	[tilespmem:s28], [sflag:$0x1] =	stream.linear.gather [hbm4b:s26+s25], $0x180, $0x38;
	[tilespmem:$0x10180] =	vst v63  }
0x4fb: {  	s26 =	spop (v2sf)  }
0x4fc: {  	(v2sf) =	vpush v0, $0xD;
	s26 =	sand.u32 $0x1FFFFFC0, s26  }
0x4fd: {  	s28 =	simm.s32 $0x3380;
	s26 =	sadd.s32 s4, s26  }
0x4fe: {  	[tilespmem:s28], [sflag:$0x1] =	stream.linear.gather [hbm4b:s26+s25], $0x180, $0x38;
	[tilespmem:$0x10180] =	vst v63  }
0x4ff: {  	s26 =	spop (v2sf)  }
0x500: {  	(v2sf) =	vpush v0, $0xE;
	s26 =	sand.u32 $0x1FFFFFC0, s26  }
0x501: {  	s28 =	simm.s32 $0x3580;
	s26 =	sadd.s32 s4, s26  }
0x502: {  	[tilespmem:s28], [sflag:$0x1] =	stream.linear.gather [hbm4b:s26+s25], $0x180, $0x38;
	[tilespmem:$0x10180] =	vst v63  }
0x503: {  	s26 =	spop (v2sf)  }
0x504: {  	(v2sf) =	vpush v0, $0xF;
	s26 =	sand.u32 $0x1FFFFFC0, s26  }
0x505: {  	s28 =	simm.s32 $0x3780;
	s26 =	sadd.s32 s4, s26  }
0x506: {  	[tilespmem:s28], [sflag:$0x1] =	stream.linear.gather [hbm4b:s26+s25], $0x180, $0x38;
	[tilespmem:$0x10180] =	vst v63  }
0x507: {  	s26 =	spop (v2sf)  }
0x508: {  	s26 =	sand.u32 $0x1FFFFFC0, s26  }
0x509: {  	s28 =	simm.s32 $0x3980;
	s26 =	sadd.s32 s4, s26  }
0x50a: {  	[tilespmem:s28], [sflag:$0x1] =	stream.linear.gather [hbm4b:s26+s25], $0x180, $0x38;
	[tilespmem:$0x10180] =	vst v63  }
0x50b: {  	s26 =	spop (v2sf)  }
0x50c: {  	s26 =	sand.u32 $0x1FFFFFC0, s26  }
0x50d: {  	s28 =	simm.s32 $0x3B80;
	s26 =	sadd.s32 s4, s26  }
0x50e: {  	[tilespmem:s28], [sflag:$0x1] =	stream.linear.gather [hbm4b:s26+s25], $0x180, $0x38;
	[tilespmem:$0x10180] =	vst v63  }
0x50f: {  	s26 =	spop (v2sf)  }
0x510: {  	s26 =	sand.u32 $0x1FFFFFC0, s26  }
0x511: {  	s28 =	simm.s32 $0x3D80;
	s26 =	sadd.s32 s4, s26  }
0x512: {  	[tilespmem:s28], [sflag:$0x1] =	stream.linear.gather [hbm4b:s26+s25], $0x180, $0x38;
	[tilespmem:$0x10180] =	vst v63  }
0x513: {  	s26 =	spop (v2sf)  }
0x514: {  	s26 =	sand.u32 $0x1FFFFFC0, s26  }
0x515: {  	s28 =	simm.s32 $0x3F80;
	s26 =	sadd.s32 s4, s26  }
0x516: {  	[tilespmem:s28], [sflag:$0x1] =	stream.linear.gather [hbm4b:s26+s25], $0x180, $0x38;
	[tilespmem:$0x10180] =	vst v63  }
0x517: {  	v58 =	vld [tilespmem:$0x120];
	_ =	sdelay $0x4  }
0x518: {  	v0 =	vshll.u32 v58, $0x6  }
0x519: {  	(v2sf) =	vpush v0, $0x0;
	_ =	sdelay $0x3  }
0x51a: {  	(v2sf) =	vpush v0, $0x1;
	_ =	sdelay $0x3  }
0x51b: {  	(v2sf) =	vpush v0, $0x2;
	_ =	sdelay $0x3  }
0x51c: {  	(v2sf) =	vpush v0, $0x3;
	_ =	sdelay $0x2  }
0x51d: {  	s26 =	spop (v2sf)  }
0x51e: {  	(v2sf) =	vpush v0, $0x4;
	s26 =	sand.u32 $0x1FFFFFC0, s26  }
0x51f: {  	s28 =	simm.s32 $0x4180;
	s26 =	sadd.s32 s4, s26  }
0x520: {  	[tilespmem:s28], [sflag:$0x1] =	stream.linear.gather [hbm4b:s26+s25], $0x180, $0x38;
	[tilespmem:$0x10180] =	vst v63  }
0x521: {  	s26 =	spop (v2sf)  }
0x522: {  	(v2sf) =	vpush v0, $0x5;
	s26 =	sand.u32 $0x1FFFFFC0, s26  }
0x523: {  	s28 =	simm.s32 $0x4380;
	s26 =	sadd.s32 s4, s26  }
0x524: {  	[tilespmem:s28], [sflag:$0x1] =	stream.linear.gather [hbm4b:s26+s25], $0x180, $0x38;
	[tilespmem:$0x10180] =	vst v63  }
0x525: {  	s26 =	spop (v2sf)  }
0x526: {  	(v2sf) =	vpush v0, $0x6;
	s26 =	sand.u32 $0x1FFFFFC0, s26  }
0x527: {  	s28 =	simm.s32 $0x4580;
	s26 =	sadd.s32 s4, s26  }
0x528: {  	[tilespmem:s28], [sflag:$0x1] =	stream.linear.gather [hbm4b:s26+s25], $0x180, $0x38;
	[tilespmem:$0x10180] =	vst v63  }
0x529: {  	s26 =	spop (v2sf)  }
0x52a: {  	(v2sf) =	vpush v0, $0x7;
	s26 =	sand.u32 $0x1FFFFFC0, s26  }
0x52b: {  	s28 =	simm.s32 $0x4780;
	s26 =	sadd.s32 s4, s26  }
0x52c: {  	[tilespmem:s28], [sflag:$0x1] =	stream.linear.gather [hbm4b:s26+s25], $0x180, $0x38;
	[tilespmem:$0x10180] =	vst v63  }
0x52d: {  	s26 =	spop (v2sf)  }
0x52e: {  	(v2sf) =	vpush v0, $0x8;
	s26 =	sand.u32 $0x1FFFFFC0, s26  }
0x52f: {  	s28 =	simm.s32 $0x4980;
	s26 =	sadd.s32 s4, s26  }
0x530: {  	[tilespmem:s28], [sflag:$0x1] =	stream.linear.gather [hbm4b:s26+s25], $0x180, $0x38;
	[tilespmem:$0x10180] =	vst v63  }
0x531: {  	s26 =	spop (v2sf)  }
0x532: {  	(v2sf) =	vpush v0, $0x9;
	s26 =	sand.u32 $0x1FFFFFC0, s26  }
0x533: {  	s28 =	simm.s32 $0x4B80;
	s26 =	sadd.s32 s4, s26  }
0x534: {  	[tilespmem:s28], [sflag:$0x1] =	stream.linear.gather [hbm4b:s26+s25], $0x180, $0x38;
	[tilespmem:$0x10180] =	vst v63  }
0x535: {  	s26 =	spop (v2sf)  }
0x536: {  	(v2sf) =	vpush v0, $0xA;
	s26 =	sand.u32 $0x1FFFFFC0, s26  }
0x537: {  	s28 =	simm.s32 $0x4D80;
	s26 =	sadd.s32 s4, s26  }
0x538: {  	[tilespmem:s28], [sflag:$0x1] =	stream.linear.gather [hbm4b:s26+s25], $0x180, $0x38;
	[tilespmem:$0x10180] =	vst v63  }
0x539: {  	s26 =	spop (v2sf)  }
0x53a: {  	(v2sf) =	vpush v0, $0xB;
	s26 =	sand.u32 $0x1FFFFFC0, s26  }
0x53b: {  	s28 =	simm.s32 $0x4F80;
	s26 =	sadd.s32 s4, s26  }
0x53c: {  	[tilespmem:s28], [sflag:$0x1] =	stream.linear.gather [hbm4b:s26+s25], $0x180, $0x38;
	[tilespmem:$0x10180] =	vst v63  }
0x53d: {  	s26 =	spop (v2sf)  }
0x53e: {  	(v2sf) =	vpush v0, $0xC;
	s26 =	sand.u32 $0x1FFFFFC0, s26  }
0x53f: {  	s28 =	simm.s32 $0x5180;
	s26 =	sadd.s32 s4, s26  }
0x540: {  	[tilespmem:s28], [sflag:$0x1] =	stream.linear.gather [hbm4b:s26+s25], $0x180, $0x38;
	[tilespmem:$0x10180] =	vst v63  }
0x541: {  	s26 =	spop (v2sf)  }
0x542: {  	(v2sf) =	vpush v0, $0xD;
	s26 =	sand.u32 $0x1FFFFFC0, s26  }
0x543: {  	s28 =	simm.s32 $0x5380;
	s26 =	sadd.s32 s4, s26  }
0x544: {  	[tilespmem:s28], [sflag:$0x1] =	stream.linear.gather [hbm4b:s26+s25], $0x180, $0x38;
	[tilespmem:$0x10180] =	vst v63  }
0x545: {  	s26 =	spop (v2sf)  }
0x546: {  	(v2sf) =	vpush v0, $0xE;
	s26 =	sand.u32 $0x1FFFFFC0, s26  }
0x547: {  	s28 =	simm.s32 $0x5580;
	s26 =	sadd.s32 s4, s26  }
0x548: {  	[tilespmem:s28], [sflag:$0x1] =	stream.linear.gather [hbm4b:s26+s25], $0x180, $0x38;
	[tilespmem:$0x10180] =	vst v63  }
0x549: {  	s26 =	spop (v2sf)  }
0x54a: {  	(v2sf) =	vpush v0, $0xF;
	s26 =	sand.u32 $0x1FFFFFC0, s26  }
0x54b: {  	s28 =	simm.s32 $0x5780;
	s26 =	sadd.s32 s4, s26  }
0x54c: {  	[tilespmem:s28], [sflag:$0x1] =	stream.linear.gather [hbm4b:s26+s25], $0x180, $0x38;
	[tilespmem:$0x10180] =	vst v63  }
0x54d: {  	s26 =	spop (v2sf)  }
0x54e: {  	s26 =	sand.u32 $0x1FFFFFC0, s26  }
0x54f: {  	s28 =	simm.s32 $0x5980;
	s26 =	sadd.s32 s4, s26  }
0x550: {  	[tilespmem:s28], [sflag:$0x1] =	stream.linear.gather [hbm4b:s26+s25], $0x180, $0x38;
	[tilespmem:$0x10180] =	vst v63  }
0x551: {  	s26 =	spop (v2sf)  }
0x552: {  	s26 =	sand.u32 $0x1FFFFFC0, s26  }
0x553: {  	s28 =	simm.s32 $0x5B80;
	s26 =	sadd.s32 s4, s26  }
0x554: {  	[tilespmem:s28], [sflag:$0x1] =	stream.linear.gather [hbm4b:s26+s25], $0x180, $0x38;
	[tilespmem:$0x10180] =	vst v63  }
0x555: {  	s26 =	spop (v2sf)  }
0x556: {  	s26 =	sand.u32 $0x1FFFFFC0, s26  }
0x557: {  	s28 =	simm.s32 $0x5D80;
	s26 =	sadd.s32 s4, s26  }
0x558: {  	[tilespmem:s28], [sflag:$0x1] =	stream.linear.gather [hbm4b:s26+s25], $0x180, $0x38;
	[tilespmem:$0x10180] =	vst v63  }
0x559: {  	s26 =	spop (v2sf)  }
0x55a: {  	s26 =	sand.u32 $0x1FFFFFC0, s26  }
0x55b: {  	s28 =	simm.s32 $0x5F80;
	s26 =	sadd.s32 s4, s26  }
0x55c: {  	[tilespmem:s28], [sflag:$0x1] =	stream.linear.gather [hbm4b:s26+s25], $0x180, $0x38;
	[tilespmem:$0x10180] =	vst v63  }
0x55d: {  	v59 =	vld [tilespmem:$0x130];
	_ =	sdelay $0x4  }
0x55e: {  	v0 =	vshll.u32 v59, $0x6  }
0x55f: {  	(v2sf) =	vpush v0, $0x0;
	_ =	sdelay $0x3  }
0x560: {  	(v2sf) =	vpush v0, $0x1;
	_ =	sdelay $0x3  }
0x561: {  	(v2sf) =	vpush v0, $0x2;
	_ =	sdelay $0x3  }
0x562: {  	(v2sf) =	vpush v0, $0x3;
	_ =	sdelay $0x2  }
0x563: {  	s26 =	spop (v2sf)  }
0x564: {  	(v2sf) =	vpush v0, $0x4;
	s26 =	sand.u32 $0x1FFFFFC0, s26  }
0x565: {  	s28 =	simm.s32 $0x6180;
	s26 =	sadd.s32 s4, s26  }
0x566: {  	[tilespmem:s28], [sflag:$0x1] =	stream.linear.gather [hbm4b:s26+s25], $0x180, $0x38;
	[tilespmem:$0x10180] =	vst v63  }
0x567: {  	s26 =	spop (v2sf)  }
0x568: {  	(v2sf) =	vpush v0, $0x5;
	s26 =	sand.u32 $0x1FFFFFC0, s26  }
0x569: {  	s28 =	simm.s32 $0x6380;
	s26 =	sadd.s32 s4, s26  }
0x56a: {  	[tilespmem:s28], [sflag:$0x1] =	stream.linear.gather [hbm4b:s26+s25], $0x180, $0x38;
	[tilespmem:$0x10180] =	vst v63  }
0x56b: {  	s26 =	spop (v2sf)  }
0x56c: {  	(v2sf) =	vpush v0, $0x6;
	s26 =	sand.u32 $0x1FFFFFC0, s26  }
0x56d: {  	s28 =	simm.s32 $0x6580;
	s26 =	sadd.s32 s4, s26  }
0x56e: {  	[tilespmem:s28], [sflag:$0x1] =	stream.linear.gather [hbm4b:s26+s25], $0x180, $0x38;
	[tilespmem:$0x10180] =	vst v63  }
0x56f: {  	s26 =	spop (v2sf)  }
0x570: {  	(v2sf) =	vpush v0, $0x7;
	s26 =	sand.u32 $0x1FFFFFC0, s26  }
0x571: {  	s28 =	simm.s32 $0x6780;
	s26 =	sadd.s32 s4, s26  }
0x572: {  	[tilespmem:s28], [sflag:$0x1] =	stream.linear.gather [hbm4b:s26+s25], $0x180, $0x38;
	[tilespmem:$0x10180] =	vst v63  }
0x573: {  	s26 =	spop (v2sf)  }
0x574: {  	(v2sf) =	vpush v0, $0x8;
	s26 =	sand.u32 $0x1FFFFFC0, s26  }
0x575: {  	s28 =	simm.s32 $0x6980;
	s26 =	sadd.s32 s4, s26  }
0x576: {  	[tilespmem:s28], [sflag:$0x1] =	stream.linear.gather [hbm4b:s26+s25], $0x180, $0x38;
	[tilespmem:$0x10180] =	vst v63  }
0x577: {  	s26 =	spop (v2sf)  }
0x578: {  	(v2sf) =	vpush v0, $0x9;
	s26 =	sand.u32 $0x1FFFFFC0, s26  }
0x579: {  	s28 =	simm.s32 $0x6B80;
	s26 =	sadd.s32 s4, s26  }
0x57a: {  	[tilespmem:s28], [sflag:$0x1] =	stream.linear.gather [hbm4b:s26+s25], $0x180, $0x38;
	[tilespmem:$0x10180] =	vst v63  }
0x57b: {  	s26 =	spop (v2sf)  }
0x57c: {  	(v2sf) =	vpush v0, $0xA;
	s26 =	sand.u32 $0x1FFFFFC0, s26  }
0x57d: {  	s28 =	simm.s32 $0x6D80;
	s26 =	sadd.s32 s4, s26  }
0x57e: {  	[tilespmem:s28], [sflag:$0x1] =	stream.linear.gather [hbm4b:s26+s25], $0x180, $0x38;
	[tilespmem:$0x10180] =	vst v63  }
0x57f: {  	s26 =	spop (v2sf)  }
0x580: {  	(v2sf) =	vpush v0, $0xB;
	s26 =	sand.u32 $0x1FFFFFC0, s26  }
0x581: {  	s28 =	simm.s32 $0x6F80;
	s26 =	sadd.s32 s4, s26  }
0x582: {  	[tilespmem:s28], [sflag:$0x1] =	stream.linear.gather [hbm4b:s26+s25], $0x180, $0x38;
	[tilespmem:$0x10180] =	vst v63  }
0x583: {  	s26 =	spop (v2sf)  }
0x584: {  	(v2sf) =	vpush v0, $0xC;
	s26 =	sand.u32 $0x1FFFFFC0, s26  }
0x585: {  	s28 =	simm.s32 $0x7180;
	s26 =	sadd.s32 s4, s26  }
0x586: {  	[tilespmem:s28], [sflag:$0x1] =	stream.linear.gather [hbm4b:s26+s25], $0x180, $0x38;
	[tilespmem:$0x10180] =	vst v63  }
0x587: {  	s26 =	spop (v2sf)  }
0x588: {  	(v2sf) =	vpush v0, $0xD;
	s26 =	sand.u32 $0x1FFFFFC0, s26  }
0x589: {  	s28 =	simm.s32 $0x7380;
	s26 =	sadd.s32 s4, s26  }
0x58a: {  	[tilespmem:s28], [sflag:$0x1] =	stream.linear.gather [hbm4b:s26+s25], $0x180, $0x38;
	[tilespmem:$0x10180] =	vst v63  }
0x58b: {  	s26 =	spop (v2sf)  }
0x58c: {  	(v2sf) =	vpush v0, $0xE;
	s26 =	sand.u32 $0x1FFFFFC0, s26  }
0x58d: {  	s28 =	simm.s32 $0x7580;
	s26 =	sadd.s32 s4, s26  }
0x58e: {  	[tilespmem:s28], [sflag:$0x1] =	stream.linear.gather [hbm4b:s26+s25], $0x180, $0x38;
	[tilespmem:$0x10180] =	vst v63  }
0x58f: {  	s26 =	spop (v2sf)  }
0x590: {  	(v2sf) =	vpush v0, $0xF;
	s26 =	sand.u32 $0x1FFFFFC0, s26  }
0x591: {  	s28 =	simm.s32 $0x7780;
	s26 =	sadd.s32 s4, s26  }
0x592: {  	[tilespmem:s28], [sflag:$0x1] =	stream.linear.gather [hbm4b:s26+s25], $0x180, $0x38;
	[tilespmem:$0x10180] =	vst v63  }
0x593: {  	s26 =	spop (v2sf)  }
0x594: {  	s26 =	sand.u32 $0x1FFFFFC0, s26  }
0x595: {  	s28 =	simm.s32 $0x7980;
	s26 =	sadd.s32 s4, s26  }
0x596: {  	[tilespmem:s28], [sflag:$0x1] =	stream.linear.gather [hbm4b:s26+s25], $0x180, $0x38;
	[tilespmem:$0x10180] =	vst v63  }
0x597: {  	s26 =	spop (v2sf)  }
0x598: {  	s26 =	sand.u32 $0x1FFFFFC0, s26  }
0x599: {  	s28 =	simm.s32 $0x7B80;
	s26 =	sadd.s32 s4, s26  }
0x59a: {  	[tilespmem:s28], [sflag:$0x1] =	stream.linear.gather [hbm4b:s26+s25], $0x180, $0x38;
	[tilespmem:$0x10180] =	vst v63  }
0x59b: {  	s26 =	spop (v2sf)  }
0x59c: {  	s26 =	sand.u32 $0x1FFFFFC0, s26  }
0x59d: {  	s28 =	simm.s32 $0x7D80;
	s26 =	sadd.s32 s4, s26  }
0x59e: {  	[tilespmem:s28], [sflag:$0x1] =	stream.linear.gather [hbm4b:s26+s25], $0x180, $0x38;
	[tilespmem:$0x10180] =	vst v63  }
0x59f: {  	s26 =	spop (v2sf)  }
0x5a0: {  	s26 =	sand.u32 $0x1FFFFFC0, s26  }
0x5a1: {  	s28 =	simm.s32 $0x7F80;
	s26 =	sadd.s32 s4, s26  }
0x5a2: {  	[tilespmem:s28], [sflag:$0x1] =	stream.linear.gather [hbm4b:s26+s25], $0x180, $0x38;
	[tilespmem:$0x10180] =	vst v63  }
0x5a3: {  	v60 =	vld [tilespmem:$0x140];
	_ =	sdelay $0x4  }
0x5a4: {  	v0 =	vshll.u32 v60, $0x6  }
0x5a5: {  	(v2sf) =	vpush v0, $0x0;
	_ =	sdelay $0x3  }
0x5a6: {  	(v2sf) =	vpush v0, $0x1;
	_ =	sdelay $0x3  }
0x5a7: {  	(v2sf) =	vpush v0, $0x2;
	_ =	sdelay $0x3  }
0x5a8: {  	(v2sf) =	vpush v0, $0x3;
	_ =	sdelay $0x2  }
0x5a9: {  	s26 =	spop (v2sf)  }
0x5aa: {  	(v2sf) =	vpush v0, $0x4;
	s26 =	sand.u32 $0x1FFFFFC0, s26  }
0x5ab: {  	s28 =	simm.s32 $0x8180;
	s26 =	sadd.s32 s4, s26  }
0x5ac: {  	[tilespmem:s28], [sflag:$0x1] =	stream.linear.gather [hbm4b:s26+s25], $0x180, $0x38;
	[tilespmem:$0x10180] =	vst v63  }
0x5ad: {  	s26 =	spop (v2sf)  }
0x5ae: {  	(v2sf) =	vpush v0, $0x5;
	s26 =	sand.u32 $0x1FFFFFC0, s26  }
0x5af: {  	s28 =	simm.s32 $0x8380;
	s26 =	sadd.s32 s4, s26  }
0x5b0: {  	[tilespmem:s28], [sflag:$0x1] =	stream.linear.gather [hbm4b:s26+s25], $0x180, $0x38;
	[tilespmem:$0x10180] =	vst v63  }
0x5b1: {  	s26 =	spop (v2sf)  }
0x5b2: {  	(v2sf) =	vpush v0, $0x6;
	s26 =	sand.u32 $0x1FFFFFC0, s26  }
0x5b3: {  	s28 =	simm.s32 $0x8580;
	s26 =	sadd.s32 s4, s26  }
0x5b4: {  	[tilespmem:s28], [sflag:$0x1] =	stream.linear.gather [hbm4b:s26+s25], $0x180, $0x38;
	[tilespmem:$0x10180] =	vst v63  }
0x5b5: {  	s26 =	spop (v2sf)  }
0x5b6: {  	(v2sf) =	vpush v0, $0x7;
	s26 =	sand.u32 $0x1FFFFFC0, s26  }
0x5b7: {  	s28 =	simm.s32 $0x8780;
	s26 =	sadd.s32 s4, s26  }
0x5b8: {  	[tilespmem:s28], [sflag:$0x1] =	stream.linear.gather [hbm4b:s26+s25], $0x180, $0x38;
	[tilespmem:$0x10180] =	vst v63  }
0x5b9: {  	s26 =	spop (v2sf)  }
0x5ba: {  	(v2sf) =	vpush v0, $0x8;
	s26 =	sand.u32 $0x1FFFFFC0, s26  }
0x5bb: {  	s28 =	simm.s32 $0x8980;
	s26 =	sadd.s32 s4, s26  }
0x5bc: {  	[tilespmem:s28], [sflag:$0x1] =	stream.linear.gather [hbm4b:s26+s25], $0x180, $0x38;
	[tilespmem:$0x10180] =	vst v63  }
0x5bd: {  	s26 =	spop (v2sf)  }
0x5be: {  	(v2sf) =	vpush v0, $0x9;
	s26 =	sand.u32 $0x1FFFFFC0, s26  }
0x5bf: {  	s28 =	simm.s32 $0x8B80;
	s26 =	sadd.s32 s4, s26  }
0x5c0: {  	[tilespmem:s28], [sflag:$0x1] =	stream.linear.gather [hbm4b:s26+s25], $0x180, $0x38;
	[tilespmem:$0x10180] =	vst v63  }
0x5c1: {  	s26 =	spop (v2sf)  }
0x5c2: {  	(v2sf) =	vpush v0, $0xA;
	s26 =	sand.u32 $0x1FFFFFC0, s26  }
0x5c3: {  	s28 =	simm.s32 $0x8D80;
	s26 =	sadd.s32 s4, s26  }
0x5c4: {  	[tilespmem:s28], [sflag:$0x1] =	stream.linear.gather [hbm4b:s26+s25], $0x180, $0x38;
	[tilespmem:$0x10180] =	vst v63  }
0x5c5: {  	s26 =	spop (v2sf)  }
0x5c6: {  	(v2sf) =	vpush v0, $0xB;
	s26 =	sand.u32 $0x1FFFFFC0, s26  }
0x5c7: {  	s28 =	simm.s32 $0x8F80;
	s26 =	sadd.s32 s4, s26  }
0x5c8: {  	[tilespmem:s28], [sflag:$0x1] =	stream.linear.gather [hbm4b:s26+s25], $0x180, $0x38;
	[tilespmem:$0x10180] =	vst v63  }
0x5c9: {  	s26 =	spop (v2sf)  }
0x5ca: {  	(v2sf) =	vpush v0, $0xC;
	s26 =	sand.u32 $0x1FFFFFC0, s26  }
0x5cb: {  	s28 =	simm.s32 $0x9180;
	s26 =	sadd.s32 s4, s26  }
0x5cc: {  	[tilespmem:s28], [sflag:$0x1] =	stream.linear.gather [hbm4b:s26+s25], $0x180, $0x38;
	[tilespmem:$0x10180] =	vst v63  }
0x5cd: {  	s26 =	spop (v2sf)  }
0x5ce: {  	(v2sf) =	vpush v0, $0xD;
	s26 =	sand.u32 $0x1FFFFFC0, s26  }
0x5cf: {  	s28 =	simm.s32 $0x9380;
	s26 =	sadd.s32 s4, s26  }
0x5d0: {  	[tilespmem:s28], [sflag:$0x1] =	stream.linear.gather [hbm4b:s26+s25], $0x180, $0x38;
	[tilespmem:$0x10180] =	vst v63  }
0x5d1: {  	s26 =	spop (v2sf)  }
0x5d2: {  	(v2sf) =	vpush v0, $0xE;
	s26 =	sand.u32 $0x1FFFFFC0, s26  }
0x5d3: {  	s28 =	simm.s32 $0x9580;
	s26 =	sadd.s32 s4, s26  }
0x5d4: {  	[tilespmem:s28], [sflag:$0x1] =	stream.linear.gather [hbm4b:s26+s25], $0x180, $0x38;
	[tilespmem:$0x10180] =	vst v63  }
0x5d5: {  	s26 =	spop (v2sf)  }
0x5d6: {  	(v2sf) =	vpush v0, $0xF;
	s26 =	sand.u32 $0x1FFFFFC0, s26  }
0x5d7: {  	s28 =	simm.s32 $0x9780;
	s26 =	sadd.s32 s4, s26  }
0x5d8: {  	[tilespmem:s28], [sflag:$0x1] =	stream.linear.gather [hbm4b:s26+s25], $0x180, $0x38;
	[tilespmem:$0x10180] =	vst v63  }
0x5d9: {  	s26 =	spop (v2sf)  }
0x5da: {  	s26 =	sand.u32 $0x1FFFFFC0, s26  }
0x5db: {  	s28 =	simm.s32 $0x9980;
	s26 =	sadd.s32 s4, s26  }
0x5dc: {  	[tilespmem:s28], [sflag:$0x1] =	stream.linear.gather [hbm4b:s26+s25], $0x180, $0x38;
	[tilespmem:$0x10180] =	vst v63  }
0x5dd: {  	s26 =	spop (v2sf)  }
0x5de: {  	s26 =	sand.u32 $0x1FFFFFC0, s26  }
0x5df: {  	s28 =	simm.s32 $0x9B80;
	s26 =	sadd.s32 s4, s26  }
0x5e0: {  	[tilespmem:s28], [sflag:$0x1] =	stream.linear.gather [hbm4b:s26+s25], $0x180, $0x38;
	[tilespmem:$0x10180] =	vst v63  }
0x5e1: {  	s26 =	spop (v2sf)  }
0x5e2: {  	s26 =	sand.u32 $0x1FFFFFC0, s26  }
0x5e3: {  	s28 =	simm.s32 $0x9D80;
	s26 =	sadd.s32 s4, s26  }
0x5e4: {  	[tilespmem:s28], [sflag:$0x1] =	stream.linear.gather [hbm4b:s26+s25], $0x180, $0x38;
	[tilespmem:$0x10180] =	vst v63  }
0x5e5: {  	s26 =	spop (v2sf)  }
0x5e6: {  	s26 =	sand.u32 $0x1FFFFFC0, s26  }
0x5e7: {  	s28 =	simm.s32 $0x9F80;
	s26 =	sadd.s32 s4, s26  }
0x5e8: {  	[tilespmem:s28], [sflag:$0x1] =	stream.linear.gather [hbm4b:s26+s25], $0x180, $0x38;
	[tilespmem:$0x10180] =	vst v63  }
0x5e9: {  	v61 =	vld [tilespmem:$0x150];
	_ =	sdelay $0x4  }
0x5ea: {  	v0 =	vshll.u32 v61, $0x6  }
0x5eb: {  	(v2sf) =	vpush v0, $0x0;
	_ =	sdelay $0x3  }
0x5ec: {  	(v2sf) =	vpush v0, $0x1;
	_ =	sdelay $0x3  }
0x5ed: {  	(v2sf) =	vpush v0, $0x2;
	_ =	sdelay $0x3  }
0x5ee: {  	(v2sf) =	vpush v0, $0x3;
	_ =	sdelay $0x2  }
0x5ef: {  	s26 =	spop (v2sf)  }
0x5f0: {  	(v2sf) =	vpush v0, $0x4;
	s26 =	sand.u32 $0x1FFFFFC0, s26  }
0x5f1: {  	s28 =	simm.s32 $0xA180;
	s26 =	sadd.s32 s4, s26  }
0x5f2: {  	[tilespmem:s28], [sflag:$0x1] =	stream.linear.gather [hbm4b:s26+s25], $0x180, $0x38;
	[tilespmem:$0x10180] =	vst v63  }
0x5f3: {  	s26 =	spop (v2sf)  }
0x5f4: {  	(v2sf) =	vpush v0, $0x5;
	s26 =	sand.u32 $0x1FFFFFC0, s26  }
0x5f5: {  	s28 =	simm.s32 $0xA380;
	s26 =	sadd.s32 s4, s26  }
0x5f6: {  	[tilespmem:s28], [sflag:$0x1] =	stream.linear.gather [hbm4b:s26+s25], $0x180, $0x38;
	[tilespmem:$0x10180] =	vst v63  }
0x5f7: {  	s26 =	spop (v2sf)  }
0x5f8: {  	(v2sf) =	vpush v0, $0x6;
	s26 =	sand.u32 $0x1FFFFFC0, s26  }
0x5f9: {  	s28 =	simm.s32 $0xA580;
	s26 =	sadd.s32 s4, s26  }
0x5fa: {  	[tilespmem:s28], [sflag:$0x1] =	stream.linear.gather [hbm4b:s26+s25], $0x180, $0x38;
	[tilespmem:$0x10180] =	vst v63  }
0x5fb: {  	s26 =	spop (v2sf)  }
0x5fc: {  	(v2sf) =	vpush v0, $0x7;
	s26 =	sand.u32 $0x1FFFFFC0, s26  }
0x5fd: {  	s28 =	simm.s32 $0xA780;
	s26 =	sadd.s32 s4, s26  }
0x5fe: {  	[tilespmem:s28], [sflag:$0x1] =	stream.linear.gather [hbm4b:s26+s25], $0x180, $0x38;
	[tilespmem:$0x10180] =	vst v63  }
0x5ff: {  	s26 =	spop (v2sf)  }
0x600: {  	(v2sf) =	vpush v0, $0x8;
	s26 =	sand.u32 $0x1FFFFFC0, s26  }
0x601: {  	s28 =	simm.s32 $0xA980;
	s26 =	sadd.s32 s4, s26  }
0x602: {  	[tilespmem:s28], [sflag:$0x1] =	stream.linear.gather [hbm4b:s26+s25], $0x180, $0x38;
	[tilespmem:$0x10180] =	vst v63  }
0x603: {  	s26 =	spop (v2sf)  }
0x604: {  	(v2sf) =	vpush v0, $0x9;
	s26 =	sand.u32 $0x1FFFFFC0, s26  }
0x605: {  	s28 =	simm.s32 $0xAB80;
	s26 =	sadd.s32 s4, s26  }
0x606: {  	[tilespmem:s28], [sflag:$0x1] =	stream.linear.gather [hbm4b:s26+s25], $0x180, $0x38;
	[tilespmem:$0x10180] =	vst v63  }
0x607: {  	s26 =	spop (v2sf)  }
0x608: {  	(v2sf) =	vpush v0, $0xA;
	s26 =	sand.u32 $0x1FFFFFC0, s26  }
0x609: {  	s28 =	simm.s32 $0xAD80;
	s26 =	sadd.s32 s4, s26  }
0x60a: {  	[tilespmem:s28], [sflag:$0x1] =	stream.linear.gather [hbm4b:s26+s25], $0x180, $0x38;
	[tilespmem:$0x10180] =	vst v63  }
0x60b: {  	s26 =	spop (v2sf)  }
0x60c: {  	(v2sf) =	vpush v0, $0xB;
	s26 =	sand.u32 $0x1FFFFFC0, s26  }
0x60d: {  	s28 =	simm.s32 $0xAF80;
	s26 =	sadd.s32 s4, s26  }
0x60e: {  	[tilespmem:s28], [sflag:$0x1] =	stream.linear.gather [hbm4b:s26+s25], $0x180, $0x38;
	[tilespmem:$0x10180] =	vst v63  }
0x60f: {  	s26 =	spop (v2sf)  }
0x610: {  	(v2sf) =	vpush v0, $0xC;
	s26 =	sand.u32 $0x1FFFFFC0, s26  }
0x611: {  	s28 =	simm.s32 $0xB180;
	s26 =	sadd.s32 s4, s26  }
0x612: {  	[tilespmem:s28], [sflag:$0x1] =	stream.linear.gather [hbm4b:s26+s25], $0x180, $0x38;
	[tilespmem:$0x10180] =	vst v63  }
0x613: {  	s26 =	spop (v2sf)  }
0x614: {  	(v2sf) =	vpush v0, $0xD;
	s26 =	sand.u32 $0x1FFFFFC0, s26  }
0x615: {  	s28 =	simm.s32 $0xB380;
	s26 =	sadd.s32 s4, s26  }
0x616: {  	[tilespmem:s28], [sflag:$0x1] =	stream.linear.gather [hbm4b:s26+s25], $0x180, $0x38;
	[tilespmem:$0x10180] =	vst v63  }
0x617: {  	s26 =	spop (v2sf)  }
0x618: {  	(v2sf) =	vpush v0, $0xE;
	s26 =	sand.u32 $0x1FFFFFC0, s26  }
0x619: {  	s28 =	simm.s32 $0xB580;
	s26 =	sadd.s32 s4, s26  }
0x61a: {  	[tilespmem:s28], [sflag:$0x1] =	stream.linear.gather [hbm4b:s26+s25], $0x180, $0x38;
	[tilespmem:$0x10180] =	vst v63  }
0x61b: {  	s26 =	spop (v2sf)  }
0x61c: {  	(v2sf) =	vpush v0, $0xF;
	s26 =	sand.u32 $0x1FFFFFC0, s26  }
0x61d: {  	s28 =	simm.s32 $0xB780;
	s26 =	sadd.s32 s4, s26  }
0x61e: {  	[tilespmem:s28], [sflag:$0x1] =	stream.linear.gather [hbm4b:s26+s25], $0x180, $0x38;
	[tilespmem:$0x10180] =	vst v63  }
0x61f: {  	s26 =	spop (v2sf)  }
0x620: {  	s26 =	sand.u32 $0x1FFFFFC0, s26  }
0x621: {  	s28 =	simm.s32 $0xB980;
	s26 =	sadd.s32 s4, s26  }
0x622: {  	[tilespmem:s28], [sflag:$0x1] =	stream.linear.gather [hbm4b:s26+s25], $0x180, $0x38;
	[tilespmem:$0x10180] =	vst v63  }
0x623: {  	s26 =	spop (v2sf)  }
0x624: {  	s26 =	sand.u32 $0x1FFFFFC0, s26  }
0x625: {  	s28 =	simm.s32 $0xBB80;
	s26 =	sadd.s32 s4, s26  }
0x626: {  	[tilespmem:s28], [sflag:$0x1] =	stream.linear.gather [hbm4b:s26+s25], $0x180, $0x38;
	[tilespmem:$0x10180] =	vst v63  }
0x627: {  	s26 =	spop (v2sf)  }
0x628: {  	s26 =	sand.u32 $0x1FFFFFC0, s26  }
0x629: {  	s28 =	simm.s32 $0xBD80;
	s26 =	sadd.s32 s4, s26  }
0x62a: {  	[tilespmem:s28], [sflag:$0x1] =	stream.linear.gather [hbm4b:s26+s25], $0x180, $0x38;
	[tilespmem:$0x10180] =	vst v63  }
0x62b: {  	s26 =	spop (v2sf)  }
0x62c: {  	s26 =	sand.u32 $0x1FFFFFC0, s26  }
0x62d: {  	s28 =	simm.s32 $0xBF80;
	s26 =	sadd.s32 s4, s26  }
0x62e: {  	[tilespmem:s28], [sflag:$0x1] =	stream.linear.gather [hbm4b:s26+s25], $0x180, $0x38;
	[tilespmem:$0x10180] =	vst v63  }
0x62f: {  	v62 =	vld [tilespmem:$0x160];
	_ =	sdelay $0x4  }
0x630: {  	v0 =	vshll.u32 v62, $0x6  }
0x631: {  	(v2sf) =	vpush v0, $0x0;
	_ =	sdelay $0x3  }
0x632: {  	(v2sf) =	vpush v0, $0x1;
	_ =	sdelay $0x3  }
0x633: {  	(v2sf) =	vpush v0, $0x2;
	_ =	sdelay $0x3  }
0x634: {  	(v2sf) =	vpush v0, $0x3;
	_ =	sdelay $0x2  }
0x635: {  	s26 =	spop (v2sf)  }
0x636: {  	(v2sf) =	vpush v0, $0x4;
	s26 =	sand.u32 $0x1FFFFFC0, s26  }
0x637: {  	s28 =	simm.s32 $0xC180;
	s26 =	sadd.s32 s4, s26  }
0x638: {  	[tilespmem:s28], [sflag:$0x1] =	stream.linear.gather [hbm4b:s26+s25], $0x180, $0x38;
	[tilespmem:$0x10180] =	vst v63  }
0x639: {  	s26 =	spop (v2sf)  }
0x63a: {  	(v2sf) =	vpush v0, $0x5;
	s26 =	sand.u32 $0x1FFFFFC0, s26  }
0x63b: {  	s28 =	simm.s32 $0xC380;
	s26 =	sadd.s32 s4, s26  }
0x63c: {  	[tilespmem:s28], [sflag:$0x1] =	stream.linear.gather [hbm4b:s26+s25], $0x180, $0x38;
	[tilespmem:$0x10180] =	vst v63  }
0x63d: {  	s26 =	spop (v2sf)  }
0x63e: {  	(v2sf) =	vpush v0, $0x6;
	s26 =	sand.u32 $0x1FFFFFC0, s26  }
0x63f: {  	s28 =	simm.s32 $0xC580;
	s26 =	sadd.s32 s4, s26  }
0x640: {  	[tilespmem:s28], [sflag:$0x1] =	stream.linear.gather [hbm4b:s26+s25], $0x180, $0x38;
	[tilespmem:$0x10180] =	vst v63  }
0x641: {  	s26 =	spop (v2sf)  }
0x642: {  	(v2sf) =	vpush v0, $0x7;
	s26 =	sand.u32 $0x1FFFFFC0, s26  }
0x643: {  	s28 =	simm.s32 $0xC780;
	s26 =	sadd.s32 s4, s26  }
0x644: {  	[tilespmem:s28], [sflag:$0x1] =	stream.linear.gather [hbm4b:s26+s25], $0x180, $0x38;
	[tilespmem:$0x10180] =	vst v63  }
0x645: {  	s26 =	spop (v2sf)  }
0x646: {  	(v2sf) =	vpush v0, $0x8;
	s26 =	sand.u32 $0x1FFFFFC0, s26  }
0x647: {  	s28 =	simm.s32 $0xC980;
	s26 =	sadd.s32 s4, s26  }
0x648: {  	[tilespmem:s28], [sflag:$0x1] =	stream.linear.gather [hbm4b:s26+s25], $0x180, $0x38;
	[tilespmem:$0x10180] =	vst v63  }
0x649: {  	s26 =	spop (v2sf)  }
0x64a: {  	(v2sf) =	vpush v0, $0x9;
	s26 =	sand.u32 $0x1FFFFFC0, s26  }
0x64b: {  	s28 =	simm.s32 $0xCB80;
	s26 =	sadd.s32 s4, s26  }
0x64c: {  	[tilespmem:s28], [sflag:$0x1] =	stream.linear.gather [hbm4b:s26+s25], $0x180, $0x38;
	[tilespmem:$0x10180] =	vst v63  }
0x64d: {  	s26 =	spop (v2sf)  }
0x64e: {  	(v2sf) =	vpush v0, $0xA;
	s26 =	sand.u32 $0x1FFFFFC0, s26  }
0x64f: {  	s28 =	simm.s32 $0xCD80;
	s26 =	sadd.s32 s4, s26  }
0x650: {  	[tilespmem:s28], [sflag:$0x1] =	stream.linear.gather [hbm4b:s26+s25], $0x180, $0x38;
	[tilespmem:$0x10180] =	vst v63  }
0x651: {  	s26 =	spop (v2sf)  }
0x652: {  	(v2sf) =	vpush v0, $0xB;
	s26 =	sand.u32 $0x1FFFFFC0, s26  }
0x653: {  	s28 =	simm.s32 $0xCF80;
	s26 =	sadd.s32 s4, s26  }
0x654: {  	[tilespmem:s28], [sflag:$0x1] =	stream.linear.gather [hbm4b:s26+s25], $0x180, $0x38;
	[tilespmem:$0x10180] =	vst v63  }
0x655: {  	s26 =	spop (v2sf)  }
0x656: {  	(v2sf) =	vpush v0, $0xC;
	s26 =	sand.u32 $0x1FFFFFC0, s26  }
0x657: {  	s28 =	simm.s32 $0xD180;
	s26 =	sadd.s32 s4, s26  }
0x658: {  	[tilespmem:s28], [sflag:$0x1] =	stream.linear.gather [hbm4b:s26+s25], $0x180, $0x38;
	[tilespmem:$0x10180] =	vst v63  }
0x659: {  	s26 =	spop (v2sf)  }
0x65a: {  	(v2sf) =	vpush v0, $0xD;
	s26 =	sand.u32 $0x1FFFFFC0, s26  }
0x65b: {  	s28 =	simm.s32 $0xD380;
	s26 =	sadd.s32 s4, s26  }
0x65c: {  	[tilespmem:s28], [sflag:$0x1] =	stream.linear.gather [hbm4b:s26+s25], $0x180, $0x38;
	[tilespmem:$0x10180] =	vst v63  }
0x65d: {  	s26 =	spop (v2sf)  }
0x65e: {  	(v2sf) =	vpush v0, $0xE;
	s26 =	sand.u32 $0x1FFFFFC0, s26  }
0x65f: {  	s28 =	simm.s32 $0xD580;
	s26 =	sadd.s32 s4, s26  }
0x660: {  	[tilespmem:s28], [sflag:$0x1] =	stream.linear.gather [hbm4b:s26+s25], $0x180, $0x38;
	[tilespmem:$0x10180] =	vst v63  }
0x661: {  	s26 =	spop (v2sf)  }
0x662: {  	(v2sf) =	vpush v0, $0xF;
	s26 =	sand.u32 $0x1FFFFFC0, s26  }
0x663: {  	s28 =	simm.s32 $0xD780;
	s26 =	sadd.s32 s4, s26  }
0x664: {  	[tilespmem:s28], [sflag:$0x1] =	stream.linear.gather [hbm4b:s26+s25], $0x180, $0x38;
	[tilespmem:$0x10180] =	vst v63  }
0x665: {  	s26 =	spop (v2sf)  }
0x666: {  	s26 =	sand.u32 $0x1FFFFFC0, s26  }
0x667: {  	s28 =	simm.s32 $0xD980;
	s26 =	sadd.s32 s4, s26  }
0x668: {  	[tilespmem:s28], [sflag:$0x1] =	stream.linear.gather [hbm4b:s26+s25], $0x180, $0x38;
	[tilespmem:$0x10180] =	vst v63  }
0x669: {  	s26 =	spop (v2sf)  }
0x66a: {  	s26 =	sand.u32 $0x1FFFFFC0, s26  }
0x66b: {  	s28 =	simm.s32 $0xDB80;
	s26 =	sadd.s32 s4, s26  }
0x66c: {  	[tilespmem:s28], [sflag:$0x1] =	stream.linear.gather [hbm4b:s26+s25], $0x180, $0x38;
	[tilespmem:$0x10180] =	vst v63  }
0x66d: {  	s26 =	spop (v2sf)  }
0x66e: {  	s26 =	sand.u32 $0x1FFFFFC0, s26  }
0x66f: {  	s26 =	sadd.s32 s4, s26  }
0x670: {  	[tilespmem:s29], [sflag:$0x1] =	stream.linear.gather [hbm4b:s26+s25], $0x180, $0x38;
	[tilespmem:$0x10180] =	vst v63  }
0x671: {  	s26 =	spop (v2sf)  }
0x672: {  	s26 =	sand.u32 $0x1FFFFFC0, s26  }
0x673: {  	s26 =	sadd.s32 s4, s26  }
0x674: {  	[tilespmem:s30], [sflag:$0x1] =	stream.linear.gather [hbm4b:s26+s25], $0x180, $0x38;
	[tilespmem:$0x10180] =	vst v63  }
0x675: {  	v63 =	vld [tilespmem:$0x170];
	_ =	sdelay $0x4  }
0x676: {  	v0 =	vshll.u32 v63, $0x6  }
0x677: {  	(v2sf) =	vpush v0, $0x0;
	_ =	sdelay $0x3  }
0x678: {  	(v2sf) =	vpush v0, $0x1;
	_ =	sdelay $0x3  }
0x679: {  	(v2sf) =	vpush v0, $0x2;
	_ =	sdelay $0x3  }
0x67a: {  	(v2sf) =	vpush v0, $0x3;
	_ =	sdelay $0x2  }
0x67b: {  	s26 =	spop (v2sf)  }
0x67c: {  	(v2sf) =	vpush v0, $0x4;
	s26 =	sand.u32 $0x1FFFFFC0, s26  }
0x67d: {  	s26 =	sadd.s32 s4, s26  }
0x67e: {  	[tilespmem:s31], [sflag:$0x1] =	stream.linear.gather [hbm4b:s26+s25], $0x180, $0x38;
	[tilespmem:$0x10180] =	vst v63  }
0x67f: {  	s26 =	spop (v2sf)  }
0x680: {  	(v2sf) =	vpush v0, $0x5;
	s26 =	sand.u32 $0x1FFFFFC0, s26  }
0x681: {  	s26 =	sadd.s32 s4, s26  }
0x682: {  	[tilespmem:s0], [sflag:$0x1] =	stream.linear.gather [hbm4b:s26+s25], $0x180, $0x38;
	[tilespmem:$0x10180] =	vst v63  }
0x683: {  	s26 =	spop (v2sf)  }
0x684: {  	(v2sf) =	vpush v0, $0x6;
	s26 =	sand.u32 $0x1FFFFFC0, s26  }
0x685: {  	s26 =	sadd.s32 s4, s26  }
0x686: {  	[tilespmem:s1], [sflag:$0x1] =	stream.linear.gather [hbm4b:s26+s25], $0x180, $0x38;
	[tilespmem:$0x10180] =	vst v63  }
0x687: {  	s26 =	spop (v2sf)  }
0x688: {  	(v2sf) =	vpush v0, $0x7;
	s26 =	sand.u32 $0x1FFFFFC0, s26  }
0x689: {  	s26 =	sadd.s32 s4, s26  }
0x68a: {  	[tilespmem:s13], [sflag:$0x1] =	stream.linear.gather [hbm4b:s26+s25], $0x180, $0x38;
	[tilespmem:$0x10180] =	vst v63  }
0x68b: {  	s26 =	spop (v2sf)  }
0x68c: {  	(v2sf) =	vpush v0, $0x8;
	s26 =	sand.u32 $0x1FFFFFC0, s26  }
0x68d: {  	s26 =	sadd.s32 s4, s26  }
0x68e: {  	[tilespmem:s14], [sflag:$0x1] =	stream.linear.gather [hbm4b:s26+s25], $0x180, $0x38;
	[tilespmem:$0x10180] =	vst v63  }
0x68f: {  	s26 =	spop (v2sf)  }
0x690: {  	(v2sf) =	vpush v0, $0x9;
	s26 =	sand.u32 $0x1FFFFFC0, s26  }
0x691: {  	s26 =	sadd.s32 s4, s26  }
0x692: {  	[tilespmem:s5], [sflag:$0x1] =	stream.linear.gather [hbm4b:s26+s25], $0x180, $0x38;
	[tilespmem:$0x10180] =	vst v63  }
0x693: {  	s26 =	spop (v2sf)  }
0x694: {  	(v2sf) =	vpush v0, $0xA;
	s26 =	sand.u32 $0x1FFFFFC0, s26  }
0x695: {  	s26 =	sadd.s32 s4, s26  }
0x696: {  	(v2sf) =	vpush v0, $0xB;
	[tilespmem:s6], [sflag:$0x1] =	stream.linear.gather [hbm4b:s26+s25], $0x180, $0x38;
	[tilespmem:$0x10180] =	vst v63  }
0x697: {  	s26 =	spop (v2sf)  }
0x698: {  	s26 =	sand.u32 $0x1FFFFFC0, s26  }
0x699: {  	(v2sf) =	vpush v0, $0xC;
	s26 =	sadd.s32 s4, s26  }
0x69a: {  	[tilespmem:s7], [sflag:$0x1] =	stream.linear.gather [hbm4b:s26+s25], $0x180, $0x38;
	[tilespmem:$0x10180] =	vst v63  }
0x69b: {  	s26 =	spop (v2sf)  }
0x69c: {  	(v2sf) =	vpush v0, $0xD;
	s26 =	sand.u32 $0x1FFFFFC0, s26  }
0x69d: {  	s26 =	sadd.s32 s4, s26  }
0x69e: {  	[tilespmem:s11], [sflag:$0x1] =	stream.linear.gather [hbm4b:s26+s25], $0x180, $0x38;
	[tilespmem:$0x10180] =	vst v63  }
0x69f: {  	s26 =	spop (v2sf);
	(v2sf) =	vpush v0, $0xE  }
0x6a0: {  	s26 =	sand.u32 $0x1FFFFFC0, s26  }
0x6a1: {  	s26 =	sadd.s32 s4, s26  }
0x6a2: {  	[tilespmem:s15], [sflag:$0x1] =	stream.linear.gather [hbm4b:s26+s25], $0x180, $0x38;
	[tilespmem:$0x10180] =	vst v63  }
0x6a3: {  	s26 =	spop (v2sf)  }
0x6a4: {  	(v2sf) =	vpush v0, $0xF;
	s26 =	sand.u32 $0x1FFFFFC0, s26  }
0x6a5: {  	s26 =	sadd.s32 s4, s26;
	s28 =	spop (v2sf)  }
0x6a6: {  	[tilespmem:s16], [sflag:$0x1] =	stream.linear.gather [hbm4b:s26+s25], $0x180, $0x38;
	[tilespmem:$0x10180] =	vst v63  }
0x6a7: {  	s26 =	sand.u32 $0x1FFFFFC0, s28  }
0x6a8: {  	s26 =	sadd.s32 s4, s26;
	s28 =	spop (v2sf)  }
0x6a9: {  	[tilespmem:s17], [sflag:$0x1] =	stream.linear.gather [hbm4b:s26+s25], $0x180, $0x38;
	[tilespmem:$0x10180] =	vst v63  }
0x6aa: {  	s26 =	sand.u32 $0x1FFFFFC0, s28  }
0x6ab: {  	s26 =	sadd.s32 s4, s26;
	s28 =	spop (v2sf)  }
0x6ac: {  	[tilespmem:s18], [sflag:$0x1] =	stream.linear.gather [hbm4b:s26+s25], $0x180, $0x38;
	[tilespmem:$0x10180] =	vst v63  }
0x6ad: {  	s26 =	sand.u32 $0x1FFFFFC0, s28  }
0x6ae: {  	s26 =	sadd.s32 s4, s26;
	s28 =	spop (v2sf)  }
0x6af: {  	[tilespmem:s19], [sflag:$0x1] =	stream.linear.gather [hbm4b:s26+s25], $0x180, $0x38;
	[tilespmem:$0x10180] =	vst v63  }
0x6b0: {  	s26 =	sand.u32 $0x1FFFFFC0, s28  }
0x6b1: {  	s26 =	sadd.s32 s4, s26  }
0x6b2: {  	[tilespmem:s20], [sflag:$0x1] =	stream.linear.gather [hbm4b:s26+s25], $0x180, $0x38;
	[tilespmem:$0x10180] =	vst v63  }
0x6b3: {  	s26 =	spop (v2sf)  }
0x6b4: {  	s26 =	sand.u32 $0x1FFFFFC0, s26  }
0x6b5: {  	s26 =	sadd.s32 s4, s26  }
0x6b6: {  	[tilespmem:s21], [sflag:$0x1] =	stream.linear.gather [hbm4b:s26+s25], $0x180, $0x38;
	[tilespmem:$0x10180] =	vst v63  }
0x6b7: {  	_ =	swait.ge [sflag:s22], $0xC000  }
0x6b8: {  	s28 =	sadd.s32 $0x0, s10;
	[sflag:s22] =	ssyncset.done $0x0  }
0x6b9: {  	s25 =	simm.s32 $0x40;
	s26 =	simm.s32 $0x380;
	[sflag:s22] =	ssyncadd.s32 $0xFFFF4000  }
.LBB2_6:
0x6ba: {  	[hbm4b:s28+s2] =	stream.linear.scatter [tilespmem:s24], [sflag:$0x2], $0x180, $0x38;
	[tilespmem:$0x10180] =	vst v63  }
0x6bb: {  	s28 =	smov.u32 s25;
	s24 =	smov.u32 s26;
	p0 =	sne.s32 s25, $0x1FC0  }
.Ltmp2:
0x6bc: {  	s25 =	sadd.s32 $0x40, s25;
	(pc) =	sbr.rel @p0 .LBB2_6-.Ltmp2, $2  }
0x6bd: {  	_ =	sdelay $0x2  }
0x6be: {  	s26 =	sadd.s32 $0x200, s26;
	s28 =	sadd.s32 s28, s10  }
0x6bf: {  	[hbm4b:s28+s2] =	stream.linear.scatter [tilespmem:s24], [sflag:$0x2], $0x180, $0x38;
	[tilespmem:$0x10180] =	vst v63  }
0x6c0: {  	_ =	swait.ge [sflag:s12], $0xC000  }
0x6c1: {  	s23 =	sadd.s32 $0x1, s23;
	s28 =	rddreg [dreg:$0x8]  }
0x6c2: {  	p0 =	sne.s32 s23, s28  }
.Ltmp3:
0x6c3: {  	_ = 	snop;
	(pc) =	sbr.rel @p0 .LBB2_1-.Ltmp3, $3  }
0x6c4: {  	_ =	sdelay $0x1  }
0x6c5: {  	[sflag:s12] =	ssyncset.done $0x0  }
0x6c6: {  	[sflag:s12] =	ssyncadd.s32 $0xFFFF4000  }
0x6c7: {  	_ =	sfence.sel $0x180000  }
0x6c8: {  	[bflag:$0x0] =	sbarrier.arrive $0xFFFF  }
0x6c9: {  	_ =	strace $0x90000047  }
0x6ca: {  	s0 =	stileid.u32;
	[bflag:$0x2] =	sbarrier.arrive $0xFFFF  }
0x6cb: {  	p0 =	sne.s32 s0, $0x0;
	s0 =	rddreg [dreg:$0x4]  }
0x6cc: {  	s0 =	sadd.s32 @!p0 $0x100000, s0  }
0x6cd: {  	[sflag:s0] =	ssyncadd.tile.s32 @!p0 $0x1;
	_ =	shalt  }
.Lfunc_end2:
_tile_overlayer_lowered:
.L_overlay_start_2:
0x6ce: {  	(tag) =	ssettag $0x2  }
0x6cf: {  	s0 =	rddreg [dreg:$0x0];
	s2 =	stileid.u32  }
0x6d0: {  	s1 =	rddreg [dreg:$0x1];
	p0 =	sne.s32 s2, $0x0  }
0x6d1: {  	s3 =	rddreg [dreg:$0x2];
	[bflag:$0x3] =	sbarrier.arrive $0xFFFF;
	s2 =	simm.s32 @!p0 $0x1C02  }
0x6d2: {  	[timem:s3], [sflag:s2] =	dma.local @!p0 [hbm:s0], s1  }
0x6d3: {  	s0 =	simm.s32 @!p0 $0x2  }
0x6d4: {  	_ =	swait.ge @!p0 [sflag:s0], s1  }
0x6d5: {  	s1 =	ssub.s32 @!p0 $0x0, s1;
	[sflag:s0] =	ssyncset.done @!p0 $0x0  }
0x6d6: {  	[sflag:s0] =	ssyncadd.s32 @!p0 s1  }
0x6d7: {  	[bflag:$0x3] =	sbarrier.arrive $0xFFFF  }
0x6d8: {  	_ =	shalt  }

</sc_bundles>
